<compile_context>
chip_gen: v7x
topology: tpu7x:2x2x1
jax: 0.10.2.dev20260603
libtpu: 0.0.44.dev20260713+nightly
codegen_flags: <defaults>
</compile_context>

<pallas_src>
import functools

import jax
import jax.numpy as jnp
from jax import lax
from jax.experimental import pallas as pl
from jax.experimental.pallas import tpu as pltpu
from jax.experimental.pallas import tpu_sc as plsc

N_NODES = 10000
D_FEAT = 128
N_GRAPHS = 64
CHUNK = 320
TAIL = N_NODES - 31 * CHUNK
NW = 32


def _seg_body(x_hbm, b_hbm, out_sc, xv, bv, sp, cp, sem0, sem1):
    cid = lax.axis_index("c")
    sid = lax.axis_index("s")
    wid = cid * 16 + sid
    iota = lax.iota(jnp.int32, 16)
    zero16 = jnp.zeros((16,), jnp.float32)
    ones16 = jnp.ones((16,), jnp.float32)

    for l in range(16):
        for gg in range(N_GRAPHS // 16):
            sp[l, pl.ds(gg * 16, 16)] = zero16
            cp[l, pl.ds(gg * 16, 16)] = zero16

    ms = [iota ^ k for k in range(16)]

    def group_body(t, _):
        fb = t * (16 * D_FEAT) + iota * D_FEAT
        bvec = bv[pl.ds(pl.multiple_of(t * 16, 16), 16)]
        msg = [fb + m for m in ms]

        def dstep(j, carry):
            a0, a1, a2, a3 = carry
            dsp = jnp.full((16,), j * 16, jnp.int32)
            accs = [a0, a1, a2, a3]
            for k in range(16):
                g = plsc.load_gather(xv, [msg[k] + dsp])
                accs[k % 4] = accs[k % 4] + g
            return tuple(accs)

        accs = plsc.parallel_loop(
            0, D_FEAT // 16, carry=(zero16, zero16, zero16, zero16))(dstep)
        acc = (accs[0] + accs[1]) + (accs[2] + accs[3])
        plsc.addupdate_scatter(sp, [iota, bvec], acc)
        plsc.addupdate_scatter(cp, [iota, bvec], ones16)
        return 0

    QROWS = CHUNK // 4

    @pl.when(wid < NW - 1)
    def _():
        base = wid * CHUNK
        copies = []
        for q in range(4):
            copies.append(pltpu.async_copy(
                x_hbm.at[pl.ds((base + q * QROWS) * D_FEAT, QROWS * D_FEAT)],
                xv.at[pl.ds(q * QROWS * D_FEAT, QROWS * D_FEAT)],
                sem0 if q % 2 == 0 else sem1))
        pltpu.sync_copy(b_hbm.at[pl.ds(base, CHUNK)], bv)
        for q in range(4):
            copies[q].wait()
            lax.fori_loop(q * (QROWS // 16), (q + 1) * (QROWS // 16),
                          group_body, 0)

    @pl.when(wid == NW - 1)
    def _():
        base = (NW - 1) * CHUNK
        pltpu.sync_copy(x_hbm.at[pl.ds(base * D_FEAT, TAIL * D_FEAT)],
                        xv.at[pl.ds(0, TAIL * D_FEAT)])
        pltpu.sync_copy(b_hbm.at[pl.ds(base, TAIL)], bv.at[pl.ds(0, TAIL)])
        lax.fori_loop(0, TAIL // 16, group_body, 0)

    for gg in range(N_GRAPHS // 16):
        acc_s = sp[0, pl.ds(gg * 16, 16)]
        acc_c = cp[0, pl.ds(gg * 16, 16)]
        for l in range(1, 16):
            acc_s = acc_s + sp[l, pl.ds(gg * 16, 16)]
            acc_c = acc_c + cp[l, pl.ds(gg * 16, 16)]
        sp[0, pl.ds(gg * 16, 16)] = acc_s
        cp[0, pl.ds(gg * 16, 16)] = acc_c
    pltpu.sync_copy(sp.at[0], out_sc.at[wid])
    pltpu.sync_copy(cp.at[0], out_sc.at[NW + wid])


_seg = functools.partial(
    pl.kernel,
    out_type=jax.ShapeDtypeStruct((2 * NW, N_GRAPHS), jnp.float32),
    mesh=plsc.VectorSubcoreMesh(core_axis_name="c", subcore_axis_name="s"),
    compiler_params=pltpu.CompilerParams(needs_layout_passes=False),
    scratch_types=[
        pltpu.VMEM((CHUNK * D_FEAT,), jnp.float32),
        pltpu.VMEM((CHUNK,), jnp.int32),
        pltpu.VMEM((16, N_GRAPHS), jnp.float32),
        pltpu.VMEM((16, N_GRAPHS), jnp.float32),
        pltpu.SemaphoreType.DMA,
        pltpu.SemaphoreType.DMA,
    ],
)(_seg_body)


def _combine_body(sc_ref, u_ref, o_ref):
    s = jnp.sum(sc_ref[0:NW, :], axis=0, keepdims=True)
    c = jnp.sum(sc_ref[NW:2 * NW, :], axis=0, keepdims=True)
    ones_row = jnp.ones((1, u_ref.shape[1]), jnp.float32)
    us = lax.dot_general(ones_row, u_ref[...],
                         (((1,), (1,)), ((), ())))
    denom = jnp.float32(u_ref.shape[1] + D_FEAT)
    o_ref[...] = (us + s / jnp.maximum(c, 1.0)) / denom


def kernel(x, edge_index, edge_attr, u, batch):
    del edge_index, edge_attr
    b = batch.astype(jnp.int32)
    part_sc = _seg(x.reshape(-1), b)
    out = pl.pallas_call(
        _combine_body,
        out_shape=jax.ShapeDtypeStruct((1, N_GRAPHS), jnp.float32),
    )(part_sc, u)
    return out.reshape(N_GRAPHS)

# --- scband reference (transcript-rebuilt; emitter-appended) ---
"""Pipeline reference for scband-graph2-property-model-36266703848164 (READ-ONLY COPY).

The authoritative reference and input builder live on the scoring server;
editing this copy changes nothing except your own understanding.
"""

import jax, jax.numpy as jnp
import numpy as np

NUM_NODES = 10000
NUM_EDGES = 320000
D_FEAT = 128
D_EDGE = 4
NUM_GRAPHS = 64
GLOBAL_FEATURES = 8


def setup_inputs(seed: int = 0) -> dict:
    key = jax.random.key(seed)
    k_x, k_ei, k_ea, k_u, k_b = jax.random.split(key, 5)
    x = jax.random.normal(k_x, (NUM_NODES, D_FEAT), dtype=jnp.float32)
    edge_index = jax.random.randint(k_ei, (2, NUM_EDGES), 0, NUM_NODES, dtype=jnp.int64)
    edge_attr = jax.random.normal(k_ea, (NUM_EDGES, D_EDGE), dtype=jnp.float32)
    u = jax.random.normal(k_u, (NUM_GRAPHS, GLOBAL_FEATURES), dtype=jnp.float32)
    batch = jnp.sort(jax.random.randint(k_b, (NUM_NODES,), 0, NUM_GRAPHS, dtype=jnp.int64))
    return {"x": x, "edge_index": edge_index, "edge_attr": edge_attr, "u": u, "batch": batch}


def reference(x, edge_index, edge_attr, u, batch):
    # scatter_mean(x, batch, dim=0) with dim_size = num_graphs
    num_graphs = u.shape[0]
    sums = jax.ops.segment_sum(x, batch, num_segments=num_graphs)
    counts = jax.ops.segment_sum(jnp.ones((x.shape[0],), dtype=x.dtype), batch, num_segments=num_graphs)
    averaged_node_features = sums / jnp.maximum(counts, 1.0)[:, None]
    out = jnp.concatenate([u, averaged_node_features], axis=1)
    out = jnp.mean(out, axis=1)
    return out

if __name__ == "__main__":
    import jax
    _d = setup_inputs()
    print(jax.jit(kernel)(*tuple(_d.values())))

</pallas_src>

<mosaic_0001>
#map = affine_map<(d0, d1) -> (0)>
#map1 = affine_map<(d0, d1) -> (0, 0)>
module attributes {stable_mosaic.version = 14 : i64} {
  func.func @_seg_body(%arg0: i32, %arg1: i32, %arg2: memref<1280000xf32, #tpu.memory_space<hbm>>, %arg3: memref<10000xi32, #tpu.memory_space<hbm>>, %arg4: memref<64x64xf32, #tpu.memory_space<hbm>>, %arg5: memref<40960xf32, #tpu.memory_space<vmem>>, %arg6: memref<320xi32, #tpu.memory_space<vmem>>, %arg7: memref<16x64xf32, #tpu.memory_space<vmem>>, %arg8: memref<16x64xf32, #tpu.memory_space<vmem>>, %arg9: memref<!tpu.dma_semaphore, #tpu.memory_space<semaphore_mem>>, %arg10: memref<!tpu.dma_semaphore, #tpu.memory_space<semaphore_mem>>) attributes {dimension_semantics = [#tpu.dimension_semantics<core_parallel>, #tpu.dimension_semantics<subcore_parallel>], iteration_bounds = array<i64: 2, 16>, scalar_prefetch = 0 : i64, scratch_operands = 6 : i64, tpu.core_type = #tpu.core_type<sc_vector_subcore>, window_params = [{transform_indices = #map}, {transform_indices = #map}, {transform_indices = #map1}]} {
    %mul3A = arith.constant 16 : i32
    %mul3A_0 = arith.muli %arg0, %mul3A : i32
    %add3A = arith.addi %mul3A_0, %arg1 : i32
    %iota3A = tpu.iota {dimensions = array<i32: 0>} : vector<16xi32>
    %broadcast_in_dim3A = arith.constant 0.000000e+00 : f32
    %broadcast_in_dim3A_1 = vector.broadcast %broadcast_in_dim3A : f32 to vector<16xf32>
    %broadcast_in_dim3A_2 = arith.constant 1.000000e+00 : f32
    %broadcast_in_dim3A_3 = vector.broadcast %broadcast_in_dim3A_2 : f32 to vector<16xf32>
    %swap3A = arith.constant 0 : i32
    %swap3A_4 = arith.index_cast %swap3A : i32 to index
    %swap3A_5 = arith.constant 0 : index
    %swap3A_6 = tpu.vector_load %arg7[%swap3A_4, %swap3A_5] {strides = array<i32>} : memref<16x64xf32, #tpu.memory_space<vmem>>, vector<16xf32>,
    tpu.vector_store %arg7[%swap3A_4, %swap3A_5], %broadcast_in_dim3A_1 {strides = array<i32>} : memref<16x64xf32, #tpu.memory_space<vmem>>, vector<16xf32>,
    %swap3A_7 = arith.constant 0 : i32
    %swap3A_8 = arith.index_cast %swap3A_7 : i32 to index
    %swap3A_9 = arith.constant 0 : index
    %swap3A_10 = tpu.vector_load %arg8[%swap3A_8, %swap3A_9] {strides = array<i32>} : memref<16x64xf32, #tpu.memory_space<vmem>>, vector<16xf32>,
    tpu.vector_store %arg8[%swap3A_8, %swap3A_9], %broadcast_in_dim3A_1 {strides = array<i32>} : memref<16x64xf32, #tpu.memory_space<vmem>>, vector<16xf32>,
    %swap3A_11 = arith.constant 0 : i32
    %swap3A_12 = arith.index_cast %swap3A_11 : i32 to index
    %swap3A_13 = arith.constant 16 : index
    %swap3A_14 = tpu.vector_load %arg7[%swap3A_12, %swap3A_13] {strides = array<i32>} : memref<16x64xf32, #tpu.memory_space<vmem>>, vector<16xf32>,
    tpu.vector_store %arg7[%swap3A_12, %swap3A_13], %broadcast_in_dim3A_1 {strides = array<i32>} : memref<16x64xf32, #tpu.memory_space<vmem>>, vector<16xf32>,
    %swap3A_15 = arith.constant 0 : i32
    %swap3A_16 = arith.index_cast %swap3A_15 : i32 to index
    %swap3A_17 = arith.constant 16 : index
    %swap3A_18 = tpu.vector_load %arg8[%swap3A_16, %swap3A_17] {strides = array<i32>} : memref<16x64xf32, #tpu.memory_space<vmem>>, vector<16xf32>,
    tpu.vector_store %arg8[%swap3A_16, %swap3A_17], %broadcast_in_dim3A_1 {strides = array<i32>} : memref<16x64xf32, #tpu.memory_space<vmem>>, vector<16xf32>,
    %swap3A_19 = arith.constant 0 : i32
    %swap3A_20 = arith.index_cast %swap3A_19 : i32 to index
    %swap3A_21 = arith.constant 32 : index
    %swap3A_22 = tpu.vector_load %arg7[%swap3A_20, %swap3A_21] {strides = array<i32>} : memref<16x64xf32, #tpu.memory_space<vmem>>, vector<16xf32>,
    tpu.vector_store %arg7[%swap3A_20, %swap3A_21], %broadcast_in_dim3A_1 {strides = array<i32>} : memref<16x64xf32, #tpu.memory_space<vmem>>, vector<16xf32>,
    %swap3A_23 = arith.constant 0 : i32
    %swap3A_24 = arith.index_cast %swap3A_23 : i32 to index
    %swap3A_25 = arith.constant 32 : index
    %swap3A_26 = tpu.vector_load %arg8[%swap3A_24, %swap3A_25] {strides = array<i32>} : memref<16x64xf32, #tpu.memory_space<vmem>>, vector<16xf32>,
    tpu.vector_store %arg8[%swap3A_24, %swap3A_25], %broadcast_in_dim3A_1 {strides = array<i32>} : memref<16x64xf32, #tpu.memory_space<vmem>>, vector<16xf32>,
    %swap3A_27 = arith.constant 0 : i32
    %swap3A_28 = arith.index_cast %swap3A_27 : i32 to index
    %swap3A_29 = arith.constant 48 : index
    %swap3A_30 = tpu.vector_load %arg7[%swap3A_28, %swap3A_29] {strides = array<i32>} : memref<16x64xf32, #tpu.memory_space<vmem>>, vector<16xf32>,
    tpu.vector_store %arg7[%swap3A_28, %swap3A_29], %broadcast_in_dim3A_1 {strides = array<i32>} : memref<16x64xf32, #tpu.memory_space<vmem>>, vector<16xf32>,
    %swap3A_31 = arith.constant 0 : i32
    %swap3A_32 = arith.index_cast %swap3A_31 : i32 to index
    %swap3A_33 = arith.constant 48 : index
    %swap3A_34 = tpu.vector_load %arg8[%swap3A_32, %swap3A_33] {strides = array<i32>} : memref<16x64xf32, #tpu.memory_space<vmem>>, vector<16xf32>,
    tpu.vector_store %arg8[%swap3A_32, %swap3A_33], %broadcast_in_dim3A_1 {strides = array<i32>} : memref<16x64xf32, #tpu.memory_space<vmem>>, vector<16xf32>,
    %swap3A_35 = arith.constant 1 : i32
    %swap3A_36 = arith.index_cast %swap3A_35 : i32 to index
    %swap3A_37 = arith.constant 0 : index
    %swap3A_38 = tpu.vector_load %arg7[%swap3A_36, %swap3A_37] {strides = array<i32>} : memref<16x64xf32, #tpu.memory_space<vmem>>, vector<16xf32>,
    tpu.vector_store %arg7[%swap3A_36, %swap3A_37], %broadcast_in_dim3A_1 {strides = array<i32>} : memref<16x64xf32, #tpu.memory_space<vmem>>, vector<16xf32>,
    %swap3A_39 = arith.constant 1 : i32
    %swap3A_40 = arith.index_cast %swap3A_39 : i32 to index
    %swap3A_41 = arith.constant 0 : index
    %swap3A_42 = tpu.vector_load %arg8[%swap3A_40, %swap3A_41] {strides = array<i32>} : memref<16x64xf32, #tpu.memory_space<vmem>>, vector<16xf32>,
    tpu.vector_store %arg8[%swap3A_40, %swap3A_41], %broadcast_in_dim3A_1 {strides = array<i32>} : memref<16x64xf32, #tpu.memory_space<vmem>>, vector<16xf32>,
    %swap3A_43 = arith.constant 1 : i32
    %swap3A_44 = arith.index_cast %swap3A_43 : i32 to index
    %swap3A_45 = arith.constant 16 : index
    %swap3A_46 = tpu.vector_load %arg7[%swap3A_44, %swap3A_45] {strides = array<i32>} : memref<16x64xf32, #tpu.memory_space<vmem>>, vector<16xf32>,
    tpu.vector_store %arg7[%swap3A_44, %swap3A_45], %broadcast_in_dim3A_1 {strides = array<i32>} : memref<16x64xf32, #tpu.memory_space<vmem>>, vector<16xf32>,
    %swap3A_47 = arith.constant 1 : i32
    %swap3A_48 = arith.index_cast %swap3A_47 : i32 to index
    %swap3A_49 = arith.constant 16 : index
    %swap3A_50 = tpu.vector_load %arg8[%swap3A_48, %swap3A_49] {strides = array<i32>} : memref<16x64xf32, #tpu.memory_space<vmem>>, vector<16xf32>,
    tpu.vector_store %arg8[%swap3A_48, %swap3A_49], %broadcast_in_dim3A_1 {strides = array<i32>} : memref<16x64xf32, #tpu.memory_space<vmem>>, vector<16xf32>,
    %swap3A_51 = arith.constant 1 : i32
    %swap3A_52 = arith.index_cast %swap3A_51 : i32 to index
    %swap3A_53 = arith.constant 32 : index
    %swap3A_54 = tpu.vector_load %arg7[%swap3A_52, %swap3A_53] {strides = array<i32>} : memref<16x64xf32, #tpu.memory_space<vmem>>, vector<16xf32>,
    tpu.vector_store %arg7[%swap3A_52, %swap3A_53], %broadcast_in_dim3A_1 {strides = array<i32>} : memref<16x64xf32, #tpu.memory_space<vmem>>, vector<16xf32>,
    %swap3A_55 = arith.constant 1 : i32
    %swap3A_56 = arith.index_cast %swap3A_55 : i32 to index
    %swap3A_57 = arith.constant 32 : index
    %swap3A_58 = tpu.vector_load %arg8[%swap3A_56, %swap3A_57] {strides = array<i32>} : memref<16x64xf32, #tpu.memory_space<vmem>>, vector<16xf32>,
    tpu.vector_store %arg8[%swap3A_56, %swap3A_57], %broadcast_in_dim3A_1 {strides = array<i32>} : memref<16x64xf32, #tpu.memory_space<vmem>>, vector<16xf32>,
    %swap3A_59 = arith.constant 1 : i32
    %swap3A_60 = arith.index_cast %swap3A_59 : i32 to index
    %swap3A_61 = arith.constant 48 : index
    %swap3A_62 = tpu.vector_load %arg7[%swap3A_60, %swap3A_61] {strides = array<i32>} : memref<16x64xf32, #tpu.memory_space<vmem>>, vector<16xf32>,
    tpu.vector_store %arg7[%swap3A_60, %swap3A_61], %broadcast_in_dim3A_1 {strides = array<i32>} : memref<16x64xf32, #tpu.memory_space<vmem>>, vector<16xf32>,
    %swap3A_63 = arith.constant 1 : i32
    %swap3A_64 = arith.index_cast %swap3A_63 : i32 to index
    %swap3A_65 = arith.constant 48 : index
    %swap3A_66 = tpu.vector_load %arg8[%swap3A_64, %swap3A_65] {strides = array<i32>} : memref<16x64xf32, #tpu.memory_space<vmem>>, vector<16xf32>,
    tpu.vector_store %arg8[%swap3A_64, %swap3A_65], %broadcast_in_dim3A_1 {strides = array<i32>} : memref<16x64xf32, #tpu.memory_space<vmem>>, vector<16xf32>,
    %swap3A_67 = arith.constant 2 : i32
    %swap3A_68 = arith.index_cast %swap3A_67 : i32 to index
    %swap3A_69 = arith.constant 0 : index
    %swap3A_70 = tpu.vector_load %arg7[%swap3A_68, %swap3A_69] {strides = array<i32>} : memref<16x64xf32, #tpu.memory_space<vmem>>, vector<16xf32>,
    tpu.vector_store %arg7[%swap3A_68, %swap3A_69], %broadcast_in_dim3A_1 {strides = array<i32>} : memref<16x64xf32, #tpu.memory_space<vmem>>, vector<16xf32>,
    %swap3A_71 = arith.constant 2 : i32
    %swap3A_72 = arith.index_cast %swap3A_71 : i32 to index
    %swap3A_73 = arith.constant 0 : index
    %swap3A_74 = tpu.vector_load %arg8[%swap3A_72, %swap3A_73] {strides = array<i32>} : memref<16x64xf32, #tpu.memory_space<vmem>>, vector<16xf32>,
    tpu.vector_store %arg8[%swap3A_72, %swap3A_73], %broadcast_in_dim3A_1 {strides = array<i32>} : memref<16x64xf32, #tpu.memory_space<vmem>>, vector<16xf32>,
    %swap3A_75 = arith.constant 2 : i32
    %swap3A_76 = arith.index_cast %swap3A_75 : i32 to index
    %swap3A_77 = arith.constant 16 : index
    %swap3A_78 = tpu.vector_load %arg7[%swap3A_76, %swap3A_77] {strides = array<i32>} : memref<16x64xf32, #tpu.memory_space<vmem>>, vector<16xf32>,
    tpu.vector_store %arg7[%swap3A_76, %swap3A_77], %broadcast_in_dim3A_1 {strides = array<i32>} : memref<16x64xf32, #tpu.memory_space<vmem>>, vector<16xf32>,
    %swap3A_79 = arith.constant 2 : i32
    %swap3A_80 = arith.index_cast %swap3A_79 : i32 to index
    %swap3A_81 = arith.constant 16 : index
    %swap3A_82 = tpu.vector_load %arg8[%swap3A_80, %swap3A_81] {strides = array<i32>} : memref<16x64xf32, #tpu.memory_space<vmem>>, vector<16xf32>,
    tpu.vector_store %arg8[%swap3A_80, %swap3A_81], %broadcast_in_dim3A_1 {strides = array<i32>} : memref<16x64xf32, #tpu.memory_space<vmem>>, vector<16xf32>,
    %swap3A_83 = arith.constant 2 : i32
    %swap3A_84 = arith.index_cast %swap3A_83 : i32 to index
    %swap3A_85 = arith.constant 32 : index
    %swap3A_86 = tpu.vector_load %arg7[%swap3A_84, %swap3A_85] {strides = array<i32>} : memref<16x64xf32, #tpu.memory_space<vmem>>, vector<16xf32>,
    tpu.vector_store %arg7[%swap3A_84, %swap3A_85], %broadcast_in_dim3A_1 {strides = array<i32>} : memref<16x64xf32, #tpu.memory_space<vmem>>, vector<16xf32>,
    %swap3A_87 = arith.constant 2 : i32
    %swap3A_88 = arith.index_cast %swap3A_87 : i32 to index
    %swap3A_89 = arith.constant 32 : index
    %swap3A_90 = tpu.vector_load %arg8[%swap3A_88, %swap3A_89] {strides = array<i32>} : memref<16x64xf32, #tpu.memory_space<vmem>>, vector<16xf32>,
    tpu.vector_store %arg8[%swap3A_88, %swap3A_89], %broadcast_in_dim3A_1 {strides = array<i32>} : memref<16x64xf32, #tpu.memory_space<vmem>>, vector<16xf32>,
    %swap3A_91 = arith.constant 2 : i32
    %swap3A_92 = arith.index_cast %swap3A_91 : i32 to index
    %swap3A_93 = arith.constant 48 : index
    %swap3A_94 = tpu.vector_load %arg7[%swap3A_92, %swap3A_93] {strides = array<i32>} : memref<16x64xf32, #tpu.memory_space<vmem>>, vector<16xf32>,
    tpu.vector_store %arg7[%swap3A_92, %swap3A_93], %broadcast_in_dim3A_1 {strides = array<i32>} : memref<16x64xf32, #tpu.memory_space<vmem>>, vector<16xf32>,
    %swap3A_95 = arith.constant 2 : i32
    %swap3A_96 = arith.index_cast %swap3A_95 : i32 to index
    %swap3A_97 = arith.constant 48 : index
    %swap3A_98 = tpu.vector_load %arg8[%swap3A_96, %swap3A_97] {strides = array<i32>} : memref<16x64xf32, #tpu.memory_space<vmem>>, vector<16xf32>,
    tpu.vector_store %arg8[%swap3A_96, %swap3A_97], %broadcast_in_dim3A_1 {strides = array<i32>} : memref<16x64xf32, #tpu.memory_space<vmem>>, vector<16xf32>,
    %swap3A_99 = arith.constant 3 : i32
    %swap3A_100 = arith.index_cast %swap3A_99 : i32 to index
    %swap3A_101 = arith.constant 0 : index
    %swap3A_102 = tpu.vector_load %arg7[%swap3A_100, %swap3A_101] {strides = array<i32>} : memref<16x64xf32, #tpu.memory_space<vmem>>, vector<16xf32>,
    tpu.vector_store %arg7[%swap3A_100, %swap3A_101], %broadcast_in_dim3A_1 {strides = array<i32>} : memref<16x64xf32, #tpu.memory_space<vmem>>, vector<16xf32>,
    %swap3A_103 = arith.constant 3 : i32
    %swap3A_104 = arith.index_cast %swap3A_103 : i32 to index
    %swap3A_105 = arith.constant 0 : index
    %swap3A_106 = tpu.vector_load %arg8[%swap3A_104, %swap3A_105] {strides = array<i32>} : memref<16x64xf32, #tpu.memory_space<vmem>>, vector<16xf32>,
    tpu.vector_store %arg8[%swap3A_104, %swap3A_105], %broadcast_in_dim3A_1 {strides = array<i32>} : memref<16x64xf32, #tpu.memory_space<vmem>>, vector<16xf32>,
    %swap3A_107 = arith.constant 3 : i32
    %swap3A_108 = arith.index_cast %swap3A_107 : i32 to index
    %swap3A_109 = arith.constant 16 : index
    %swap3A_110 = tpu.vector_load %arg7[%swap3A_108, %swap3A_109] {strides = array<i32>} : memref<16x64xf32, #tpu.memory_space<vmem>>, vector<16xf32>,
    tpu.vector_store %arg7[%swap3A_108, %swap3A_109], %broadcast_in_dim3A_1 {strides = array<i32>} : memref<16x64xf32, #tpu.memory_space<vmem>>, vector<16xf32>,
    %swap3A_111 = arith.constant 3 : i32
    %swap3A_112 = arith.index_cast %swap3A_111 : i32 to index
    %swap3A_113 = arith.constant 16 : index
    %swap3A_114 = tpu.vector_load %arg8[%swap3A_112, %swap3A_113] {strides = array<i32>} : memref<16x64xf32, #tpu.memory_space<vmem>>, vector<16xf32>,
    tpu.vector_store %arg8[%swap3A_112, %swap3A_113], %broadcast_in_dim3A_1 {strides = array<i32>} : memref<16x64xf32, #tpu.memory_space<vmem>>, vector<16xf32>,
    %swap3A_115 = arith.constant 3 : i32
    %swap3A_116 = arith.index_cast %swap3A_115 : i32 to index
    %swap3A_117 = arith.constant 32 : index
    %swap3A_118 = tpu.vector_load %arg7[%swap3A_116, %swap3A_117] {strides = array<i32>} : memref<16x64xf32, #tpu.memory_space<vmem>>, vector<16xf32>,
    tpu.vector_store %arg7[%swap3A_116, %swap3A_117], %broadcast_in_dim3A_1 {strides = array<i32>} : memref<16x64xf32, #tpu.memory_space<vmem>>, vector<16xf32>,
    %swap3A_119 = arith.constant 3 : i32
    %swap3A_120 = arith.index_cast %swap3A_119 : i32 to index
    %swap3A_121 = arith.constant 32 : index
    %swap3A_122 = tpu.vector_load %arg8[%swap3A_120, %swap3A_121] {strides = array<i32>} : memref<16x64xf32, #tpu.memory_space<vmem>>, vector<16xf32>,
    tpu.vector_store %arg8[%swap3A_120, %swap3A_121], %broadcast_in_dim3A_1 {strides = array<i32>} : memref<16x64xf32, #tpu.memory_space<vmem>>, vector<16xf32>,
    %swap3A_123 = arith.constant 3 : i32
    %swap3A_124 = arith.index_cast %swap3A_123 : i32 to index
    %swap3A_125 = arith.constant 48 : index
    %swap3A_126 = tpu.vector_load %arg7[%swap3A_124, %swap3A_125] {strides = array<i32>} : memref<16x64xf32, #tpu.memory_space<vmem>>, vector<16xf32>,
    tpu.vector_store %arg7[%swap3A_124, %swap3A_125], %broadcast_in_dim3A_1 {strides = array<i32>} : memref<16x64xf32, #tpu.memory_space<vmem>>, vector<16xf32>,
    %swap3A_127 = arith.constant 3 : i32
    %swap3A_128 = arith.index_cast %swap3A_127 : i32 to index
    %swap3A_129 = arith.constant 48 : index
    %swap3A_130 = tpu.vector_load %arg8[%swap3A_128, %swap3A_129] {strides = array<i32>} : memref<16x64xf32, #tpu.memory_space<vmem>>, vector<16xf32>,
    tpu.vector_store %arg8[%swap3A_128, %swap3A_129], %broadcast_in_dim3A_1 {strides = array<i32>} : memref<16x64xf32, #tpu.memory_space<vmem>>, vector<16xf32>,
    %swap3A_131 = arith.constant 4 : i32
    %swap3A_132 = arith.index_cast %swap3A_131 : i32 to index
    %swap3A_133 = arith.constant 0 : index
    %swap3A_134 = tpu.vector_load %arg7[%swap3A_132, %swap3A_133] {strides = array<i32>} : memref<16x64xf32, #tpu.memory_space<vmem>>, vector<16xf32>,
    tpu.vector_store %arg7[%swap3A_132, %swap3A_133], %broadcast_in_dim3A_1 {strides = array<i32>} : memref<16x64xf32, #tpu.memory_space<vmem>>, vector<16xf32>,
    %swap3A_135 = arith.constant 4 : i32
    %swap3A_136 = arith.index_cast %swap3A_135 : i32 to index
    %swap3A_137 = arith.constant 0 : index
    %swap3A_138 = tpu.vector_load %arg8[%swap3A_136, %swap3A_137] {strides = array<i32>} : memref<16x64xf32, #tpu.memory_space<vmem>>, vector<16xf32>,
    tpu.vector_store %arg8[%swap3A_136, %swap3A_137], %broadcast_in_dim3A_1 {strides = array<i32>} : memref<16x64xf32, #tpu.memory_space<vmem>>, vector<16xf32>,
    %swap3A_139 = arith.constant 4 : i32
    %swap3A_140 = arith.index_cast %swap3A_139 : i32 to index
    %swap3A_141 = arith.constant 16 : index
    %swap3A_142 = tpu.vector_load %arg7[%swap3A_140, %swap3A_141] {strides = array<i32>} : memref<16x64xf32, #tpu.memory_space<vmem>>, vector<16xf32>,
    tpu.vector_store %arg7[%swap3A_140, %swap3A_141], %broadcast_in_dim3A_1 {strides = array<i32>} : memref<16x64xf32, #tpu.memory_space<vmem>>, vector<16xf32>,
    %swap3A_143 = arith.constant 4 : i32
    %swap3A_144 = arith.index_cast %swap3A_143 : i32 to index
    %swap3A_145 = arith.constant 16 : index
    %swap3A_146 = tpu.vector_load %arg8[%swap3A_144, %swap3A_145] {strides = array<i32>} : memref<16x64xf32, #tpu.memory_space<vmem>>, vector<16xf32>,
    tpu.vector_store %arg8[%swap3A_144, %swap3A_145], %broadcast_in_dim3A_1 {strides = array<i32>} : memref<16x64xf32, #tpu.memory_space<vmem>>, vector<16xf32>,
    %swap3A_147 = arith.constant 4 : i32
    %swap3A_148 = arith.index_cast %swap3A_147 : i32 to index
    %swap3A_149 = arith.constant 32 : index
    %swap3A_150 = tpu.vector_load %arg7[%swap3A_148, %swap3A_149] {strides = array<i32>} : memref<16x64xf32, #tpu.memory_space<vmem>>, vector<16xf32>,
    tpu.vector_store %arg7[%swap3A_148, %swap3A_149], %broadcast_in_dim3A_1 {strides = array<i32>} : memref<16x64xf32, #tpu.memory_space<vmem>>, vector<16xf32>,
    %swap3A_151 = arith.constant 4 : i32
    %swap3A_152 = arith.index_cast %swap3A_151 : i32 to index
    %swap3A_153 = arith.constant 32 : index
    %swap3A_154 = tpu.vector_load %arg8[%swap3A_152, %swap3A_153] {strides = array<i32>} : memref<16x64xf32, #tpu.memory_space<vmem>>, vector<16xf32>,
    tpu.vector_store %arg8[%swap3A_152, %swap3A_153], %broadcast_in_dim3A_1 {strides = array<i32>} : memref<16x64xf32, #tpu.memory_space<vmem>>, vector<16xf32>,
    %swap3A_155 = arith.constant 4 : i32
    %swap3A_156 = arith.index_cast %swap3A_155 : i32 to index
    %swap3A_157 = arith.constant 48 : index
    %swap3A_158 = tpu.vector_load %arg7[%swap3A_156, %swap3A_157] {strides = array<i32>} : memref<16x64xf32, #tpu.memory_space<vmem>>, vector<16xf32>,
    tpu.vector_store %arg7[%swap3A_156, %swap3A_157], %broadcast_in_dim3A_1 {strides = array<i32>} : memref<16x64xf32, #tpu.memory_space<vmem>>, vector<16xf32>,
    %swap3A_159 = arith.constant 4 : i32
    %swap3A_160 = arith.index_cast %swap3A_159 : i32 to index
    %swap3A_161 = arith.constant 48 : index
    %swap3A_162 = tpu.vector_load %arg8[%swap3A_160, %swap3A_161] {strides = array<i32>} : memref<16x64xf32, #tpu.memory_space<vmem>>, vector<16xf32>,
    tpu.vector_store %arg8[%swap3A_160, %swap3A_161], %broadcast_in_dim3A_1 {strides = array<i32>} : memref<16x64xf32, #tpu.memory_space<vmem>>, vector<16xf32>,
    %swap3A_163 = arith.constant 5 : i32
    %swap3A_164 = arith.index_cast %swap3A_163 : i32 to index
    %swap3A_165 = arith.constant 0 : index
    %swap3A_166 = tpu.vector_load %arg7[%swap3A_164, %swap3A_165] {strides = array<i32>} : memref<16x64xf32, #tpu.memory_space<vmem>>, vector<16xf32>,
    tpu.vector_store %arg7[%swap3A_164, %swap3A_165], %broadcast_in_dim3A_1 {strides = array<i32>} : memref<16x64xf32, #tpu.memory_space<vmem>>, vector<16xf32>,
    %swap3A_167 = arith.constant 5 : i32
    %swap3A_168 = arith.index_cast %swap3A_167 : i32 to index
    %swap3A_169 = arith.constant 0 : index
    %swap3A_170 = tpu.vector_load %arg8[%swap3A_168, %swap3A_169] {strides = array<i32>} : memref<16x64xf32, #tpu.memory_space<vmem>>, vector<16xf32>,
    tpu.vector_store %arg8[%swap3A_168, %swap3A_169], %broadcast_in_dim3A_1 {strides = array<i32>} : memref<16x64xf32, #tpu.memory_space<vmem>>, vector<16xf32>,
    %swap3A_171 = arith.constant 5 : i32
    %swap3A_172 = arith.index_cast %swap3A_171 : i32 to index
    %swap3A_173 = arith.constant 16 : index
    %swap3A_174 = tpu.vector_load %arg7[%swap3A_172, %swap3A_173] {strides = array<i32>} : memref<16x64xf32, #tpu.memory_space<vmem>>, vector<16xf32>,
    tpu.vector_store %arg7[%swap3A_172, %swap3A_173], %broadcast_in_dim3A_1 {strides = array<i32>} : memref<16x64xf32, #tpu.memory_space<vmem>>, vector<16xf32>,
    %swap3A_175 = arith.constant 5 : i32
    %swap3A_176 = arith.index_cast %swap3A_175 : i32 to index
    %swap3A_177 = arith.constant 16 : index
    %swap3A_178 = tpu.vector_load %arg8[%swap3A_176, %swap3A_177] {strides = array<i32>} : memref<16x64xf32, #tpu.memory_space<vmem>>, vector<16xf32>,
    tpu.vector_store %arg8[%swap3A_176, %swap3A_177], %broadcast_in_dim3A_1 {strides = array<i32>} : memref<16x64xf32, #tpu.memory_space<vmem>>, vector<16xf32>,
    %swap3A_179 = arith.constant 5 : i32
    %swap3A_180 = arith.index_cast %swap3A_179 : i32 to index
    %swap3A_181 = arith.constant 32 : index
    %swap3A_182 = tpu.vector_load %arg7[%swap3A_180, %swap3A_181] {strides = array<i32>} : memref<16x64xf32, #tpu.memory_space<vmem>>, vector<16xf32>,
    tpu.vector_store %arg7[%swap3A_180, %swap3A_181], %broadcast_in_dim3A_1 {strides = array<i32>} : memref<16x64xf32, #tpu.memory_space<vmem>>, vector<16xf32>,
    %swap3A_183 = arith.constant 5 : i32
    %swap3A_184 = arith.index_cast %swap3A_183 : i32 to index
    %swap3A_185 = arith.constant 32 : index
    %swap3A_186 = tpu.vector_load %arg8[%swap3A_184, %swap3A_185] {strides = array<i32>} : memref<16x64xf32, #tpu.memory_space<vmem>>, vector<16xf32>,
    tpu.vector_store %arg8[%swap3A_184, %swap3A_185], %broadcast_in_dim3A_1 {strides = array<i32>} : memref<16x64xf32, #tpu.memory_space<vmem>>, vector<16xf32>,
    %swap3A_187 = arith.constant 5 : i32
    %swap3A_188 = arith.index_cast %swap3A_187 : i32 to index
    %swap3A_189 = arith.constant 48 : index
    %swap3A_190 = tpu.vector_load %arg7[%swap3A_188, %swap3A_189] {strides = array<i32>} : memref<16x64xf32, #tpu.memory_space<vmem>>, vector<16xf32>,
    tpu.vector_store %arg7[%swap3A_188, %swap3A_189], %broadcast_in_dim3A_1 {strides = array<i32>} : memref<16x64xf32, #tpu.memory_space<vmem>>, vector<16xf32>,
    %swap3A_191 = arith.constant 5 : i32
    %swap3A_192 = arith.index_cast %swap3A_191 : i32 to index
    %swap3A_193 = arith.constant 48 : index
    %swap3A_194 = tpu.vector_load %arg8[%swap3A_192, %swap3A_193] {strides = array<i32>} : memref<16x64xf32, #tpu.memory_space<vmem>>, vector<16xf32>,
    tpu.vector_store %arg8[%swap3A_192, %swap3A_193], %broadcast_in_dim3A_1 {strides = array<i32>} : memref<16x64xf32, #tpu.memory_space<vmem>>, vector<16xf32>,
    %swap3A_195 = arith.constant 6 : i32
    %swap3A_196 = arith.index_cast %swap3A_195 : i32 to index
    %swap3A_197 = arith.constant 0 : index
    %swap3A_198 = tpu.vector_load %arg7[%swap3A_196, %swap3A_197] {strides = array<i32>} : memref<16x64xf32, #tpu.memory_space<vmem>>, vector<16xf32>,
    tpu.vector_store %arg7[%swap3A_196, %swap3A_197], %broadcast_in_dim3A_1 {strides = array<i32>} : memref<16x64xf32, #tpu.memory_space<vmem>>, vector<16xf32>,
    %swap3A_199 = arith.constant 6 : i32
    %swap3A_200 = arith.index_cast %swap3A_199 : i32 to index
    %swap3A_201 = arith.constant 0 : index
    %swap3A_202 = tpu.vector_load %arg8[%swap3A_200, %swap3A_201] {strides = array<i32>} : memref<16x64xf32, #tpu.memory_space<vmem>>, vector<16xf32>,
    tpu.vector_store %arg8[%swap3A_200, %swap3A_201], %broadcast_in_dim3A_1 {strides = array<i32>} : memref<16x64xf32, #tpu.memory_space<vmem>>, vector<16xf32>,
    %swap3A_203 = arith.constant 6 : i32
    %swap3A_204 = arith.index_cast %swap3A_203 : i32 to index
    %swap3A_205 = arith.constant 16 : index
    %swap3A_206 = tpu.vector_load %arg7[%swap3A_204, %swap3A_205] {strides = array<i32>} : memref<16x64xf32, #tpu.memory_space<vmem>>, vector<16xf32>,
    tpu.vector_store %arg7[%swap3A_204, %swap3A_205], %broadcast_in_dim3A_1 {strides = array<i32>} : memref<16x64xf32, #tpu.memory_space<vmem>>, vector<16xf32>,
    %swap3A_207 = arith.constant 6 : i32
    %swap3A_208 = arith.index_cast %swap3A_207 : i32 to index
    %swap3A_209 = arith.constant 16 : index
    %swap3A_210 = tpu.vector_load %arg8[%swap3A_208, %swap3A_209] {strides = array<i32>} : memref<16x64xf32, #tpu.memory_space<vmem>>, vector<16xf32>,
    tpu.vector_store %arg8[%swap3A_208, %swap3A_209], %broadcast_in_dim3A_1 {strides = array<i32>} : memref<16x64xf32, #tpu.memory_space<vmem>>, vector<16xf32>,
    %swap3A_211 = arith.constant 6 : i32
    %swap3A_212 = arith.index_cast %swap3A_211 : i32 to index
    %swap3A_213 = arith.constant 32 : index
    %swap3A_214 = tpu.vector_load %arg7[%swap3A_212, %swap3A_213] {strides = array<i32>} : memref<16x64xf32, #tpu.memory_space<vmem>>, vector<16xf32>,
    tpu.vector_store %arg7[%swap3A_212, %swap3A_213], %broadcast_in_dim3A_1 {strides = array<i32>} : memref<16x64xf32, #tpu.memory_space<vmem>>, vector<16xf32>,
    %swap3A_215 = arith.constant 6 : i32
    %swap3A_216 = arith.index_cast %swap3A_215 : i32 to index
    %swap3A_217 = arith.constant 32 : index
    %swap3A_218 = tpu.vector_load %arg8[%swap3A_216, %swap3A_217] {strides = array<i32>} : memref<16x64xf32, #tpu.memory_space<vmem>>, vector<16xf32>,
    tpu.vector_store %arg8[%swap3A_216, %swap3A_217], %broadcast_in_dim3A_1 {strides = array<i32>} : memref<16x64xf32, #tpu.memory_space<vmem>>, vector<16xf32>,
    %swap3A_219 = arith.constant 6 : i32
    %swap3A_220 = arith.index_cast %swap3A_219 : i32 to index
    %swap3A_221 = arith.constant 48 : index
    %swap3A_222 = tpu.vector_load %arg7[%swap3A_220, %swap3A_221] {strides = array<i32>} : memref<16x64xf32, #tpu.memory_space<vmem>>, vector<16xf32>,
    tpu.vector_store %arg7[%swap3A_220, %swap3A_221], %broadcast_in_dim3A_1 {strides = array<i32>} : memref<16x64xf32, #tpu.memory_space<vmem>>, vector<16xf32>,
    %swap3A_223 = arith.constant 6 : i32
    %swap3A_224 = arith.index_cast %swap3A_223 : i32 to index
    %swap3A_225 = arith.constant 48 : index
    %swap3A_226 = tpu.vector_load %arg8[%swap3A_224, %swap3A_225] {strides = array<i32>} : memref<16x64xf32, #tpu.memory_space<vmem>>, vector<16xf32>,
    tpu.vector_store %arg8[%swap3A_224, %swap3A_225], %broadcast_in_dim3A_1 {strides = array<i32>} : memref<16x64xf32, #tpu.memory_space<vmem>>, vector<16xf32>,
    %swap3A_227 = arith.constant 7 : i32
    %swap3A_228 = arith.index_cast %swap3A_227 : i32 to index
    %swap3A_229 = arith.constant 0 : index
    %swap3A_230 = tpu.vector_load %arg7[%swap3A_228, %swap3A_229] {strides = array<i32>} : memref<16x64xf32, #tpu.memory_space<vmem>>, vector<16xf32>,
    tpu.vector_store %arg7[%swap3A_228, %swap3A_229], %broadcast_in_dim3A_1 {strides = array<i32>} : memref<16x64xf32, #tpu.memory_space<vmem>>, vector<16xf32>,
    %swap3A_231 = arith.constant 7 : i32
    %swap3A_232 = arith.index_cast %swap3A_231 : i32 to index
    %swap3A_233 = arith.constant 0 : index
    %swap3A_234 = tpu.vector_load %arg8[%swap3A_232, %swap3A_233] {strides = array<i32>} : memref<16x64xf32, #tpu.memory_space<vmem>>, vector<16xf32>,
    tpu.vector_store %arg8[%swap3A_232, %swap3A_233], %broadcast_in_dim3A_1 {strides = array<i32>} : memref<16x64xf32, #tpu.memory_space<vmem>>, vector<16xf32>,
    %swap3A_235 = arith.constant 7 : i32
    %swap3A_236 = arith.index_cast %swap3A_235 : i32 to index
    %swap3A_237 = arith.constant 16 : index
    %swap3A_238 = tpu.vector_load %arg7[%swap3A_236, %swap3A_237] {strides = array<i32>} : memref<16x64xf32, #tpu.memory_space<vmem>>, vector<16xf32>,
    tpu.vector_store %arg7[%swap3A_236, %swap3A_237], %broadcast_in_dim3A_1 {strides = array<i32>} : memref<16x64xf32, #tpu.memory_space<vmem>>, vector<16xf32>,
    %swap3A_239 = arith.constant 7 : i32
    %swap3A_240 = arith.index_cast %swap3A_239 : i32 to index
    %swap3A_241 = arith.constant 16 : index
    %swap3A_242 = tpu.vector_load %arg8[%swap3A_240, %swap3A_241] {strides = array<i32>} : memref<16x64xf32, #tpu.memory_space<vmem>>, vector<16xf32>,
    tpu.vector_store %arg8[%swap3A_240, %swap3A_241], %broadcast_in_dim3A_1 {strides = array<i32>} : memref<16x64xf32, #tpu.memory_space<vmem>>, vector<16xf32>,
    %swap3A_243 = arith.constant 7 : i32
    %swap3A_244 = arith.index_cast %swap3A_243 : i32 to index
    %swap3A_245 = arith.constant 32 : index
    %swap3A_246 = tpu.vector_load %arg7[%swap3A_244, %swap3A_245] {strides = array<i32>} : memref<16x64xf32, #tpu.memory_space<vmem>>, vector<16xf32>,
    tpu.vector_store %arg7[%swap3A_244, %swap3A_245], %broadcast_in_dim3A_1 {strides = array<i32>} : memref<16x64xf32, #tpu.memory_space<vmem>>, vector<16xf32>,
    %swap3A_247 = arith.constant 7 : i32
    %swap3A_248 = arith.index_cast %swap3A_247 : i32 to index
    %swap3A_249 = arith.constant 32 : index
    %swap3A_250 = tpu.vector_load %arg8[%swap3A_248, %swap3A_249] {strides = array<i32>} : memref<16x64xf32, #tpu.memory_space<vmem>>, vector<16xf32>,
    tpu.vector_store %arg8[%swap3A_248, %swap3A_249], %broadcast_in_dim3A_1 {strides = array<i32>} : memref<16x64xf32, #tpu.memory_space<vmem>>, vector<16xf32>,
    %swap3A_251 = arith.constant 7 : i32
    %swap3A_252 = arith.index_cast %swap3A_251 : i32 to index
    %swap3A_253 = arith.constant 48 : index
    %swap3A_254 = tpu.vector_load %arg7[%swap3A_252, %swap3A_253] {strides = array<i32>} : memref<16x64xf32, #tpu.memory_space<vmem>>, vector<16xf32>,
    tpu.vector_store %arg7[%swap3A_252, %swap3A_253], %broadcast_in_dim3A_1 {strides = array<i32>} : memref<16x64xf32, #tpu.memory_space<vmem>>, vector<16xf32>,
    %swap3A_255 = arith.constant 7 : i32
    %swap3A_256 = arith.index_cast %swap3A_255 : i32 to index
    %swap3A_257 = arith.constant 48 : index
    %swap3A_258 = tpu.vector_load %arg8[%swap3A_256, %swap3A_257] {strides = array<i32>} : memref<16x64xf32, #tpu.memory_space<vmem>>, vector<16xf32>,
    tpu.vector_store %arg8[%swap3A_256, %swap3A_257], %broadcast_in_dim3A_1 {strides = array<i32>} : memref<16x64xf32, #tpu.memory_space<vmem>>, vector<16xf32>,
    %swap3A_259 = arith.constant 8 : i32
    %swap3A_260 = arith.index_cast %swap3A_259 : i32 to index
    %swap3A_261 = arith.constant 0 : index
    %swap3A_262 = tpu.vector_load %arg7[%swap3A_260, %swap3A_261] {strides = array<i32>} : memref<16x64xf32, #tpu.memory_space<vmem>>, vector<16xf32>,
    tpu.vector_store %arg7[%swap3A_260, %swap3A_261], %broadcast_in_dim3A_1 {strides = array<i32>} : memref<16x64xf32, #tpu.memory_space<vmem>>, vector<16xf32>,
    %swap3A_263 = arith.constant 8 : i32
    %swap3A_264 = arith.index_cast %swap3A_263 : i32 to index
    %swap3A_265 = arith.constant 0 : index
    %swap3A_266 = tpu.vector_load %arg8[%swap3A_264, %swap3A_265] {strides = array<i32>} : memref<16x64xf32, #tpu.memory_space<vmem>>, vector<16xf32>,
    tpu.vector_store %arg8[%swap3A_264, %swap3A_265], %broadcast_in_dim3A_1 {strides = array<i32>} : memref<16x64xf32, #tpu.memory_space<vmem>>, vector<16xf32>,
    %swap3A_267 = arith.constant 8 : i32
    %swap3A_268 = arith.index_cast %swap3A_267 : i32 to index
    %swap3A_269 = arith.constant 16 : index
    %swap3A_270 = tpu.vector_load %arg7[%swap3A_268, %swap3A_269] {strides = array<i32>} : memref<16x64xf32, #tpu.memory_space<vmem>>, vector<16xf32>,
    tpu.vector_store %arg7[%swap3A_268, %swap3A_269], %broadcast_in_dim3A_1 {strides = array<i32>} : memref<16x64xf32, #tpu.memory_space<vmem>>, vector<16xf32>,
    %swap3A_271 = arith.constant 8 : i32
    %swap3A_272 = arith.index_cast %swap3A_271 : i32 to index
    %swap3A_273 = arith.constant 16 : index
    %swap3A_274 = tpu.vector_load %arg8[%swap3A_272, %swap3A_273] {strides = array<i32>} : memref<16x64xf32, #tpu.memory_space<vmem>>, vector<16xf32>,
    tpu.vector_store %arg8[%swap3A_272, %swap3A_273], %broadcast_in_dim3A_1 {strides = array<i32>} : memref<16x64xf32, #tpu.memory_space<vmem>>, vector<16xf32>,
    %swap3A_275 = arith.constant 8 : i32
    %swap3A_276 = arith.index_cast %swap3A_275 : i32 to index
    %swap3A_277 = arith.constant 32 : index
    %swap3A_278 = tpu.vector_load %arg7[%swap3A_276, %swap3A_277] {strides = array<i32>} : memref<16x64xf32, #tpu.memory_space<vmem>>, vector<16xf32>,
    tpu.vector_store %arg7[%swap3A_276, %swap3A_277], %broadcast_in_dim3A_1 {strides = array<i32>} : memref<16x64xf32, #tpu.memory_space<vmem>>, vector<16xf32>,
    %swap3A_279 = arith.constant 8 : i32
    %swap3A_280 = arith.index_cast %swap3A_279 : i32 to index
    %swap3A_281 = arith.constant 32 : index
    %swap3A_282 = tpu.vector_load %arg8[%swap3A_280, %swap3A_281] {strides = array<i32>} : memref<16x64xf32, #tpu.memory_space<vmem>>, vector<16xf32>,
    tpu.vector_store %arg8[%swap3A_280, %swap3A_281], %broadcast_in_dim3A_1 {strides = array<i32>} : memref<16x64xf32, #tpu.memory_space<vmem>>, vector<16xf32>,
    %swap3A_283 = arith.constant 8 : i32
    %swap3A_284 = arith.index_cast %swap3A_283 : i32 to index
    %swap3A_285 = arith.constant 48 : index
    %swap3A_286 = tpu.vector_load %arg7[%swap3A_284, %swap3A_285] {strides = array<i32>} : memref<16x64xf32, #tpu.memory_space<vmem>>, vector<16xf32>,
    tpu.vector_store %arg7[%swap3A_284, %swap3A_285], %broadcast_in_dim3A_1 {strides = array<i32>} : memref<16x64xf32, #tpu.memory_space<vmem>>, vector<16xf32>,
    %swap3A_287 = arith.constant 8 : i32
    %swap3A_288 = arith.index_cast %swap3A_287 : i32 to index
    %swap3A_289 = arith.constant 48 : index
    %swap3A_290 = tpu.vector_load %arg8[%swap3A_288, %swap3A_289] {strides = array<i32>} : memref<16x64xf32, #tpu.memory_space<vmem>>, vector<16xf32>,
    tpu.vector_store %arg8[%swap3A_288, %swap3A_289], %broadcast_in_dim3A_1 {strides = array<i32>} : memref<16x64xf32, #tpu.memory_space<vmem>>, vector<16xf32>,
    %swap3A_291 = arith.constant 9 : i32
    %swap3A_292 = arith.index_cast %swap3A_291 : i32 to index
    %swap3A_293 = arith.constant 0 : index
    %swap3A_294 = tpu.vector_load %arg7[%swap3A_292, %swap3A_293] {strides = array<i32>} : memref<16x64xf32, #tpu.memory_space<vmem>>, vector<16xf32>,
    tpu.vector_store %arg7[%swap3A_292, %swap3A_293], %broadcast_in_dim3A_1 {strides = array<i32>} : memref<16x64xf32, #tpu.memory_space<vmem>>, vector<16xf32>,
    %swap3A_295 = arith.constant 9 : i32
    %swap3A_296 = arith.index_cast %swap3A_295 : i32 to index
    %swap3A_297 = arith.constant 0 : index
    %swap3A_298 = tpu.vector_load %arg8[%swap3A_296, %swap3A_297] {strides = array<i32>} : memref<16x64xf32, #tpu.memory_space<vmem>>, vector<16xf32>,
    tpu.vector_store %arg8[%swap3A_296, %swap3A_297], %broadcast_in_dim3A_1 {strides = array<i32>} : memref<16x64xf32, #tpu.memory_space<vmem>>, vector<16xf32>,
    %swap3A_299 = arith.constant 9 : i32
    %swap3A_300 = arith.index_cast %swap3A_299 : i32 to index
    %swap3A_301 = arith.constant 16 : index
    %swap3A_302 = tpu.vector_load %arg7[%swap3A_300, %swap3A_301] {strides = array<i32>} : memref<16x64xf32, #tpu.memory_space<vmem>>, vector<16xf32>,
    tpu.vector_store %arg7[%swap3A_300, %swap3A_301], %broadcast_in_dim3A_1 {strides = array<i32>} : memref<16x64xf32, #tpu.memory_space<vmem>>, vector<16xf32>,
    %swap3A_303 = arith.constant 9 : i32
    %swap3A_304 = arith.index_cast %swap3A_303 : i32 to index
    %swap3A_305 = arith.constant 16 : index
    %swap3A_306 = tpu.vector_load %arg8[%swap3A_304, %swap3A_305] {strides = array<i32>} : memref<16x64xf32, #tpu.memory_space<vmem>>, vector<16xf32>,
    tpu.vector_store %arg8[%swap3A_304, %swap3A_305], %broadcast_in_dim3A_1 {strides = array<i32>} : memref<16x64xf32, #tpu.memory_space<vmem>>, vector<16xf32>,
    %swap3A_307 = arith.constant 9 : i32
    %swap3A_308 = arith.index_cast %swap3A_307 : i32 to index
    %swap3A_309 = arith.constant 32 : index
    %swap3A_310 = tpu.vector_load %arg7[%swap3A_308, %swap3A_309] {strides = array<i32>} : memref<16x64xf32, #tpu.memory_space<vmem>>, vector<16xf32>,
    tpu.vector_store %arg7[%swap3A_308, %swap3A_309], %broadcast_in_dim3A_1 {strides = array<i32>} : memref<16x64xf32, #tpu.memory_space<vmem>>, vector<16xf32>,
    %swap3A_311 = arith.constant 9 : i32
    %swap3A_312 = arith.index_cast %swap3A_311 : i32 to index
    %swap3A_313 = arith.constant 32 : index
    %swap3A_314 = tpu.vector_load %arg8[%swap3A_312, %swap3A_313] {strides = array<i32>} : memref<16x64xf32, #tpu.memory_space<vmem>>, vector<16xf32>,
    tpu.vector_store %arg8[%swap3A_312, %swap3A_313], %broadcast_in_dim3A_1 {strides = array<i32>} : memref<16x64xf32, #tpu.memory_space<vmem>>, vector<16xf32>,
    %swap3A_315 = arith.constant 9 : i32
    %swap3A_316 = arith.index_cast %swap3A_315 : i32 to index
    %swap3A_317 = arith.constant 48 : index
    %swap3A_318 = tpu.vector_load %arg7[%swap3A_316, %swap3A_317] {strides = array<i32>} : memref<16x64xf32, #tpu.memory_space<vmem>>, vector<16xf32>,
    tpu.vector_store %arg7[%swap3A_316, %swap3A_317], %broadcast_in_dim3A_1 {strides = array<i32>} : memref<16x64xf32, #tpu.memory_space<vmem>>, vector<16xf32>,
    %swap3A_319 = arith.constant 9 : i32
    %swap3A_320 = arith.index_cast %swap3A_319 : i32 to index
    %swap3A_321 = arith.constant 48 : index
    %swap3A_322 = tpu.vector_load %arg8[%swap3A_320, %swap3A_321] {strides = array<i32>} : memref<16x64xf32, #tpu.memory_space<vmem>>, vector<16xf32>,
    tpu.vector_store %arg8[%swap3A_320, %swap3A_321], %broadcast_in_dim3A_1 {strides = array<i32>} : memref<16x64xf32, #tpu.memory_space<vmem>>, vector<16xf32>,
    %swap3A_323 = arith.constant 10 : i32
    %swap3A_324 = arith.index_cast %swap3A_323 : i32 to index
    %swap3A_325 = arith.constant 0 : index
    %swap3A_326 = tpu.vector_load %arg7[%swap3A_324, %swap3A_325] {strides = array<i32>} : memref<16x64xf32, #tpu.memory_space<vmem>>, vector<16xf32>,
    tpu.vector_store %arg7[%swap3A_324, %swap3A_325], %broadcast_in_dim3A_1 {strides = array<i32>} : memref<16x64xf32, #tpu.memory_space<vmem>>, vector<16xf32>,
    %swap3A_327 = arith.constant 10 : i32
    %swap3A_328 = arith.index_cast %swap3A_327 : i32 to index
    %swap3A_329 = arith.constant 0 : index
    %swap3A_330 = tpu.vector_load %arg8[%swap3A_328, %swap3A_329] {strides = array<i32>} : memref<16x64xf32, #tpu.memory_space<vmem>>, vector<16xf32>,
    tpu.vector_store %arg8[%swap3A_328, %swap3A_329], %broadcast_in_dim3A_1 {strides = array<i32>} : memref<16x64xf32, #tpu.memory_space<vmem>>, vector<16xf32>,
    %swap3A_331 = arith.constant 10 : i32
    %swap3A_332 = arith.index_cast %swap3A_331 : i32 to index
    %swap3A_333 = arith.constant 16 : index
    %swap3A_334 = tpu.vector_load %arg7[%swap3A_332, %swap3A_333] {strides = array<i32>} : memref<16x64xf32, #tpu.memory_space<vmem>>, vector<16xf32>,
    tpu.vector_store %arg7[%swap3A_332, %swap3A_333], %broadcast_in_dim3A_1 {strides = array<i32>} : memref<16x64xf32, #tpu.memory_space<vmem>>, vector<16xf32>,
    %swap3A_335 = arith.constant 10 : i32
    %swap3A_336 = arith.index_cast %swap3A_335 : i32 to index
    %swap3A_337 = arith.constant 16 : index
    %swap3A_338 = tpu.vector_load %arg8[%swap3A_336, %swap3A_337] {strides = array<i32>} : memref<16x64xf32, #tpu.memory_space<vmem>>, vector<16xf32>,
    tpu.vector_store %arg8[%swap3A_336, %swap3A_337], %broadcast_in_dim3A_1 {strides = array<i32>} : memref<16x64xf32, #tpu.memory_space<vmem>>, vector<16xf32>,
    %swap3A_339 = arith.constant 10 : i32
    %swap3A_340 = arith.index_cast %swap3A_339 : i32 to index
    %swap3A_341 = arith.constant 32 : index
    %swap3A_342 = tpu.vector_load %arg7[%swap3A_340, %swap3A_341] {strides = array<i32>} : memref<16x64xf32, #tpu.memory_space<vmem>>, vector<16xf32>,
    tpu.vector_store %arg7[%swap3A_340, %swap3A_341], %broadcast_in_dim3A_1 {strides = array<i32>} : memref<16x64xf32, #tpu.memory_space<vmem>>, vector<16xf32>,
    %swap3A_343 = arith.constant 10 : i32
    %swap3A_344 = arith.index_cast %swap3A_343 : i32 to index
    %swap3A_345 = arith.constant 32 : index
    %swap3A_346 = tpu.vector_load %arg8[%swap3A_344, %swap3A_345] {strides = array<i32>} : memref<16x64xf32, #tpu.memory_space<vmem>>, vector<16xf32>,
    tpu.vector_store %arg8[%swap3A_344, %swap3A_345], %broadcast_in_dim3A_1 {strides = array<i32>} : memref<16x64xf32, #tpu.memory_space<vmem>>, vector<16xf32>,
    %swap3A_347 = arith.constant 10 : i32
    %swap3A_348 = arith.index_cast %swap3A_347 : i32 to index
    %swap3A_349 = arith.constant 48 : index
    %swap3A_350 = tpu.vector_load %arg7[%swap3A_348, %swap3A_349] {strides = array<i32>} : memref<16x64xf32, #tpu.memory_space<vmem>>, vector<16xf32>,
    tpu.vector_store %arg7[%swap3A_348, %swap3A_349], %broadcast_in_dim3A_1 {strides = array<i32>} : memref<16x64xf32, #tpu.memory_space<vmem>>, vector<16xf32>,
    %swap3A_351 = arith.constant 10 : i32
    %swap3A_352 = arith.index_cast %swap3A_351 : i32 to index
    %swap3A_353 = arith.constant 48 : index
    %swap3A_354 = tpu.vector_load %arg8[%swap3A_352, %swap3A_353] {strides = array<i32>} : memref<16x64xf32, #tpu.memory_space<vmem>>, vector<16xf32>,
    tpu.vector_store %arg8[%swap3A_352, %swap3A_353], %broadcast_in_dim3A_1 {strides = array<i32>} : memref<16x64xf32, #tpu.memory_space<vmem>>, vector<16xf32>,
    %swap3A_355 = arith.constant 11 : i32
    %swap3A_356 = arith.index_cast %swap3A_355 : i32 to index
    %swap3A_357 = arith.constant 0 : index
    %swap3A_358 = tpu.vector_load %arg7[%swap3A_356, %swap3A_357] {strides = array<i32>} : memref<16x64xf32, #tpu.memory_space<vmem>>, vector<16xf32>,
    tpu.vector_store %arg7[%swap3A_356, %swap3A_357], %broadcast_in_dim3A_1 {strides = array<i32>} : memref<16x64xf32, #tpu.memory_space<vmem>>, vector<16xf32>,
    %swap3A_359 = arith.constant 11 : i32
    %swap3A_360 = arith.index_cast %swap3A_359 : i32 to index
    %swap3A_361 = arith.constant 0 : index
    %swap3A_362 = tpu.vector_load %arg8[%swap3A_360, %swap3A_361] {strides = array<i32>} : memref<16x64xf32, #tpu.memory_space<vmem>>, vector<16xf32>,
    tpu.vector_store %arg8[%swap3A_360, %swap3A_361], %broadcast_in_dim3A_1 {strides = array<i32>} : memref<16x64xf32, #tpu.memory_space<vmem>>, vector<16xf32>,
    %swap3A_363 = arith.constant 11 : i32
    %swap3A_364 = arith.index_cast %swap3A_363 : i32 to index
    %swap3A_365 = arith.constant 16 : index
    %swap3A_366 = tpu.vector_load %arg7[%swap3A_364, %swap3A_365] {strides = array<i32>} : memref<16x64xf32, #tpu.memory_space<vmem>>, vector<16xf32>,
    tpu.vector_store %arg7[%swap3A_364, %swap3A_365], %broadcast_in_dim3A_1 {strides = array<i32>} : memref<16x64xf32, #tpu.memory_space<vmem>>, vector<16xf32>,
    %swap3A_367 = arith.constant 11 : i32
    %swap3A_368 = arith.index_cast %swap3A_367 : i32 to index
    %swap3A_369 = arith.constant 16 : index
    %swap3A_370 = tpu.vector_load %arg8[%swap3A_368, %swap3A_369] {strides = array<i32>} : memref<16x64xf32, #tpu.memory_space<vmem>>, vector<16xf32>,
    tpu.vector_store %arg8[%swap3A_368, %swap3A_369], %broadcast_in_dim3A_1 {strides = array<i32>} : memref<16x64xf32, #tpu.memory_space<vmem>>, vector<16xf32>,
    %swap3A_371 = arith.constant 11 : i32
    %swap3A_372 = arith.index_cast %swap3A_371 : i32 to index
    %swap3A_373 = arith.constant 32 : index
    %swap3A_374 = tpu.vector_load %arg7[%swap3A_372, %swap3A_373] {strides = array<i32>} : memref<16x64xf32, #tpu.memory_space<vmem>>, vector<16xf32>,
    tpu.vector_store %arg7[%swap3A_372, %swap3A_373], %broadcast_in_dim3A_1 {strides = array<i32>} : memref<16x64xf32, #tpu.memory_space<vmem>>, vector<16xf32>,
    %swap3A_375 = arith.constant 11 : i32
    %swap3A_376 = arith.index_cast %swap3A_375 : i32 to index
    %swap3A_377 = arith.constant 32 : index
    %swap3A_378 = tpu.vector_load %arg8[%swap3A_376, %swap3A_377] {strides = array<i32>} : memref<16x64xf32, #tpu.memory_space<vmem>>, vector<16xf32>,
    tpu.vector_store %arg8[%swap3A_376, %swap3A_377], %broadcast_in_dim3A_1 {strides = array<i32>} : memref<16x64xf32, #tpu.memory_space<vmem>>, vector<16xf32>,
    %swap3A_379 = arith.constant 11 : i32
    %swap3A_380 = arith.index_cast %swap3A_379 : i32 to index
    %swap3A_381 = arith.constant 48 : index
    %swap3A_382 = tpu.vector_load %arg7[%swap3A_380, %swap3A_381] {strides = array<i32>} : memref<16x64xf32, #tpu.memory_space<vmem>>, vector<16xf32>,
    tpu.vector_store %arg7[%swap3A_380, %swap3A_381], %broadcast_in_dim3A_1 {strides = array<i32>} : memref<16x64xf32, #tpu.memory_space<vmem>>, vector<16xf32>,
    %swap3A_383 = arith.constant 11 : i32
    %swap3A_384 = arith.index_cast %swap3A_383 : i32 to index
    %swap3A_385 = arith.constant 48 : index
    %swap3A_386 = tpu.vector_load %arg8[%swap3A_384, %swap3A_385] {strides = array<i32>} : memref<16x64xf32, #tpu.memory_space<vmem>>, vector<16xf32>,
    tpu.vector_store %arg8[%swap3A_384, %swap3A_385], %broadcast_in_dim3A_1 {strides = array<i32>} : memref<16x64xf32, #tpu.memory_space<vmem>>, vector<16xf32>,
    %swap3A_387 = arith.constant 12 : i32
    %swap3A_388 = arith.index_cast %swap3A_387 : i32 to index
    %swap3A_389 = arith.constant 0 : index
    %swap3A_390 = tpu.vector_load %arg7[%swap3A_388, %swap3A_389] {strides = array<i32>} : memref<16x64xf32, #tpu.memory_space<vmem>>, vector<16xf32>,
    tpu.vector_store %arg7[%swap3A_388, %swap3A_389], %broadcast_in_dim3A_1 {strides = array<i32>} : memref<16x64xf32, #tpu.memory_space<vmem>>, vector<16xf32>,
    %swap3A_391 = arith.constant 12 : i32
    %swap3A_392 = arith.index_cast %swap3A_391 : i32 to index
    %swap3A_393 = arith.constant 0 : index
    %swap3A_394 = tpu.vector_load %arg8[%swap3A_392, %swap3A_393] {strides = array<i32>} : memref<16x64xf32, #tpu.memory_space<vmem>>, vector<16xf32>,
    tpu.vector_store %arg8[%swap3A_392, %swap3A_393], %broadcast_in_dim3A_1 {strides = array<i32>} : memref<16x64xf32, #tpu.memory_space<vmem>>, vector<16xf32>,
    %swap3A_395 = arith.constant 12 : i32
    %swap3A_396 = arith.index_cast %swap3A_395 : i32 to index
    %swap3A_397 = arith.constant 16 : index
    %swap3A_398 = tpu.vector_load %arg7[%swap3A_396, %swap3A_397] {strides = array<i32>} : memref<16x64xf32, #tpu.memory_space<vmem>>, vector<16xf32>,
    tpu.vector_store %arg7[%swap3A_396, %swap3A_397], %broadcast_in_dim3A_1 {strides = array<i32>} : memref<16x64xf32, #tpu.memory_space<vmem>>, vector<16xf32>,
    %swap3A_399 = arith.constant 12 : i32
    %swap3A_400 = arith.index_cast %swap3A_399 : i32 to index
    %swap3A_401 = arith.constant 16 : index
    %swap3A_402 = tpu.vector_load %arg8[%swap3A_400, %swap3A_401] {strides = array<i32>} : memref<16x64xf32, #tpu.memory_space<vmem>>, vector<16xf32>,
    tpu.vector_store %arg8[%swap3A_400, %swap3A_401], %broadcast_in_dim3A_1 {strides = array<i32>} : memref<16x64xf32, #tpu.memory_space<vmem>>, vector<16xf32>,
    %swap3A_403 = arith.constant 12 : i32
    %swap3A_404 = arith.index_cast %swap3A_403 : i32 to index
    %swap3A_405 = arith.constant 32 : index
    %swap3A_406 = tpu.vector_load %arg7[%swap3A_404, %swap3A_405] {strides = array<i32>} : memref<16x64xf32, #tpu.memory_space<vmem>>, vector<16xf32>,
    tpu.vector_store %arg7[%swap3A_404, %swap3A_405], %broadcast_in_dim3A_1 {strides = array<i32>} : memref<16x64xf32, #tpu.memory_space<vmem>>, vector<16xf32>,
    %swap3A_407 = arith.constant 12 : i32
    %swap3A_408 = arith.index_cast %swap3A_407 : i32 to index
    %swap3A_409 = arith.constant 32 : index
    %swap3A_410 = tpu.vector_load %arg8[%swap3A_408, %swap3A_409] {strides = array<i32>} : memref<16x64xf32, #tpu.memory_space<vmem>>, vector<16xf32>,
    tpu.vector_store %arg8[%swap3A_408, %swap3A_409], %broadcast_in_dim3A_1 {strides = array<i32>} : memref<16x64xf32, #tpu.memory_space<vmem>>, vector<16xf32>,
    %swap3A_411 = arith.constant 12 : i32
    %swap3A_412 = arith.index_cast %swap3A_411 : i32 to index
    %swap3A_413 = arith.constant 48 : index
    %swap3A_414 = tpu.vector_load %arg7[%swap3A_412, %swap3A_413] {strides = array<i32>} : memref<16x64xf32, #tpu.memory_space<vmem>>, vector<16xf32>,
    tpu.vector_store %arg7[%swap3A_412, %swap3A_413], %broadcast_in_dim3A_1 {strides = array<i32>} : memref<16x64xf32, #tpu.memory_space<vmem>>, vector<16xf32>,
    %swap3A_415 = arith.constant 12 : i32
    %swap3A_416 = arith.index_cast %swap3A_415 : i32 to index
    %swap3A_417 = arith.constant 48 : index
    %swap3A_418 = tpu.vector_load %arg8[%swap3A_416, %swap3A_417] {strides = array<i32>} : memref<16x64xf32, #tpu.memory_space<vmem>>, vector<16xf32>,
    tpu.vector_store %arg8[%swap3A_416, %swap3A_417], %broadcast_in_dim3A_1 {strides = array<i32>} : memref<16x64xf32, #tpu.memory_space<vmem>>, vector<16xf32>,
    %swap3A_419 = arith.constant 13 : i32
    %swap3A_420 = arith.index_cast %swap3A_419 : i32 to index
    %swap3A_421 = arith.constant 0 : index
    %swap3A_422 = tpu.vector_load %arg7[%swap3A_420, %swap3A_421] {strides = array<i32>} : memref<16x64xf32, #tpu.memory_space<vmem>>, vector<16xf32>,
    tpu.vector_store %arg7[%swap3A_420, %swap3A_421], %broadcast_in_dim3A_1 {strides = array<i32>} : memref<16x64xf32, #tpu.memory_space<vmem>>, vector<16xf32>,
    %swap3A_423 = arith.constant 13 : i32
    %swap3A_424 = arith.index_cast %swap3A_423 : i32 to index
    %swap3A_425 = arith.constant 0 : index
    %swap3A_426 = tpu.vector_load %arg8[%swap3A_424, %swap3A_425] {strides = array<i32>} : memref<16x64xf32, #tpu.memory_space<vmem>>, vector<16xf32>,
    tpu.vector_store %arg8[%swap3A_424, %swap3A_425], %broadcast_in_dim3A_1 {strides = array<i32>} : memref<16x64xf32, #tpu.memory_space<vmem>>, vector<16xf32>,
    %swap3A_427 = arith.constant 13 : i32
    %swap3A_428 = arith.index_cast %swap3A_427 : i32 to index
    %swap3A_429 = arith.constant 16 : index
    %swap3A_430 = tpu.vector_load %arg7[%swap3A_428, %swap3A_429] {strides = array<i32>} : memref<16x64xf32, #tpu.memory_space<vmem>>, vector<16xf32>,
    tpu.vector_store %arg7[%swap3A_428, %swap3A_429], %broadcast_in_dim3A_1 {strides = array<i32>} : memref<16x64xf32, #tpu.memory_space<vmem>>, vector<16xf32>,
    %swap3A_431 = arith.constant 13 : i32
    %swap3A_432 = arith.index_cast %swap3A_431 : i32 to index
    %swap3A_433 = arith.constant 16 : index
    %swap3A_434 = tpu.vector_load %arg8[%swap3A_432, %swap3A_433] {strides = array<i32>} : memref<16x64xf32, #tpu.memory_space<vmem>>, vector<16xf32>,
    tpu.vector_store %arg8[%swap3A_432, %swap3A_433], %broadcast_in_dim3A_1 {strides = array<i32>} : memref<16x64xf32, #tpu.memory_space<vmem>>, vector<16xf32>,
    %swap3A_435 = arith.constant 13 : i32
    %swap3A_436 = arith.index_cast %swap3A_435 : i32 to index
    %swap3A_437 = arith.constant 32 : index
    %swap3A_438 = tpu.vector_load %arg7[%swap3A_436, %swap3A_437] {strides = array<i32>} : memref<16x64xf32, #tpu.memory_space<vmem>>, vector<16xf32>,
    tpu.vector_store %arg7[%swap3A_436, %swap3A_437], %broadcast_in_dim3A_1 {strides = array<i32>} : memref<16x64xf32, #tpu.memory_space<vmem>>, vector<16xf32>,
    %swap3A_439 = arith.constant 13 : i32
    %swap3A_440 = arith.index_cast %swap3A_439 : i32 to index
    %swap3A_441 = arith.constant 32 : index
    %swap3A_442 = tpu.vector_load %arg8[%swap3A_440, %swap3A_441] {strides = array<i32>} : memref<16x64xf32, #tpu.memory_space<vmem>>, vector<16xf32>,
    tpu.vector_store %arg8[%swap3A_440, %swap3A_441], %broadcast_in_dim3A_1 {strides = array<i32>} : memref<16x64xf32, #tpu.memory_space<vmem>>, vector<16xf32>,
    %swap3A_443 = arith.constant 13 : i32
    %swap3A_444 = arith.index_cast %swap3A_443 : i32 to index
    %swap3A_445 = arith.constant 48 : index
    %swap3A_446 = tpu.vector_load %arg7[%swap3A_444, %swap3A_445] {strides = array<i32>} : memref<16x64xf32, #tpu.memory_space<vmem>>, vector<16xf32>,
    tpu.vector_store %arg7[%swap3A_444, %swap3A_445], %broadcast_in_dim3A_1 {strides = array<i32>} : memref<16x64xf32, #tpu.memory_space<vmem>>, vector<16xf32>,
    %swap3A_447 = arith.constant 13 : i32
    %swap3A_448 = arith.index_cast %swap3A_447 : i32 to index
    %swap3A_449 = arith.constant 48 : index
    %swap3A_450 = tpu.vector_load %arg8[%swap3A_448, %swap3A_449] {strides = array<i32>} : memref<16x64xf32, #tpu.memory_space<vmem>>, vector<16xf32>,
    tpu.vector_store %arg8[%swap3A_448, %swap3A_449], %broadcast_in_dim3A_1 {strides = array<i32>} : memref<16x64xf32, #tpu.memory_space<vmem>>, vector<16xf32>,
    %swap3A_451 = arith.constant 14 : i32
    %swap3A_452 = arith.index_cast %swap3A_451 : i32 to index
    %swap3A_453 = arith.constant 0 : index
    %swap3A_454 = tpu.vector_load %arg7[%swap3A_452, %swap3A_453] {strides = array<i32>} : memref<16x64xf32, #tpu.memory_space<vmem>>, vector<16xf32>,
    tpu.vector_store %arg7[%swap3A_452, %swap3A_453], %broadcast_in_dim3A_1 {strides = array<i32>} : memref<16x64xf32, #tpu.memory_space<vmem>>, vector<16xf32>,
    %swap3A_455 = arith.constant 14 : i32
    %swap3A_456 = arith.index_cast %swap3A_455 : i32 to index
    %swap3A_457 = arith.constant 0 : index
    %swap3A_458 = tpu.vector_load %arg8[%swap3A_456, %swap3A_457] {strides = array<i32>} : memref<16x64xf32, #tpu.memory_space<vmem>>, vector<16xf32>,
    tpu.vector_store %arg8[%swap3A_456, %swap3A_457], %broadcast_in_dim3A_1 {strides = array<i32>} : memref<16x64xf32, #tpu.memory_space<vmem>>, vector<16xf32>,
    %swap3A_459 = arith.constant 14 : i32
    %swap3A_460 = arith.index_cast %swap3A_459 : i32 to index
    %swap3A_461 = arith.constant 16 : index
    %swap3A_462 = tpu.vector_load %arg7[%swap3A_460, %swap3A_461] {strides = array<i32>} : memref<16x64xf32, #tpu.memory_space<vmem>>, vector<16xf32>,
    tpu.vector_store %arg7[%swap3A_460, %swap3A_461], %broadcast_in_dim3A_1 {strides = array<i32>} : memref<16x64xf32, #tpu.memory_space<vmem>>, vector<16xf32>,
    %swap3A_463 = arith.constant 14 : i32
    %swap3A_464 = arith.index_cast %swap3A_463 : i32 to index
    %swap3A_465 = arith.constant 16 : index
    %swap3A_466 = tpu.vector_load %arg8[%swap3A_464, %swap3A_465] {strides = array<i32>} : memref<16x64xf32, #tpu.memory_space<vmem>>, vector<16xf32>,
    tpu.vector_store %arg8[%swap3A_464, %swap3A_465], %broadcast_in_dim3A_1 {strides = array<i32>} : memref<16x64xf32, #tpu.memory_space<vmem>>, vector<16xf32>,
    %swap3A_467 = arith.constant 14 : i32
    %swap3A_468 = arith.index_cast %swap3A_467 : i32 to index
    %swap3A_469 = arith.constant 32 : index
    %swap3A_470 = tpu.vector_load %arg7[%swap3A_468, %swap3A_469] {strides = array<i32>} : memref<16x64xf32, #tpu.memory_space<vmem>>, vector<16xf32>,
    tpu.vector_store %arg7[%swap3A_468, %swap3A_469], %broadcast_in_dim3A_1 {strides = array<i32>} : memref<16x64xf32, #tpu.memory_space<vmem>>, vector<16xf32>,
    %swap3A_471 = arith.constant 14 : i32
    %swap3A_472 = arith.index_cast %swap3A_471 : i32 to index
    %swap3A_473 = arith.constant 32 : index
    %swap3A_474 = tpu.vector_load %arg8[%swap3A_472, %swap3A_473] {strides = array<i32>} : memref<16x64xf32, #tpu.memory_space<vmem>>, vector<16xf32>,
    tpu.vector_store %arg8[%swap3A_472, %swap3A_473], %broadcast_in_dim3A_1 {strides = array<i32>} : memref<16x64xf32, #tpu.memory_space<vmem>>, vector<16xf32>,
    %swap3A_475 = arith.constant 14 : i32
    %swap3A_476 = arith.index_cast %swap3A_475 : i32 to index
    %swap3A_477 = arith.constant 48 : index
    %swap3A_478 = tpu.vector_load %arg7[%swap3A_476, %swap3A_477] {strides = array<i32>} : memref<16x64xf32, #tpu.memory_space<vmem>>, vector<16xf32>,
    tpu.vector_store %arg7[%swap3A_476, %swap3A_477], %broadcast_in_dim3A_1 {strides = array<i32>} : memref<16x64xf32, #tpu.memory_space<vmem>>, vector<16xf32>,
    %swap3A_479 = arith.constant 14 : i32
    %swap3A_480 = arith.index_cast %swap3A_479 : i32 to index
    %swap3A_481 = arith.constant 48 : index
    %swap3A_482 = tpu.vector_load %arg8[%swap3A_480, %swap3A_481] {strides = array<i32>} : memref<16x64xf32, #tpu.memory_space<vmem>>, vector<16xf32>,
    tpu.vector_store %arg8[%swap3A_480, %swap3A_481], %broadcast_in_dim3A_1 {strides = array<i32>} : memref<16x64xf32, #tpu.memory_space<vmem>>, vector<16xf32>,
    %swap3A_483 = arith.constant 15 : i32
    %swap3A_484 = arith.index_cast %swap3A_483 : i32 to index
    %swap3A_485 = arith.constant 0 : index
    %swap3A_486 = tpu.vector_load %arg7[%swap3A_484, %swap3A_485] {strides = array<i32>} : memref<16x64xf32, #tpu.memory_space<vmem>>, vector<16xf32>,
    tpu.vector_store %arg7[%swap3A_484, %swap3A_485], %broadcast_in_dim3A_1 {strides = array<i32>} : memref<16x64xf32, #tpu.memory_space<vmem>>, vector<16xf32>,
    %swap3A_487 = arith.constant 15 : i32
    %swap3A_488 = arith.index_cast %swap3A_487 : i32 to index
    %swap3A_489 = arith.constant 0 : index
    %swap3A_490 = tpu.vector_load %arg8[%swap3A_488, %swap3A_489] {strides = array<i32>} : memref<16x64xf32, #tpu.memory_space<vmem>>, vector<16xf32>,
    tpu.vector_store %arg8[%swap3A_488, %swap3A_489], %broadcast_in_dim3A_1 {strides = array<i32>} : memref<16x64xf32, #tpu.memory_space<vmem>>, vector<16xf32>,
    %swap3A_491 = arith.constant 15 : i32
    %swap3A_492 = arith.index_cast %swap3A_491 : i32 to index
    %swap3A_493 = arith.constant 16 : index
    %swap3A_494 = tpu.vector_load %arg7[%swap3A_492, %swap3A_493] {strides = array<i32>} : memref<16x64xf32, #tpu.memory_space<vmem>>, vector<16xf32>,
    tpu.vector_store %arg7[%swap3A_492, %swap3A_493], %broadcast_in_dim3A_1 {strides = array<i32>} : memref<16x64xf32, #tpu.memory_space<vmem>>, vector<16xf32>,
    %swap3A_495 = arith.constant 15 : i32
    %swap3A_496 = arith.index_cast %swap3A_495 : i32 to index
    %swap3A_497 = arith.constant 16 : index
    %swap3A_498 = tpu.vector_load %arg8[%swap3A_496, %swap3A_497] {strides = array<i32>} : memref<16x64xf32, #tpu.memory_space<vmem>>, vector<16xf32>,
    tpu.vector_store %arg8[%swap3A_496, %swap3A_497], %broadcast_in_dim3A_1 {strides = array<i32>} : memref<16x64xf32, #tpu.memory_space<vmem>>, vector<16xf32>,
    %swap3A_499 = arith.constant 15 : i32
    %swap3A_500 = arith.index_cast %swap3A_499 : i32 to index
    %swap3A_501 = arith.constant 32 : index
    %swap3A_502 = tpu.vector_load %arg7[%swap3A_500, %swap3A_501] {strides = array<i32>} : memref<16x64xf32, #tpu.memory_space<vmem>>, vector<16xf32>,
    tpu.vector_store %arg7[%swap3A_500, %swap3A_501], %broadcast_in_dim3A_1 {strides = array<i32>} : memref<16x64xf32, #tpu.memory_space<vmem>>, vector<16xf32>,
    %swap3A_503 = arith.constant 15 : i32
    %swap3A_504 = arith.index_cast %swap3A_503 : i32 to index
    %swap3A_505 = arith.constant 32 : index
    %swap3A_506 = tpu.vector_load %arg8[%swap3A_504, %swap3A_505] {strides = array<i32>} : memref<16x64xf32, #tpu.memory_space<vmem>>, vector<16xf32>,
    tpu.vector_store %arg8[%swap3A_504, %swap3A_505], %broadcast_in_dim3A_1 {strides = array<i32>} : memref<16x64xf32, #tpu.memory_space<vmem>>, vector<16xf32>,
    %swap3A_507 = arith.constant 15 : i32
    %swap3A_508 = arith.index_cast %swap3A_507 : i32 to index
    %swap3A_509 = arith.constant 48 : index
    %swap3A_510 = tpu.vector_load %arg7[%swap3A_508, %swap3A_509] {strides = array<i32>} : memref<16x64xf32, #tpu.memory_space<vmem>>, vector<16xf32>,
    tpu.vector_store %arg7[%swap3A_508, %swap3A_509], %broadcast_in_dim3A_1 {strides = array<i32>} : memref<16x64xf32, #tpu.memory_space<vmem>>, vector<16xf32>,
    %swap3A_511 = arith.constant 15 : i32
    %swap3A_512 = arith.index_cast %swap3A_511 : i32 to index
    %swap3A_513 = arith.constant 48 : index
    %swap3A_514 = tpu.vector_load %arg8[%swap3A_512, %swap3A_513] {strides = array<i32>} : memref<16x64xf32, #tpu.memory_space<vmem>>, vector<16xf32>,
    tpu.vector_store %arg8[%swap3A_512, %swap3A_513], %broadcast_in_dim3A_1 {strides = array<i32>} : memref<16x64xf32, #tpu.memory_space<vmem>>, vector<16xf32>,
    %xor3A = arith.constant 0 : i32
    %xor3A_515 = vector.broadcast %xor3A : i32 to vector<16xi32>
    %xor3A_516 = arith.xori %iota3A, %xor3A_515 : vector<16xi32>
    %xor3A_517 = arith.constant 1 : i32
    %xor3A_518 = vector.broadcast %xor3A_517 : i32 to vector<16xi32>
    %xor3A_519 = arith.xori %iota3A, %xor3A_518 : vector<16xi32>
    %xor3A_520 = arith.constant 2 : i32
    %xor3A_521 = vector.broadcast %xor3A_520 : i32 to vector<16xi32>
    %xor3A_522 = arith.xori %iota3A, %xor3A_521 : vector<16xi32>
    %xor3A_523 = arith.constant 3 : i32
    %xor3A_524 = vector.broadcast %xor3A_523 : i32 to vector<16xi32>
    %xor3A_525 = arith.xori %iota3A, %xor3A_524 : vector<16xi32>
    %xor3A_526 = arith.constant 4 : i32
    %xor3A_527 = vector.broadcast %xor3A_526 : i32 to vector<16xi32>
    %xor3A_528 = arith.xori %iota3A, %xor3A_527 : vector<16xi32>
    %xor3A_529 = arith.constant 5 : i32
    %xor3A_530 = vector.broadcast %xor3A_529 : i32 to vector<16xi32>
    %xor3A_531 = arith.xori %iota3A, %xor3A_530 : vector<16xi32>
    %xor3A_532 = arith.constant 6 : i32
    %xor3A_533 = vector.broadcast %xor3A_532 : i32 to vector<16xi32>
    %xor3A_534 = arith.xori %iota3A, %xor3A_533 : vector<16xi32>
    %xor3A_535 = arith.constant 7 : i32
    %xor3A_536 = vector.broadcast %xor3A_535 : i32 to vector<16xi32>
    %xor3A_537 = arith.xori %iota3A, %xor3A_536 : vector<16xi32>
    %xor3A_538 = arith.constant 8 : i32
    %xor3A_539 = vector.broadcast %xor3A_538 : i32 to vector<16xi32>
    %xor3A_540 = arith.xori %iota3A, %xor3A_539 : vector<16xi32>
    %xor3A_541 = arith.constant 9 : i32
    %xor3A_542 = vector.broadcast %xor3A_541 : i32 to vector<16xi32>
    %xor3A_543 = arith.xori %iota3A, %xor3A_542 : vector<16xi32>
    %xor3A_544 = arith.constant 10 : i32
    %xor3A_545 = vector.broadcast %xor3A_544 : i32 to vector<16xi32>
    %xor3A_546 = arith.xori %iota3A, %xor3A_545 : vector<16xi32>
    %xor3A_547 = arith.constant 11 : i32
    %xor3A_548 = vector.broadcast %xor3A_547 : i32 to vector<16xi32>
    %xor3A_549 = arith.xori %iota3A, %xor3A_548 : vector<16xi32>
    %xor3A_550 = arith.constant 12 : i32
    %xor3A_551 = vector.broadcast %xor3A_550 : i32 to vector<16xi32>
    %xor3A_552 = arith.xori %iota3A, %xor3A_551 : vector<16xi32>
    %xor3A_553 = arith.constant 13 : i32
    %xor3A_554 = vector.broadcast %xor3A_553 : i32 to vector<16xi32>
    %xor3A_555 = arith.xori %iota3A, %xor3A_554 : vector<16xi32>
    %xor3A_556 = arith.constant 14 : i32
    %xor3A_557 = vector.broadcast %xor3A_556 : i32 to vector<16xi32>
    %xor3A_558 = arith.xori %iota3A, %xor3A_557 : vector<16xi32>
    %xor3A_559 = arith.constant 15 : i32
    %xor3A_560 = vector.broadcast %xor3A_559 : i32 to vector<16xi32>
    %xor3A_561 = arith.xori %iota3A, %xor3A_560 : vector<16xi32>
    %lt3A = arith.constant 31 : i32
    %lt3A_562 = arith.cmpi slt, %add3A, %lt3A : i32
    %convert_element_type3A = arith.extui %lt3A_562 : i1 to i32
    %cond3A = arith.constant 0 : i32
    %cond3A_563 = arith.cmpi ne, %convert_element_type3A, %cond3A : i32
    scf.if %cond3A_563 {
      %mul3A_1234 = arith.constant 320 : i32
      %mul3A_1235 = arith.muli %add3A, %mul3A_1234 : i32
      %add3A_1236 = arith.constant 0 : i32
      %add3A_1237 = arith.addi %mul3A_1235, %add3A_1236 : i32
      %mul3A_1238 = arith.constant 128 : i32
      %mul3A_1239 = arith.muli %add3A_1237, %mul3A_1238 : i32
      %dma_start3A = arith.constant 0 : i32
      %dma_start3A_1240 = tpu.memref_slice %arg5[%dma_start3A] : memref<40960xf32, #tpu.memory_space<vmem>> -> memref<10240xf32, #tpu.memory_space<vmem>>
      %dma_start3A_1241 = tpu.memref_slice %arg2[%mul3A_1239] : memref<1280000xf32, #tpu.memory_space<hbm>> -> memref<10240xf32, #tpu.memory_space<hbm>>
      %dma_start3A_1242 = arith.constant 0 : i32
      %dma_start3A_1243 = tpu.memref_slice %arg5[%dma_start3A_1242] : memref<40960xf32, #tpu.memory_space<vmem>> -> memref<10240xf32, #tpu.memory_space<vmem>>
      %dma_start3A_1244 = tpu.memref_slice %arg2[%mul3A_1239] : memref<1280000xf32, #tpu.memory_space<hbm>> -> memref<10240xf32, #tpu.memory_space<hbm>>
      tpu.enqueue_dma source(%dma_start3A_1244 : memref<10240xf32, #tpu.memory_space<hbm>>) target(%dma_start3A_1243 : memref<10240xf32, #tpu.memory_space<vmem>>) target_semaphore(%arg9 : memref<!tpu.dma_semaphore, #tpu.memory_space<semaphore_mem>>)
      %add3A_1245 = arith.constant 80 : i32
      %add3A_1246 = arith.addi %mul3A_1235, %add3A_1245 : i32
      %mul3A_1247 = arith.constant 128 : i32
      %mul3A_1248 = arith.muli %add3A_1246, %mul3A_1247 : i32
      %dma_start3A_1249 = arith.constant 10240 : i32
      %dma_start3A_1250 = tpu.memref_slice %arg5[%dma_start3A_1249] : memref<40960xf32, #tpu.memory_space<vmem>> -> memref<10240xf32, #tpu.memory_space<vmem>>
      %dma_start3A_1251 = tpu.memref_slice %arg2[%mul3A_1248] : memref<1280000xf32, #tpu.memory_space<hbm>> -> memref<10240xf32, #tpu.memory_space<hbm>>
      %dma_start3A_1252 = arith.constant 10240 : i32
      %dma_start3A_1253 = tpu.memref_slice %arg5[%dma_start3A_1252] : memref<40960xf32, #tpu.memory_space<vmem>> -> memref<10240xf32, #tpu.memory_space<vmem>>
      %dma_start3A_1254 = tpu.memref_slice %arg2[%mul3A_1248] : memref<1280000xf32, #tpu.memory_space<hbm>> -> memref<10240xf32, #tpu.memory_space<hbm>>
      tpu.enqueue_dma source(%dma_start3A_1254 : memref<10240xf32, #tpu.memory_space<hbm>>) target(%dma_start3A_1253 : memref<10240xf32, #tpu.memory_space<vmem>>) target_semaphore(%arg10 : memref<!tpu.dma_semaphore, #tpu.memory_space<semaphore_mem>>)
      %add3A_1255 = arith.constant 160 : i32
      %add3A_1256 = arith.addi %mul3A_1235, %add3A_1255 : i32
      %mul3A_1257 = arith.constant 128 : i32
      %mul3A_1258 = arith.muli %add3A_1256, %mul3A_1257 : i32
      %dma_start3A_1259 = arith.constant 20480 : i32
      %dma_start3A_1260 = tpu.memref_slice %arg5[%dma_start3A_1259] : memref<40960xf32, #tpu.memory_space<vmem>> -> memref<10240xf32, #tpu.memory_space<vmem>>
      %dma_start3A_1261 = tpu.memref_slice %arg2[%mul3A_1258] : memref<1280000xf32, #tpu.memory_space<hbm>> -> memref<10240xf32, #tpu.memory_space<hbm>>
      %dma_start3A_1262 = arith.constant 20480 : i32
      %dma_start3A_1263 = tpu.memref_slice %arg5[%dma_start3A_1262] : memref<40960xf32, #tpu.memory_space<vmem>> -> memref<10240xf32, #tpu.memory_space<vmem>>
      %dma_start3A_1264 = tpu.memref_slice %arg2[%mul3A_1258] : memref<1280000xf32, #tpu.memory_space<hbm>> -> memref<10240xf32, #tpu.memory_space<hbm>>
      tpu.enqueue_dma source(%dma_start3A_1264 : memref<10240xf32, #tpu.memory_space<hbm>>) target(%dma_start3A_1263 : memref<10240xf32, #tpu.memory_space<vmem>>) target_semaphore(%arg9 : memref<!tpu.dma_semaphore, #tpu.memory_space<semaphore_mem>>)
      %add3A_1265 = arith.constant 240 : i32
      %add3A_1266 = arith.addi %mul3A_1235, %add3A_1265 : i32
      %mul3A_1267 = arith.constant 128 : i32
      %mul3A_1268 = arith.muli %add3A_1266, %mul3A_1267 : i32
      %dma_start3A_1269 = arith.constant 30720 : i32
      %dma_start3A_1270 = tpu.memref_slice %arg5[%dma_start3A_1269] : memref<40960xf32, #tpu.memory_space<vmem>> -> memref<10240xf32, #tpu.memory_space<vmem>>
      %dma_start3A_1271 = tpu.memref_slice %arg2[%mul3A_1268] : memref<1280000xf32, #tpu.memory_space<hbm>> -> memref<10240xf32, #tpu.memory_space<hbm>>
      %dma_start3A_1272 = arith.constant 30720 : i32
      %dma_start3A_1273 = tpu.memref_slice %arg5[%dma_start3A_1272] : memref<40960xf32, #tpu.memory_space<vmem>> -> memref<10240xf32, #tpu.memory_space<vmem>>
      %dma_start3A_1274 = tpu.memref_slice %arg2[%mul3A_1268] : memref<1280000xf32, #tpu.memory_space<hbm>> -> memref<10240xf32, #tpu.memory_space<hbm>>
      tpu.enqueue_dma source(%dma_start3A_1274 : memref<10240xf32, #tpu.memory_space<hbm>>) target(%dma_start3A_1273 : memref<10240xf32, #tpu.memory_space<vmem>>) target_semaphore(%arg10 : memref<!tpu.dma_semaphore, #tpu.memory_space<semaphore_mem>>)
      "tpu.region"() ({
        %run_scoped3A_1325 = tpu.sem_alloc : memref<!tpu.dma_semaphore, #tpu.memory_space<semaphore_mem>>
        %dma_start3A_1326 = tpu.memref_slice %arg3[%mul3A_1235] : memref<10000xi32, #tpu.memory_space<hbm>> -> memref<320xi32, #tpu.memory_space<hbm>>
        %dma_start3A_1327 = tpu.memref_slice %arg3[%mul3A_1235] : memref<10000xi32, #tpu.memory_space<hbm>> -> memref<320xi32, #tpu.memory_space<hbm>>
        tpu.enqueue_dma source(%dma_start3A_1327 : memref<320xi32, #tpu.memory_space<hbm>>) target(%arg6 : memref<320xi32, #tpu.memory_space<vmem>>) target_semaphore(%run_scoped3A_1325 : memref<!tpu.dma_semaphore, #tpu.memory_space<semaphore_mem>>)
        %dma_wait3A_1328 = tpu.memref_slice %arg3[%mul3A_1235] : memref<10000xi32, #tpu.memory_space<hbm>> -> memref<320xi32, #tpu.memory_space<hbm>>
        %dma_wait3A_1329 = tpu.memref_slice %arg3[%mul3A_1235] : memref<10000xi32, #tpu.memory_space<hbm>> -> memref<320xi32, #tpu.memory_space<hbm>>
        tpu.wait_dma2 semaphore(%run_scoped3A_1325 : memref<!tpu.dma_semaphore, #tpu.memory_space<semaphore_mem>>) src(%dma_wait3A_1329 : memref<320xi32, #tpu.memory_space<hbm>>) dst(%arg6 : memref<320xi32, #tpu.memory_space<vmem>>)
        tpu.yield
      }) : () -> ()
      %dma_wait3A = arith.constant 0 : i32
      %dma_wait3A_1275 = tpu.memref_slice %arg5[%dma_wait3A] : memref<40960xf32, #tpu.memory_space<vmem>> -> memref<10240xf32, #tpu.memory_space<vmem>>
      %dma_wait3A_1276 = tpu.memref_slice %arg2[%mul3A_1239] : memref<1280000xf32, #tpu.memory_space<hbm>> -> memref<10240xf32, #tpu.memory_space<hbm>>
      %dma_wait3A_1277 = arith.constant 0 : i32
      %dma_wait3A_1278 = tpu.memref_slice %arg5[%dma_wait3A_1277] : memref<40960xf32, #tpu.memory_space<vmem>> -> memref<10240xf32, #tpu.memory_space<vmem>>
      %dma_wait3A_1279 = tpu.memref_slice %arg2[%mul3A_1239] : memref<1280000xf32, #tpu.memory_space<hbm>> -> memref<10240xf32, #tpu.memory_space<hbm>>
      tpu.wait_dma2 semaphore(%arg9 : memref<!tpu.dma_semaphore, #tpu.memory_space<semaphore_mem>>) src(%dma_wait3A_1279 : memref<10240xf32, #tpu.memory_space<hbm>>) dst(%dma_wait3A_1278 : memref<10240xf32, #tpu.memory_space<vmem>>)
      %scan3A = arith.constant 0 : i32
      %scan3A_1280 = arith.constant 0 : i32
      %scan3A_1281 = arith.constant 5 : i32
      %scan3A_1282 = arith.addi %scan3A_1280, %scan3A_1281 : i32
      %scan3A_1283 = arith.constant 1 : i32
      %scan3A_1284 = scf.for %scan3A_1325 = %scan3A_1280 to %scan3A_1282 step %scan3A_1283 iter_args(%scan3A_1326 = %scan3A) -> (i32)  : i32 {
        %mul3A_1327 = arith.constant 2048 : i32
        %mul3A_1328 = arith.muli %scan3A_1325, %mul3A_1327 : i32
        %mul3A_1329 = arith.constant 128 : i32
        %mul3A_1330 = vector.broadcast %mul3A_1329 : i32 to vector<16xi32>
        %mul3A_1331 = arith.muli %iota3A, %mul3A_1330 : vector<16xi32>
        %add3A_1332 = vector.broadcast %mul3A_1328 : i32 to vector<16xi32>
        %add3A_1333 = arith.addi %add3A_1332, %mul3A_1331 : vector<16xi32>
        %mul3A_1334 = arith.constant 16 : i32
        %mul3A_1335 = arith.muli %scan3A_1325, %mul3A_1334 : i32
        %multiple_of3A = tpu.assume_multiple %mul3A_1335, 16 : i32
        %get3A_1336 = arith.index_cast %multiple_of3A : i32 to index
        %get3A_1337 = tpu.vector_load %arg6[%get3A_1336] {strides = array<i32>} : memref<320xi32, #tpu.memory_space<vmem>>, vector<16xi32>,
        %add3A_1338 = arith.addi %add3A_1333, %xor3A_516 : vector<16xi32>
        %add3A_1339 = arith.addi %add3A_1333, %xor3A_519 : vector<16xi32>
        %add3A_1340 = arith.addi %add3A_1333, %xor3A_522 : vector<16xi32>
        %add3A_1341 = arith.addi %add3A_1333, %xor3A_525 : vector<16xi32>
        %add3A_1342 = arith.addi %add3A_1333, %xor3A_528 : vector<16xi32>
        %add3A_1343 = arith.addi %add3A_1333, %xor3A_531 : vector<16xi32>
        %add3A_1344 = arith.addi %add3A_1333, %xor3A_534 : vector<16xi32>
        %add3A_1345 = arith.addi %add3A_1333, %xor3A_537 : vector<16xi32>
        %add3A_1346 = arith.addi %add3A_1333, %xor3A_540 : vector<16xi32>
        %add3A_1347 = arith.addi %add3A_1333, %xor3A_543 : vector<16xi32>
        %add3A_1348 = arith.addi %add3A_1333, %xor3A_546 : vector<16xi32>
        %add3A_1349 = arith.addi %add3A_1333, %xor3A_549 : vector<16xi32>
        %add3A_1350 = arith.addi %add3A_1333, %xor3A_552 : vector<16xi32>
        %add3A_1351 = arith.addi %add3A_1333, %xor3A_555 : vector<16xi32>
        %add3A_1352 = arith.addi %add3A_1333, %xor3A_558 : vector<16xi32>
        %add3A_1353 = arith.addi %add3A_1333, %xor3A_561 : vector<16xi32>
        %parallel_loop3A = arith.constant 0 : i32
        %parallel_loop3A_1354 = arith.constant 8 : i32
        %parallel_loop3A_1355 = arith.constant 1 : i32
        %parallel_loop3A_1356:4 = scf.for %parallel_loop3A_1361 = %parallel_loop3A to %parallel_loop3A_1354 step %parallel_loop3A_1355 iter_args(%parallel_loop3A_1362 = %broadcast_in_dim3A_1, %parallel_loop3A_1363 = %broadcast_in_dim3A_1, %parallel_loop3A_1364 = %broadcast_in_dim3A_1, %parallel_loop3A_1365 = %broadcast_in_dim3A_1) -> (vector<16xf32>, vector<16xf32>, vector<16xf32>, vector<16xf32>)  : i32 {
          %parallel_loop3A_1366 = arith.constant 16 : i32
          %parallel_loop3A_1367 = arith.muli %parallel_loop3A_1361, %parallel_loop3A_1366 : i32
          %parallel_loop3A_1368 = vector.broadcast %parallel_loop3A_1367 : i32 to vector<16xi32>
          %parallel_loop3A_1369 = arith.addi %add3A_1338, %parallel_loop3A_1368 : vector<16xi32>
          %parallel_loop3A_1370 = tpu.vector_load_idx %arg5[%parallel_loop3A_1369] : memref<40960xf32, #tpu.memory_space<vmem>>[vector<16xi32>], vector<16xf32>,
          %parallel_loop3A_1371 = arith.addf %parallel_loop3A_1362, %parallel_loop3A_1370 : vector<16xf32>
          %parallel_loop3A_1372 = arith.addi %add3A_1339, %parallel_loop3A_1368 : vector<16xi32>
          %parallel_loop3A_1373 = tpu.vector_load_idx %arg5[%parallel_loop3A_1372] : memref<40960xf32, #tpu.memory_space<vmem>>[vector<16xi32>], vector<16xf32>,
          %parallel_loop3A_1374 = arith.addf %parallel_loop3A_1363, %parallel_loop3A_1373 : vector<16xf32>
          %parallel_loop3A_1375 = arith.addi %add3A_1340, %parallel_loop3A_1368 : vector<16xi32>
          %parallel_loop3A_1376 = tpu.vector_load_idx %arg5[%parallel_loop3A_1375] : memref<40960xf32, #tpu.memory_space<vmem>>[vector<16xi32>], vector<16xf32>,
          %parallel_loop3A_1377 = arith.addf %parallel_loop3A_1364, %parallel_loop3A_1376 : vector<16xf32>
          %parallel_loop3A_1378 = arith.addi %add3A_1341, %parallel_loop3A_1368 : vector<16xi32>
          %parallel_loop3A_1379 = tpu.vector_load_idx %arg5[%parallel_loop3A_1378] : memref<40960xf32, #tpu.memory_space<vmem>>[vector<16xi32>], vector<16xf32>,
          %parallel_loop3A_1380 = arith.addf %parallel_loop3A_1365, %parallel_loop3A_1379 : vector<16xf32>
          %parallel_loop3A_1381 = arith.addi %add3A_1342, %parallel_loop3A_1368 : vector<16xi32>
          %parallel_loop3A_1382 = tpu.vector_load_idx %arg5[%parallel_loop3A_1381] : memref<40960xf32, #tpu.memory_space<vmem>>[vector<16xi32>], vector<16xf32>,
          %parallel_loop3A_1383 = arith.addf %parallel_loop3A_1371, %parallel_loop3A_1382 : vector<16xf32>
          %parallel_loop3A_1384 = arith.addi %add3A_1343, %parallel_loop3A_1368 : vector<16xi32>
          %parallel_loop3A_1385 = tpu.vector_load_idx %arg5[%parallel_loop3A_1384] : memref<40960xf32, #tpu.memory_space<vmem>>[vector<16xi32>], vector<16xf32>,
          %parallel_loop3A_1386 = arith.addf %parallel_loop3A_1374, %parallel_loop3A_1385 : vector<16xf32>
          %parallel_loop3A_1387 = arith.addi %add3A_1344, %parallel_loop3A_1368 : vector<16xi32>
          %parallel_loop3A_1388 = tpu.vector_load_idx %arg5[%parallel_loop3A_1387] : memref<40960xf32, #tpu.memory_space<vmem>>[vector<16xi32>], vector<16xf32>,
          %parallel_loop3A_1389 = arith.addf %parallel_loop3A_1377, %parallel_loop3A_1388 : vector<16xf32>
          %parallel_loop3A_1390 = arith.addi %add3A_1345, %parallel_loop3A_1368 : vector<16xi32>
          %parallel_loop3A_1391 = tpu.vector_load_idx %arg5[%parallel_loop3A_1390] : memref<40960xf32, #tpu.memory_space<vmem>>[vector<16xi32>], vector<16xf32>,
          %parallel_loop3A_1392 = arith.addf %parallel_loop3A_1380, %parallel_loop3A_1391 : vector<16xf32>
          %parallel_loop3A_1393 = arith.addi %add3A_1346, %parallel_loop3A_1368 : vector<16xi32>
          %parallel_loop3A_1394 = tpu.vector_load_idx %arg5[%parallel_loop3A_1393] : memref<40960xf32, #tpu.memory_space<vmem>>[vector<16xi32>], vector<16xf32>,
          %parallel_loop3A_1395 = arith.addf %parallel_loop3A_1383, %parallel_loop3A_1394 : vector<16xf32>
          %parallel_loop3A_1396 = arith.addi %add3A_1347, %parallel_loop3A_1368 : vector<16xi32>
          %parallel_loop3A_1397 = tpu.vector_load_idx %arg5[%parallel_loop3A_1396] : memref<40960xf32, #tpu.memory_space<vmem>>[vector<16xi32>], vector<16xf32>,
          %parallel_loop3A_1398 = arith.addf %parallel_loop3A_1386, %parallel_loop3A_1397 : vector<16xf32>
          %parallel_loop3A_1399 = arith.addi %add3A_1348, %parallel_loop3A_1368 : vector<16xi32>
          %parallel_loop3A_1400 = tpu.vector_load_idx %arg5[%parallel_loop3A_1399] : memref<40960xf32, #tpu.memory_space<vmem>>[vector<16xi32>], vector<16xf32>,
          %parallel_loop3A_1401 = arith.addf %parallel_loop3A_1389, %parallel_loop3A_1400 : vector<16xf32>
          %parallel_loop3A_1402 = arith.addi %add3A_1349, %parallel_loop3A_1368 : vector<16xi32>
          %parallel_loop3A_1403 = tpu.vector_load_idx %arg5[%parallel_loop3A_1402] : memref<40960xf32, #tpu.memory_space<vmem>>[vector<16xi32>], vector<16xf32>,
          %parallel_loop3A_1404 = arith.addf %parallel_loop3A_1392, %parallel_loop3A_1403 : vector<16xf32>
          %parallel_loop3A_1405 = arith.addi %add3A_1350, %parallel_loop3A_1368 : vector<16xi32>
          %parallel_loop3A_1406 = tpu.vector_load_idx %arg5[%parallel_loop3A_1405] : memref<40960xf32, #tpu.memory_space<vmem>>[vector<16xi32>], vector<16xf32>,
          %parallel_loop3A_1407 = arith.addf %parallel_loop3A_1395, %parallel_loop3A_1406 : vector<16xf32>
          %parallel_loop3A_1408 = arith.addi %add3A_1351, %parallel_loop3A_1368 : vector<16xi32>
          %parallel_loop3A_1409 = tpu.vector_load_idx %arg5[%parallel_loop3A_1408] : memref<40960xf32, #tpu.memory_space<vmem>>[vector<16xi32>], vector<16xf32>,
          %parallel_loop3A_1410 = arith.addf %parallel_loop3A_1398, %parallel_loop3A_1409 : vector<16xf32>
          %parallel_loop3A_1411 = arith.addi %add3A_1352, %parallel_loop3A_1368 : vector<16xi32>
          %parallel_loop3A_1412 = tpu.vector_load_idx %arg5[%parallel_loop3A_1411] : memref<40960xf32, #tpu.memory_space<vmem>>[vector<16xi32>], vector<16xf32>,
          %parallel_loop3A_1413 = arith.addf %parallel_loop3A_1401, %parallel_loop3A_1412 : vector<16xf32>
          %parallel_loop3A_1414 = arith.addi %add3A_1353, %parallel_loop3A_1368 : vector<16xi32>
          %parallel_loop3A_1415 = tpu.vector_load_idx %arg5[%parallel_loop3A_1414] : memref<40960xf32, #tpu.memory_space<vmem>>[vector<16xi32>], vector<16xf32>,
          %parallel_loop3A_1416 = arith.addf %parallel_loop3A_1404, %parallel_loop3A_1415 : vector<16xf32>
          scf.yield %parallel_loop3A_1407, %parallel_loop3A_1410, %parallel_loop3A_1413, %parallel_loop3A_1416 : vector<16xf32>, vector<16xf32>, vector<16xf32>, vector<16xf32>
        } {sc.loop_unroll_factor = 1 : i64, sc.parallel_access}
        %add3A_1357 = arith.addf %parallel_loop3A_1356#0, %parallel_loop3A_1356#1 : vector<16xf32>
        %add3A_1358 = arith.addf %parallel_loop3A_1356#2, %parallel_loop3A_1356#3 : vector<16xf32>
        %add3A_1359 = arith.addf %add3A_1357, %add3A_1358 : vector<16xf32>
        tpu.vector_store_idx %arg7[%iota3A, %get3A_1337], %add3A_1359 {add = true} : memref<16x64xf32, #tpu.memory_space<vmem>>[vector<16xi32>, vector<16xi32>], vector<16xf32>,
        tpu.vector_store_idx %arg8[%iota3A, %get3A_1337], %broadcast_in_dim3A_3 {add = true} : memref<16x64xf32, #tpu.memory_space<vmem>>[vector<16xi32>, vector<16xi32>], vector<16xf32>,
        %scan3A_1360 = arith.constant 0 : i32
        scf.yield %scan3A_1360 : i32
      }
      %scan3A_1285 = arith.constant 5 : i32
      %dma_wait3A_1286 = arith.constant 10240 : i32
      %dma_wait3A_1287 = tpu.memref_slice %arg5[%dma_wait3A_1286] : memref<40960xf32, #tpu.memory_space<vmem>> -> memref<10240xf32, #tpu.memory_space<vmem>>
      %dma_wait3A_1288 = tpu.memref_slice %arg2[%mul3A_1248] : memref<1280000xf32, #tpu.memory_space<hbm>> -> memref<10240xf32, #tpu.memory_space<hbm>>
      %dma_wait3A_1289 = arith.constant 10240 : i32
      %dma_wait3A_1290 = tpu.memref_slice %arg5[%dma_wait3A_1289] : memref<40960xf32, #tpu.memory_space<vmem>> -> memref<10240xf32, #tpu.memory_space<vmem>>
      %dma_wait3A_1291 = tpu.memref_slice %arg2[%mul3A_1248] : memref<1280000xf32, #tpu.memory_space<hbm>> -> memref<10240xf32, #tpu.memory_space<hbm>>
      tpu.wait_dma2 semaphore(%arg10 : memref<!tpu.dma_semaphore, #tpu.memory_space<semaphore_mem>>) src(%dma_wait3A_1291 : memref<10240xf32, #tpu.memory_space<hbm>>) dst(%dma_wait3A_1290 : memref<10240xf32, #tpu.memory_space<vmem>>)
      %scan3A_1292 = arith.constant 0 : i32
      %scan3A_1293 = arith.constant 5 : i32
      %scan3A_1294 = arith.constant 5 : i32
      %scan3A_1295 = arith.addi %scan3A_1293, %scan3A_1294 : i32
      %scan3A_1296 = arith.constant 1 : i32
      %scan3A_1297 = scf.for %scan3A_1325 = %scan3A_1293 to %scan3A_1295 step %scan3A_1296 iter_args(%scan3A_1326 = %scan3A_1292) -> (i32)  : i32 {
        %mul3A_1327 = arith.constant 2048 : i32
        %mul3A_1328 = arith.muli %scan3A_1325, %mul3A_1327 : i32
        %mul3A_1329 = arith.constant 128 : i32
        %mul3A_1330 = vector.broadcast %mul3A_1329 : i32 to vector<16xi32>
        %mul3A_1331 = arith.muli %iota3A, %mul3A_1330 : vector<16xi32>
        %add3A_1332 = vector.broadcast %mul3A_1328 : i32 to vector<16xi32>
        %add3A_1333 = arith.addi %add3A_1332, %mul3A_1331 : vector<16xi32>
        %mul3A_1334 = arith.constant 16 : i32
        %mul3A_1335 = arith.muli %scan3A_1325, %mul3A_1334 : i32
        %multiple_of3A = tpu.assume_multiple %mul3A_1335, 16 : i32
        %get3A_1336 = arith.index_cast %multiple_of3A : i32 to index
        %get3A_1337 = tpu.vector_load %arg6[%get3A_1336] {strides = array<i32>} : memref<320xi32, #tpu.memory_space<vmem>>, vector<16xi32>,
        %add3A_1338 = arith.addi %add3A_1333, %xor3A_516 : vector<16xi32>
        %add3A_1339 = arith.addi %add3A_1333, %xor3A_519 : vector<16xi32>
        %add3A_1340 = arith.addi %add3A_1333, %xor3A_522 : vector<16xi32>
        %add3A_1341 = arith.addi %add3A_1333, %xor3A_525 : vector<16xi32>
        %add3A_1342 = arith.addi %add3A_1333, %xor3A_528 : vector<16xi32>
        %add3A_1343 = arith.addi %add3A_1333, %xor3A_531 : vector<16xi32>
        %add3A_1344 = arith.addi %add3A_1333, %xor3A_534 : vector<16xi32>
        %add3A_1345 = arith.addi %add3A_1333, %xor3A_537 : vector<16xi32>
        %add3A_1346 = arith.addi %add3A_1333, %xor3A_540 : vector<16xi32>
        %add3A_1347 = arith.addi %add3A_1333, %xor3A_543 : vector<16xi32>
        %add3A_1348 = arith.addi %add3A_1333, %xor3A_546 : vector<16xi32>
        %add3A_1349 = arith.addi %add3A_1333, %xor3A_549 : vector<16xi32>
        %add3A_1350 = arith.addi %add3A_1333, %xor3A_552 : vector<16xi32>
        %add3A_1351 = arith.addi %add3A_1333, %xor3A_555 : vector<16xi32>
        %add3A_1352 = arith.addi %add3A_1333, %xor3A_558 : vector<16xi32>
        %add3A_1353 = arith.addi %add3A_1333, %xor3A_561 : vector<16xi32>
        %parallel_loop3A = arith.constant 0 : i32
        %parallel_loop3A_1354 = arith.constant 8 : i32
        %parallel_loop3A_1355 = arith.constant 1 : i32
        %parallel_loop3A_1356:4 = scf.for %parallel_loop3A_1361 = %parallel_loop3A to %parallel_loop3A_1354 step %parallel_loop3A_1355 iter_args(%parallel_loop3A_1362 = %broadcast_in_dim3A_1, %parallel_loop3A_1363 = %broadcast_in_dim3A_1, %parallel_loop3A_1364 = %broadcast_in_dim3A_1, %parallel_loop3A_1365 = %broadcast_in_dim3A_1) -> (vector<16xf32>, vector<16xf32>, vector<16xf32>, vector<16xf32>)  : i32 {
          %parallel_loop3A_1366 = arith.constant 16 : i32
          %parallel_loop3A_1367 = arith.muli %parallel_loop3A_1361, %parallel_loop3A_1366 : i32
          %parallel_loop3A_1368 = vector.broadcast %parallel_loop3A_1367 : i32 to vector<16xi32>
          %parallel_loop3A_1369 = arith.addi %add3A_1338, %parallel_loop3A_1368 : vector<16xi32>
          %parallel_loop3A_1370 = tpu.vector_load_idx %arg5[%parallel_loop3A_1369] : memref<40960xf32, #tpu.memory_space<vmem>>[vector<16xi32>], vector<16xf32>,
          %parallel_loop3A_1371 = arith.addf %parallel_loop3A_1362, %parallel_loop3A_1370 : vector<16xf32>
          %parallel_loop3A_1372 = arith.addi %add3A_1339, %parallel_loop3A_1368 : vector<16xi32>
          %parallel_loop3A_1373 = tpu.vector_load_idx %arg5[%parallel_loop3A_1372] : memref<40960xf32, #tpu.memory_space<vmem>>[vector<16xi32>], vector<16xf32>,
          %parallel_loop3A_1374 = arith.addf %parallel_loop3A_1363, %parallel_loop3A_1373 : vector<16xf32>
          %parallel_loop3A_1375 = arith.addi %add3A_1340, %parallel_loop3A_1368 : vector<16xi32>
          %parallel_loop3A_1376 = tpu.vector_load_idx %arg5[%parallel_loop3A_1375] : memref<40960xf32, #tpu.memory_space<vmem>>[vector<16xi32>], vector<16xf32>,
          %parallel_loop3A_1377 = arith.addf %parallel_loop3A_1364, %parallel_loop3A_1376 : vector<16xf32>
          %parallel_loop3A_1378 = arith.addi %add3A_1341, %parallel_loop3A_1368 : vector<16xi32>
          %parallel_loop3A_1379 = tpu.vector_load_idx %arg5[%parallel_loop3A_1378] : memref<40960xf32, #tpu.memory_space<vmem>>[vector<16xi32>], vector<16xf32>,
          %parallel_loop3A_1380 = arith.addf %parallel_loop3A_1365, %parallel_loop3A_1379 : vector<16xf32>
          %parallel_loop3A_1381 = arith.addi %add3A_1342, %parallel_loop3A_1368 : vector<16xi32>
          %parallel_loop3A_1382 = tpu.vector_load_idx %arg5[%parallel_loop3A_1381] : memref<40960xf32, #tpu.memory_space<vmem>>[vector<16xi32>], vector<16xf32>,
          %parallel_loop3A_1383 = arith.addf %parallel_loop3A_1371, %parallel_loop3A_1382 : vector<16xf32>
          %parallel_loop3A_1384 = arith.addi %add3A_1343, %parallel_loop3A_1368 : vector<16xi32>
          %parallel_loop3A_1385 = tpu.vector_load_idx %arg5[%parallel_loop3A_1384] : memref<40960xf32, #tpu.memory_space<vmem>>[vector<16xi32>], vector<16xf32>,
          %parallel_loop3A_1386 = arith.addf %parallel_loop3A_1374, %parallel_loop3A_1385 : vector<16xf32>
          %parallel_loop3A_1387 = arith.addi %add3A_1344, %parallel_loop3A_1368 : vector<16xi32>
          %parallel_loop3A_1388 = tpu.vector_load_idx %arg5[%parallel_loop3A_1387] : memref<40960xf32, #tpu.memory_space<vmem>>[vector<16xi32>], vector<16xf32>,
          %parallel_loop3A_1389 = arith.addf %parallel_loop3A_1377, %parallel_loop3A_1388 : vector<16xf32>
          %parallel_loop3A_1390 = arith.addi %add3A_1345, %parallel_loop3A_1368 : vector<16xi32>
          %parallel_loop3A_1391 = tpu.vector_load_idx %arg5[%parallel_loop3A_1390] : memref<40960xf32, #tpu.memory_space<vmem>>[vector<16xi32>], vector<16xf32>,
          %parallel_loop3A_1392 = arith.addf %parallel_loop3A_1380, %parallel_loop3A_1391 : vector<16xf32>
          %parallel_loop3A_1393 = arith.addi %add3A_1346, %parallel_loop3A_1368 : vector<16xi32>
          %parallel_loop3A_1394 = tpu.vector_load_idx %arg5[%parallel_loop3A_1393] : memref<40960xf32, #tpu.memory_space<vmem>>[vector<16xi32>], vector<16xf32>,
          %parallel_loop3A_1395 = arith.addf %parallel_loop3A_1383, %parallel_loop3A_1394 : vector<16xf32>
          %parallel_loop3A_1396 = arith.addi %add3A_1347, %parallel_loop3A_1368 : vector<16xi32>
          %parallel_loop3A_1397 = tpu.vector_load_idx %arg5[%parallel_loop3A_1396] : memref<40960xf32, #tpu.memory_space<vmem>>[vector<16xi32>], vector<16xf32>,
          %parallel_loop3A_1398 = arith.addf %parallel_loop3A_1386, %parallel_loop3A_1397 : vector<16xf32>
          %parallel_loop3A_1399 = arith.addi %add3A_1348, %parallel_loop3A_1368 : vector<16xi32>
          %parallel_loop3A_1400 = tpu.vector_load_idx %arg5[%parallel_loop3A_1399] : memref<40960xf32, #tpu.memory_space<vmem>>[vector<16xi32>], vector<16xf32>,
          %parallel_loop3A_1401 = arith.addf %parallel_loop3A_1389, %parallel_loop3A_1400 : vector<16xf32>
          %parallel_loop3A_1402 = arith.addi %add3A_1349, %parallel_loop3A_1368 : vector<16xi32>
          %parallel_loop3A_1403 = tpu.vector_load_idx %arg5[%parallel_loop3A_1402] : memref<40960xf32, #tpu.memory_space<vmem>>[vector<16xi32>], vector<16xf32>,
          %parallel_loop3A_1404 = arith.addf %parallel_loop3A_1392, %parallel_loop3A_1403 : vector<16xf32>
          %parallel_loop3A_1405 = arith.addi %add3A_1350, %parallel_loop3A_1368 : vector<16xi32>
          %parallel_loop3A_1406 = tpu.vector_load_idx %arg5[%parallel_loop3A_1405] : memref<40960xf32, #tpu.memory_space<vmem>>[vector<16xi32>], vector<16xf32>,
          %parallel_loop3A_1407 = arith.addf %parallel_loop3A_1395, %parallel_loop3A_1406 : vector<16xf32>
          %parallel_loop3A_1408 = arith.addi %add3A_1351, %parallel_loop3A_1368 : vector<16xi32>
          %parallel_loop3A_1409 = tpu.vector_load_idx %arg5[%parallel_loop3A_1408] : memref<40960xf32, #tpu.memory_space<vmem>>[vector<16xi32>], vector<16xf32>,
          %parallel_loop3A_1410 = arith.addf %parallel_loop3A_1398, %parallel_loop3A_1409 : vector<16xf32>
          %parallel_loop3A_1411 = arith.addi %add3A_1352, %parallel_loop3A_1368 : vector<16xi32>
          %parallel_loop3A_1412 = tpu.vector_load_idx %arg5[%parallel_loop3A_1411] : memref<40960xf32, #tpu.memory_space<vmem>>[vector<16xi32>], vector<16xf32>,
          %parallel_loop3A_1413 = arith.addf %parallel_loop3A_1401, %parallel_loop3A_1412 : vector<16xf32>
          %parallel_loop3A_1414 = arith.addi %add3A_1353, %parallel_loop3A_1368 : vector<16xi32>
          %parallel_loop3A_1415 = tpu.vector_load_idx %arg5[%parallel_loop3A_1414] : memref<40960xf32, #tpu.memory_space<vmem>>[vector<16xi32>], vector<16xf32>,
          %parallel_loop3A_1416 = arith.addf %parallel_loop3A_1404, %parallel_loop3A_1415 : vector<16xf32>
          scf.yield %parallel_loop3A_1407, %parallel_loop3A_1410, %parallel_loop3A_1413, %parallel_loop3A_1416 : vector<16xf32>, vector<16xf32>, vector<16xf32>, vector<16xf32>
        } {sc.loop_unroll_factor = 1 : i64, sc.parallel_access}
        %add3A_1357 = arith.addf %parallel_loop3A_1356#0, %parallel_loop3A_1356#1 : vector<16xf32>
        %add3A_1358 = arith.addf %parallel_loop3A_1356#2, %parallel_loop3A_1356#3 : vector<16xf32>
        %add3A_1359 = arith.addf %add3A_1357, %add3A_1358 : vector<16xf32>
        tpu.vector_store_idx %arg7[%iota3A, %get3A_1337], %add3A_1359 {add = true} : memref<16x64xf32, #tpu.memory_space<vmem>>[vector<16xi32>, vector<16xi32>], vector<16xf32>,
        tpu.vector_store_idx %arg8[%iota3A, %get3A_1337], %broadcast_in_dim3A_3 {add = true} : memref<16x64xf32, #tpu.memory_space<vmem>>[vector<16xi32>, vector<16xi32>], vector<16xf32>,
        %scan3A_1360 = arith.constant 0 : i32
        scf.yield %scan3A_1360 : i32
      }
      %scan3A_1298 = arith.constant 5 : i32
      %dma_wait3A_1299 = arith.constant 20480 : i32
      %dma_wait3A_1300 = tpu.memref_slice %arg5[%dma_wait3A_1299] : memref<40960xf32, #tpu.memory_space<vmem>> -> memref<10240xf32, #tpu.memory_space<vmem>>
      %dma_wait3A_1301 = tpu.memref_slice %arg2[%mul3A_1258] : memref<1280000xf32, #tpu.memory_space<hbm>> -> memref<10240xf32, #tpu.memory_space<hbm>>
      %dma_wait3A_1302 = arith.constant 20480 : i32
      %dma_wait3A_1303 = tpu.memref_slice %arg5[%dma_wait3A_1302] : memref<40960xf32, #tpu.memory_space<vmem>> -> memref<10240xf32, #tpu.memory_space<vmem>>
      %dma_wait3A_1304 = tpu.memref_slice %arg2[%mul3A_1258] : memref<1280000xf32, #tpu.memory_space<hbm>> -> memref<10240xf32, #tpu.memory_space<hbm>>
      tpu.wait_dma2 semaphore(%arg9 : memref<!tpu.dma_semaphore, #tpu.memory_space<semaphore_mem>>) src(%dma_wait3A_1304 : memref<10240xf32, #tpu.memory_space<hbm>>) dst(%dma_wait3A_1303 : memref<10240xf32, #tpu.memory_space<vmem>>)
      %scan3A_1305 = arith.constant 0 : i32
      %scan3A_1306 = arith.constant 10 : i32
      %scan3A_1307 = arith.constant 5 : i32
      %scan3A_1308 = arith.addi %scan3A_1306, %scan3A_1307 : i32
      %scan3A_1309 = arith.constant 1 : i32
      %scan3A_1310 = scf.for %scan3A_1325 = %scan3A_1306 to %scan3A_1308 step %scan3A_1309 iter_args(%scan3A_1326 = %scan3A_1305) -> (i32)  : i32 {
        %mul3A_1327 = arith.constant 2048 : i32
        %mul3A_1328 = arith.muli %scan3A_1325, %mul3A_1327 : i32
        %mul3A_1329 = arith.constant 128 : i32
        %mul3A_1330 = vector.broadcast %mul3A_1329 : i32 to vector<16xi32>
        %mul3A_1331 = arith.muli %iota3A, %mul3A_1330 : vector<16xi32>
        %add3A_1332 = vector.broadcast %mul3A_1328 : i32 to vector<16xi32>
        %add3A_1333 = arith.addi %add3A_1332, %mul3A_1331 : vector<16xi32>
        %mul3A_1334 = arith.constant 16 : i32
        %mul3A_1335 = arith.muli %scan3A_1325, %mul3A_1334 : i32
        %multiple_of3A = tpu.assume_multiple %mul3A_1335, 16 : i32
        %get3A_1336 = arith.index_cast %multiple_of3A : i32 to index
        %get3A_1337 = tpu.vector_load %arg6[%get3A_1336] {strides = array<i32>} : memref<320xi32, #tpu.memory_space<vmem>>, vector<16xi32>,
        %add3A_1338 = arith.addi %add3A_1333, %xor3A_516 : vector<16xi32>
        %add3A_1339 = arith.addi %add3A_1333, %xor3A_519 : vector<16xi32>
        %add3A_1340 = arith.addi %add3A_1333, %xor3A_522 : vector<16xi32>
        %add3A_1341 = arith.addi %add3A_1333, %xor3A_525 : vector<16xi32>
        %add3A_1342 = arith.addi %add3A_1333, %xor3A_528 : vector<16xi32>
        %add3A_1343 = arith.addi %add3A_1333, %xor3A_531 : vector<16xi32>
        %add3A_1344 = arith.addi %add3A_1333, %xor3A_534 : vector<16xi32>
        %add3A_1345 = arith.addi %add3A_1333, %xor3A_537 : vector<16xi32>
        %add3A_1346 = arith.addi %add3A_1333, %xor3A_540 : vector<16xi32>
        %add3A_1347 = arith.addi %add3A_1333, %xor3A_543 : vector<16xi32>
        %add3A_1348 = arith.addi %add3A_1333, %xor3A_546 : vector<16xi32>
        %add3A_1349 = arith.addi %add3A_1333, %xor3A_549 : vector<16xi32>
        %add3A_1350 = arith.addi %add3A_1333, %xor3A_552 : vector<16xi32>
        %add3A_1351 = arith.addi %add3A_1333, %xor3A_555 : vector<16xi32>
        %add3A_1352 = arith.addi %add3A_1333, %xor3A_558 : vector<16xi32>
        %add3A_1353 = arith.addi %add3A_1333, %xor3A_561 : vector<16xi32>
        %parallel_loop3A = arith.constant 0 : i32
        %parallel_loop3A_1354 = arith.constant 8 : i32
        %parallel_loop3A_1355 = arith.constant 1 : i32
        %parallel_loop3A_1356:4 = scf.for %parallel_loop3A_1361 = %parallel_loop3A to %parallel_loop3A_1354 step %parallel_loop3A_1355 iter_args(%parallel_loop3A_1362 = %broadcast_in_dim3A_1, %parallel_loop3A_1363 = %broadcast_in_dim3A_1, %parallel_loop3A_1364 = %broadcast_in_dim3A_1, %parallel_loop3A_1365 = %broadcast_in_dim3A_1) -> (vector<16xf32>, vector<16xf32>, vector<16xf32>, vector<16xf32>)  : i32 {
          %parallel_loop3A_1366 = arith.constant 16 : i32
          %parallel_loop3A_1367 = arith.muli %parallel_loop3A_1361, %parallel_loop3A_1366 : i32
          %parallel_loop3A_1368 = vector.broadcast %parallel_loop3A_1367 : i32 to vector<16xi32>
          %parallel_loop3A_1369 = arith.addi %add3A_1338, %parallel_loop3A_1368 : vector<16xi32>
          %parallel_loop3A_1370 = tpu.vector_load_idx %arg5[%parallel_loop3A_1369] : memref<40960xf32, #tpu.memory_space<vmem>>[vector<16xi32>], vector<16xf32>,
          %parallel_loop3A_1371 = arith.addf %parallel_loop3A_1362, %parallel_loop3A_1370 : vector<16xf32>
          %parallel_loop3A_1372 = arith.addi %add3A_1339, %parallel_loop3A_1368 : vector<16xi32>
          %parallel_loop3A_1373 = tpu.vector_load_idx %arg5[%parallel_loop3A_1372] : memref<40960xf32, #tpu.memory_space<vmem>>[vector<16xi32>], vector<16xf32>,
          %parallel_loop3A_1374 = arith.addf %parallel_loop3A_1363, %parallel_loop3A_1373 : vector<16xf32>
          %parallel_loop3A_1375 = arith.addi %add3A_1340, %parallel_loop3A_1368 : vector<16xi32>
          %parallel_loop3A_1376 = tpu.vector_load_idx %arg5[%parallel_loop3A_1375] : memref<40960xf32, #tpu.memory_space<vmem>>[vector<16xi32>], vector<16xf32>,
          %parallel_loop3A_1377 = arith.addf %parallel_loop3A_1364, %parallel_loop3A_1376 : vector<16xf32>
          %parallel_loop3A_1378 = arith.addi %add3A_1341, %parallel_loop3A_1368 : vector<16xi32>
          %parallel_loop3A_1379 = tpu.vector_load_idx %arg5[%parallel_loop3A_1378] : memref<40960xf32, #tpu.memory_space<vmem>>[vector<16xi32>], vector<16xf32>,
          %parallel_loop3A_1380 = arith.addf %parallel_loop3A_1365, %parallel_loop3A_1379 : vector<16xf32>
          %parallel_loop3A_1381 = arith.addi %add3A_1342, %parallel_loop3A_1368 : vector<16xi32>
          %parallel_loop3A_1382 = tpu.vector_load_idx %arg5[%parallel_loop3A_1381] : memref<40960xf32, #tpu.memory_space<vmem>>[vector<16xi32>], vector<16xf32>,
          %parallel_loop3A_1383 = arith.addf %parallel_loop3A_1371, %parallel_loop3A_1382 : vector<16xf32>
          %parallel_loop3A_1384 = arith.addi %add3A_1343, %parallel_loop3A_1368 : vector<16xi32>
          %parallel_loop3A_1385 = tpu.vector_load_idx %arg5[%parallel_loop3A_1384] : memref<40960xf32, #tpu.memory_space<vmem>>[vector<16xi32>], vector<16xf32>,
          %parallel_loop3A_1386 = arith.addf %parallel_loop3A_1374, %parallel_loop3A_1385 : vector<16xf32>
          %parallel_loop3A_1387 = arith.addi %add3A_1344, %parallel_loop3A_1368 : vector<16xi32>
          %parallel_loop3A_1388 = tpu.vector_load_idx %arg5[%parallel_loop3A_1387] : memref<40960xf32, #tpu.memory_space<vmem>>[vector<16xi32>], vector<16xf32>,
          %parallel_loop3A_1389 = arith.addf %parallel_loop3A_1377, %parallel_loop3A_1388 : vector<16xf32>
          %parallel_loop3A_1390 = arith.addi %add3A_1345, %parallel_loop3A_1368 : vector<16xi32>
          %parallel_loop3A_1391 = tpu.vector_load_idx %arg5[%parallel_loop3A_1390] : memref<40960xf32, #tpu.memory_space<vmem>>[vector<16xi32>], vector<16xf32>,
          %parallel_loop3A_1392 = arith.addf %parallel_loop3A_1380, %parallel_loop3A_1391 : vector<16xf32>
          %parallel_loop3A_1393 = arith.addi %add3A_1346, %parallel_loop3A_1368 : vector<16xi32>
          %parallel_loop3A_1394 = tpu.vector_load_idx %arg5[%parallel_loop3A_1393] : memref<40960xf32, #tpu.memory_space<vmem>>[vector<16xi32>], vector<16xf32>,
          %parallel_loop3A_1395 = arith.addf %parallel_loop3A_1383, %parallel_loop3A_1394 : vector<16xf32>
          %parallel_loop3A_1396 = arith.addi %add3A_1347, %parallel_loop3A_1368 : vector<16xi32>
          %parallel_loop3A_1397 = tpu.vector_load_idx %arg5[%parallel_loop3A_1396] : memref<40960xf32, #tpu.memory_space<vmem>>[vector<16xi32>], vector<16xf32>,
          %parallel_loop3A_1398 = arith.addf %parallel_loop3A_1386, %parallel_loop3A_1397 : vector<16xf32>
          %parallel_loop3A_1399 = arith.addi %add3A_1348, %parallel_loop3A_1368 : vector<16xi32>
          %parallel_loop3A_1400 = tpu.vector_load_idx %arg5[%parallel_loop3A_1399] : memref<40960xf32, #tpu.memory_space<vmem>>[vector<16xi32>], vector<16xf32>,
          %parallel_loop3A_1401 = arith.addf %parallel_loop3A_1389, %parallel_loop3A_1400 : vector<16xf32>
          %parallel_loop3A_1402 = arith.addi %add3A_1349, %parallel_loop3A_1368 : vector<16xi32>
          %parallel_loop3A_1403 = tpu.vector_load_idx %arg5[%parallel_loop3A_1402] : memref<40960xf32, #tpu.memory_space<vmem>>[vector<16xi32>], vector<16xf32>,
          %parallel_loop3A_1404 = arith.addf %parallel_loop3A_1392, %parallel_loop3A_1403 : vector<16xf32>
          %parallel_loop3A_1405 = arith.addi %add3A_1350, %parallel_loop3A_1368 : vector<16xi32>
          %parallel_loop3A_1406 = tpu.vector_load_idx %arg5[%parallel_loop3A_1405] : memref<40960xf32, #tpu.memory_space<vmem>>[vector<16xi32>], vector<16xf32>,
          %parallel_loop3A_1407 = arith.addf %parallel_loop3A_1395, %parallel_loop3A_1406 : vector<16xf32>
          %parallel_loop3A_1408 = arith.addi %add3A_1351, %parallel_loop3A_1368 : vector<16xi32>
          %parallel_loop3A_1409 = tpu.vector_load_idx %arg5[%parallel_loop3A_1408] : memref<40960xf32, #tpu.memory_space<vmem>>[vector<16xi32>], vector<16xf32>,
          %parallel_loop3A_1410 = arith.addf %parallel_loop3A_1398, %parallel_loop3A_1409 : vector<16xf32>
          %parallel_loop3A_1411 = arith.addi %add3A_1352, %parallel_loop3A_1368 : vector<16xi32>
          %parallel_loop3A_1412 = tpu.vector_load_idx %arg5[%parallel_loop3A_1411] : memref<40960xf32, #tpu.memory_space<vmem>>[vector<16xi32>], vector<16xf32>,
          %parallel_loop3A_1413 = arith.addf %parallel_loop3A_1401, %parallel_loop3A_1412 : vector<16xf32>
          %parallel_loop3A_1414 = arith.addi %add3A_1353, %parallel_loop3A_1368 : vector<16xi32>
          %parallel_loop3A_1415 = tpu.vector_load_idx %arg5[%parallel_loop3A_1414] : memref<40960xf32, #tpu.memory_space<vmem>>[vector<16xi32>], vector<16xf32>,
          %parallel_loop3A_1416 = arith.addf %parallel_loop3A_1404, %parallel_loop3A_1415 : vector<16xf32>
          scf.yield %parallel_loop3A_1407, %parallel_loop3A_1410, %parallel_loop3A_1413, %parallel_loop3A_1416 : vector<16xf32>, vector<16xf32>, vector<16xf32>, vector<16xf32>
        } {sc.loop_unroll_factor = 1 : i64, sc.parallel_access}
        %add3A_1357 = arith.addf %parallel_loop3A_1356#0, %parallel_loop3A_1356#1 : vector<16xf32>
        %add3A_1358 = arith.addf %parallel_loop3A_1356#2, %parallel_loop3A_1356#3 : vector<16xf32>
        %add3A_1359 = arith.addf %add3A_1357, %add3A_1358 : vector<16xf32>
        tpu.vector_store_idx %arg7[%iota3A, %get3A_1337], %add3A_1359 {add = true} : memref<16x64xf32, #tpu.memory_space<vmem>>[vector<16xi32>, vector<16xi32>], vector<16xf32>,
        tpu.vector_store_idx %arg8[%iota3A, %get3A_1337], %broadcast_in_dim3A_3 {add = true} : memref<16x64xf32, #tpu.memory_space<vmem>>[vector<16xi32>, vector<16xi32>], vector<16xf32>,
        %scan3A_1360 = arith.constant 0 : i32
        scf.yield %scan3A_1360 : i32
      }
      %scan3A_1311 = arith.constant 5 : i32
      %dma_wait3A_1312 = arith.constant 30720 : i32
      %dma_wait3A_1313 = tpu.memref_slice %arg5[%dma_wait3A_1312] : memref<40960xf32, #tpu.memory_space<vmem>> -> memref<10240xf32, #tpu.memory_space<vmem>>
      %dma_wait3A_1314 = tpu.memref_slice %arg2[%mul3A_1268] : memref<1280000xf32, #tpu.memory_space<hbm>> -> memref<10240xf32, #tpu.memory_space<hbm>>
      %dma_wait3A_1315 = arith.constant 30720 : i32
      %dma_wait3A_1316 = tpu.memref_slice %arg5[%dma_wait3A_1315] : memref<40960xf32, #tpu.memory_space<vmem>> -> memref<10240xf32, #tpu.memory_space<vmem>>
      %dma_wait3A_1317 = tpu.memref_slice %arg2[%mul3A_1268] : memref<1280000xf32, #tpu.memory_space<hbm>> -> memref<10240xf32, #tpu.memory_space<hbm>>
      tpu.wait_dma2 semaphore(%arg10 : memref<!tpu.dma_semaphore, #tpu.memory_space<semaphore_mem>>) src(%dma_wait3A_1317 : memref<10240xf32, #tpu.memory_space<hbm>>) dst(%dma_wait3A_1316 : memref<10240xf32, #tpu.memory_space<vmem>>)
      %scan3A_1318 = arith.constant 0 : i32
      %scan3A_1319 = arith.constant 15 : i32
      %scan3A_1320 = arith.constant 5 : i32
      %scan3A_1321 = arith.addi %scan3A_1319, %scan3A_1320 : i32
      %scan3A_1322 = arith.constant 1 : i32
      %scan3A_1323 = scf.for %scan3A_1325 = %scan3A_1319 to %scan3A_1321 step %scan3A_1322 iter_args(%scan3A_1326 = %scan3A_1318) -> (i32)  : i32 {
        %mul3A_1327 = arith.constant 2048 : i32
        %mul3A_1328 = arith.muli %scan3A_1325, %mul3A_1327 : i32
        %mul3A_1329 = arith.constant 128 : i32
        %mul3A_1330 = vector.broadcast %mul3A_1329 : i32 to vector<16xi32>
        %mul3A_1331 = arith.muli %iota3A, %mul3A_1330 : vector<16xi32>
        %add3A_1332 = vector.broadcast %mul3A_1328 : i32 to vector<16xi32>
        %add3A_1333 = arith.addi %add3A_1332, %mul3A_1331 : vector<16xi32>
        %mul3A_1334 = arith.constant 16 : i32
        %mul3A_1335 = arith.muli %scan3A_1325, %mul3A_1334 : i32
        %multiple_of3A = tpu.assume_multiple %mul3A_1335, 16 : i32
        %get3A_1336 = arith.index_cast %multiple_of3A : i32 to index
        %get3A_1337 = tpu.vector_load %arg6[%get3A_1336] {strides = array<i32>} : memref<320xi32, #tpu.memory_space<vmem>>, vector<16xi32>,
        %add3A_1338 = arith.addi %add3A_1333, %xor3A_516 : vector<16xi32>
        %add3A_1339 = arith.addi %add3A_1333, %xor3A_519 : vector<16xi32>
        %add3A_1340 = arith.addi %add3A_1333, %xor3A_522 : vector<16xi32>
        %add3A_1341 = arith.addi %add3A_1333, %xor3A_525 : vector<16xi32>
        %add3A_1342 = arith.addi %add3A_1333, %xor3A_528 : vector<16xi32>
        %add3A_1343 = arith.addi %add3A_1333, %xor3A_531 : vector<16xi32>
        %add3A_1344 = arith.addi %add3A_1333, %xor3A_534 : vector<16xi32>
        %add3A_1345 = arith.addi %add3A_1333, %xor3A_537 : vector<16xi32>
        %add3A_1346 = arith.addi %add3A_1333, %xor3A_540 : vector<16xi32>
        %add3A_1347 = arith.addi %add3A_1333, %xor3A_543 : vector<16xi32>
        %add3A_1348 = arith.addi %add3A_1333, %xor3A_546 : vector<16xi32>
        %add3A_1349 = arith.addi %add3A_1333, %xor3A_549 : vector<16xi32>
        %add3A_1350 = arith.addi %add3A_1333, %xor3A_552 : vector<16xi32>
        %add3A_1351 = arith.addi %add3A_1333, %xor3A_555 : vector<16xi32>
        %add3A_1352 = arith.addi %add3A_1333, %xor3A_558 : vector<16xi32>
        %add3A_1353 = arith.addi %add3A_1333, %xor3A_561 : vector<16xi32>
        %parallel_loop3A = arith.constant 0 : i32
        %parallel_loop3A_1354 = arith.constant 8 : i32
        %parallel_loop3A_1355 = arith.constant 1 : i32
        %parallel_loop3A_1356:4 = scf.for %parallel_loop3A_1361 = %parallel_loop3A to %parallel_loop3A_1354 step %parallel_loop3A_1355 iter_args(%parallel_loop3A_1362 = %broadcast_in_dim3A_1, %parallel_loop3A_1363 = %broadcast_in_dim3A_1, %parallel_loop3A_1364 = %broadcast_in_dim3A_1, %parallel_loop3A_1365 = %broadcast_in_dim3A_1) -> (vector<16xf32>, vector<16xf32>, vector<16xf32>, vector<16xf32>)  : i32 {
          %parallel_loop3A_1366 = arith.constant 16 : i32
          %parallel_loop3A_1367 = arith.muli %parallel_loop3A_1361, %parallel_loop3A_1366 : i32
          %parallel_loop3A_1368 = vector.broadcast %parallel_loop3A_1367 : i32 to vector<16xi32>
          %parallel_loop3A_1369 = arith.addi %add3A_1338, %parallel_loop3A_1368 : vector<16xi32>
          %parallel_loop3A_1370 = tpu.vector_load_idx %arg5[%parallel_loop3A_1369] : memref<40960xf32, #tpu.memory_space<vmem>>[vector<16xi32>], vector<16xf32>,
          %parallel_loop3A_1371 = arith.addf %parallel_loop3A_1362, %parallel_loop3A_1370 : vector<16xf32>
          %parallel_loop3A_1372 = arith.addi %add3A_1339, %parallel_loop3A_1368 : vector<16xi32>
          %parallel_loop3A_1373 = tpu.vector_load_idx %arg5[%parallel_loop3A_1372] : memref<40960xf32, #tpu.memory_space<vmem>>[vector<16xi32>], vector<16xf32>,
          %parallel_loop3A_1374 = arith.addf %parallel_loop3A_1363, %parallel_loop3A_1373 : vector<16xf32>
          %parallel_loop3A_1375 = arith.addi %add3A_1340, %parallel_loop3A_1368 : vector<16xi32>
          %parallel_loop3A_1376 = tpu.vector_load_idx %arg5[%parallel_loop3A_1375] : memref<40960xf32, #tpu.memory_space<vmem>>[vector<16xi32>], vector<16xf32>,
          %parallel_loop3A_1377 = arith.addf %parallel_loop3A_1364, %parallel_loop3A_1376 : vector<16xf32>
          %parallel_loop3A_1378 = arith.addi %add3A_1341, %parallel_loop3A_1368 : vector<16xi32>
          %parallel_loop3A_1379 = tpu.vector_load_idx %arg5[%parallel_loop3A_1378] : memref<40960xf32, #tpu.memory_space<vmem>>[vector<16xi32>], vector<16xf32>,
          %parallel_loop3A_1380 = arith.addf %parallel_loop3A_1365, %parallel_loop3A_1379 : vector<16xf32>
          %parallel_loop3A_1381 = arith.addi %add3A_1342, %parallel_loop3A_1368 : vector<16xi32>
          %parallel_loop3A_1382 = tpu.vector_load_idx %arg5[%parallel_loop3A_1381] : memref<40960xf32, #tpu.memory_space<vmem>>[vector<16xi32>], vector<16xf32>,
          %parallel_loop3A_1383 = arith.addf %parallel_loop3A_1371, %parallel_loop3A_1382 : vector<16xf32>
          %parallel_loop3A_1384 = arith.addi %add3A_1343, %parallel_loop3A_1368 : vector<16xi32>
          %parallel_loop3A_1385 = tpu.vector_load_idx %arg5[%parallel_loop3A_1384] : memref<40960xf32, #tpu.memory_space<vmem>>[vector<16xi32>], vector<16xf32>,
          %parallel_loop3A_1386 = arith.addf %parallel_loop3A_1374, %parallel_loop3A_1385 : vector<16xf32>
          %parallel_loop3A_1387 = arith.addi %add3A_1344, %parallel_loop3A_1368 : vector<16xi32>
          %parallel_loop3A_1388 = tpu.vector_load_idx %arg5[%parallel_loop3A_1387] : memref<40960xf32, #tpu.memory_space<vmem>>[vector<16xi32>], vector<16xf32>,
          %parallel_loop3A_1389 = arith.addf %parallel_loop3A_1377, %parallel_loop3A_1388 : vector<16xf32>
          %parallel_loop3A_1390 = arith.addi %add3A_1345, %parallel_loop3A_1368 : vector<16xi32>
          %parallel_loop3A_1391 = tpu.vector_load_idx %arg5[%parallel_loop3A_1390] : memref<40960xf32, #tpu.memory_space<vmem>>[vector<16xi32>], vector<16xf32>,
          %parallel_loop3A_1392 = arith.addf %parallel_loop3A_1380, %parallel_loop3A_1391 : vector<16xf32>
          %parallel_loop3A_1393 = arith.addi %add3A_1346, %parallel_loop3A_1368 : vector<16xi32>
          %parallel_loop3A_1394 = tpu.vector_load_idx %arg5[%parallel_loop3A_1393] : memref<40960xf32, #tpu.memory_space<vmem>>[vector<16xi32>], vector<16xf32>,
          %parallel_loop3A_1395 = arith.addf %parallel_loop3A_1383, %parallel_loop3A_1394 : vector<16xf32>
          %parallel_loop3A_1396 = arith.addi %add3A_1347, %parallel_loop3A_1368 : vector<16xi32>
          %parallel_loop3A_1397 = tpu.vector_load_idx %arg5[%parallel_loop3A_1396] : memref<40960xf32, #tpu.memory_space<vmem>>[vector<16xi32>], vector<16xf32>,
          %parallel_loop3A_1398 = arith.addf %parallel_loop3A_1386, %parallel_loop3A_1397 : vector<16xf32>
          %parallel_loop3A_1399 = arith.addi %add3A_1348, %parallel_loop3A_1368 : vector<16xi32>
          %parallel_loop3A_1400 = tpu.vector_load_idx %arg5[%parallel_loop3A_1399] : memref<40960xf32, #tpu.memory_space<vmem>>[vector<16xi32>], vector<16xf32>,
          %parallel_loop3A_1401 = arith.addf %parallel_loop3A_1389, %parallel_loop3A_1400 : vector<16xf32>
          %parallel_loop3A_1402 = arith.addi %add3A_1349, %parallel_loop3A_1368 : vector<16xi32>
          %parallel_loop3A_1403 = tpu.vector_load_idx %arg5[%parallel_loop3A_1402] : memref<40960xf32, #tpu.memory_space<vmem>>[vector<16xi32>], vector<16xf32>,
          %parallel_loop3A_1404 = arith.addf %parallel_loop3A_1392, %parallel_loop3A_1403 : vector<16xf32>
          %parallel_loop3A_1405 = arith.addi %add3A_1350, %parallel_loop3A_1368 : vector<16xi32>
          %parallel_loop3A_1406 = tpu.vector_load_idx %arg5[%parallel_loop3A_1405] : memref<40960xf32, #tpu.memory_space<vmem>>[vector<16xi32>], vector<16xf32>,
          %parallel_loop3A_1407 = arith.addf %parallel_loop3A_1395, %parallel_loop3A_1406 : vector<16xf32>
          %parallel_loop3A_1408 = arith.addi %add3A_1351, %parallel_loop3A_1368 : vector<16xi32>
          %parallel_loop3A_1409 = tpu.vector_load_idx %arg5[%parallel_loop3A_1408] : memref<40960xf32, #tpu.memory_space<vmem>>[vector<16xi32>], vector<16xf32>,
          %parallel_loop3A_1410 = arith.addf %parallel_loop3A_1398, %parallel_loop3A_1409 : vector<16xf32>
          %parallel_loop3A_1411 = arith.addi %add3A_1352, %parallel_loop3A_1368 : vector<16xi32>
          %parallel_loop3A_1412 = tpu.vector_load_idx %arg5[%parallel_loop3A_1411] : memref<40960xf32, #tpu.memory_space<vmem>>[vector<16xi32>], vector<16xf32>,
          %parallel_loop3A_1413 = arith.addf %parallel_loop3A_1401, %parallel_loop3A_1412 : vector<16xf32>
          %parallel_loop3A_1414 = arith.addi %add3A_1353, %parallel_loop3A_1368 : vector<16xi32>
          %parallel_loop3A_1415 = tpu.vector_load_idx %arg5[%parallel_loop3A_1414] : memref<40960xf32, #tpu.memory_space<vmem>>[vector<16xi32>], vector<16xf32>,
          %parallel_loop3A_1416 = arith.addf %parallel_loop3A_1404, %parallel_loop3A_1415 : vector<16xf32>
          scf.yield %parallel_loop3A_1407, %parallel_loop3A_1410, %parallel_loop3A_1413, %parallel_loop3A_1416 : vector<16xf32>, vector<16xf32>, vector<16xf32>, vector<16xf32>
        } {sc.loop_unroll_factor = 1 : i64, sc.parallel_access}
        %add3A_1357 = arith.addf %parallel_loop3A_1356#0, %parallel_loop3A_1356#1 : vector<16xf32>
        %add3A_1358 = arith.addf %parallel_loop3A_1356#2, %parallel_loop3A_1356#3 : vector<16xf32>
        %add3A_1359 = arith.addf %add3A_1357, %add3A_1358 : vector<16xf32>
        tpu.vector_store_idx %arg7[%iota3A, %get3A_1337], %add3A_1359 {add = true} : memref<16x64xf32, #tpu.memory_space<vmem>>[vector<16xi32>, vector<16xi32>], vector<16xf32>,
        tpu.vector_store_idx %arg8[%iota3A, %get3A_1337], %broadcast_in_dim3A_3 {add = true} : memref<16x64xf32, #tpu.memory_space<vmem>>[vector<16xi32>, vector<16xi32>], vector<16xf32>,
        %scan3A_1360 = arith.constant 0 : i32
        scf.yield %scan3A_1360 : i32
      }
      %scan3A_1324 = arith.constant 5 : i32
    } else {
    }
    %eq3A = arith.constant 31 : i32
    %eq3A_564 = arith.cmpi eq, %add3A, %eq3A : i32
    %convert_element_type3A_565 = arith.extui %eq3A_564 : i1 to i32
    %cond3A_566 = arith.constant 0 : i32
    %cond3A_567 = arith.cmpi ne, %convert_element_type3A_565, %cond3A_566 : i32
    scf.if %cond3A_567 {
      "tpu.region"() ({
        %run_scoped3A_1240 = tpu.sem_alloc : memref<!tpu.dma_semaphore, #tpu.memory_space<semaphore_mem>>
        %dma_start3A = arith.constant 0 : i32
        %dma_start3A_1241 = tpu.memref_slice %arg5[%dma_start3A] : memref<40960xf32, #tpu.memory_space<vmem>> -> memref<10240xf32, #tpu.memory_space<vmem>>
        %dma_start3A_1242 = arith.constant 1269760 : i32
        %dma_start3A_1243 = tpu.memref_slice %arg2[%dma_start3A_1242] : memref<1280000xf32, #tpu.memory_space<hbm>> -> memref<10240xf32, #tpu.memory_space<hbm>>
        %dma_start3A_1244 = arith.constant 0 : i32
        %dma_start3A_1245 = tpu.memref_slice %arg5[%dma_start3A_1244] : memref<40960xf32, #tpu.memory_space<vmem>> -> memref<10240xf32, #tpu.memory_space<vmem>>
        %dma_start3A_1246 = arith.constant 1269760 : i32
        %dma_start3A_1247 = tpu.memref_slice %arg2[%dma_start3A_1246] : memref<1280000xf32, #tpu.memory_space<hbm>> -> memref<10240xf32, #tpu.memory_space<hbm>>
        tpu.enqueue_dma source(%dma_start3A_1247 : memref<10240xf32, #tpu.memory_space<hbm>>) target(%dma_start3A_1245 : memref<10240xf32, #tpu.memory_space<vmem>>) target_semaphore(%run_scoped3A_1240 : memref<!tpu.dma_semaphore, #tpu.memory_space<semaphore_mem>>)
        %dma_wait3A = arith.constant 0 : i32
        %dma_wait3A_1248 = tpu.memref_slice %arg5[%dma_wait3A] : memref<40960xf32, #tpu.memory_space<vmem>> -> memref<10240xf32, #tpu.memory_space<vmem>>
        %dma_wait3A_1249 = arith.constant 1269760 : i32
        %dma_wait3A_1250 = tpu.memref_slice %arg2[%dma_wait3A_1249] : memref<1280000xf32, #tpu.memory_space<hbm>> -> memref<10240xf32, #tpu.memory_space<hbm>>
        %dma_wait3A_1251 = arith.constant 0 : i32
        %dma_wait3A_1252 = tpu.memref_slice %arg5[%dma_wait3A_1251] : memref<40960xf32, #tpu.memory_space<vmem>> -> memref<10240xf32, #tpu.memory_space<vmem>>
        %dma_wait3A_1253 = arith.constant 1269760 : i32
        %dma_wait3A_1254 = tpu.memref_slice %arg2[%dma_wait3A_1253] : memref<1280000xf32, #tpu.memory_space<hbm>> -> memref<10240xf32, #tpu.memory_space<hbm>>
        tpu.wait_dma2 semaphore(%run_scoped3A_1240 : memref<!tpu.dma_semaphore, #tpu.memory_space<semaphore_mem>>) src(%dma_wait3A_1254 : memref<10240xf32, #tpu.memory_space<hbm>>) dst(%dma_wait3A_1252 : memref<10240xf32, #tpu.memory_space<vmem>>)
        tpu.yield
      }) : () -> ()
      "tpu.region"() ({
        %run_scoped3A_1240 = tpu.sem_alloc : memref<!tpu.dma_semaphore, #tpu.memory_space<semaphore_mem>>
        %dma_start3A = arith.constant 0 : i32
        %dma_start3A_1241 = tpu.memref_slice %arg6[%dma_start3A] : memref<320xi32, #tpu.memory_space<vmem>> -> memref<80xi32, #tpu.memory_space<vmem>>
        %dma_start3A_1242 = arith.constant 9920 : i32
        %dma_start3A_1243 = tpu.memref_slice %arg3[%dma_start3A_1242] : memref<10000xi32, #tpu.memory_space<hbm>> -> memref<80xi32, #tpu.memory_space<hbm>>
        %dma_start3A_1244 = arith.constant 0 : i32
        %dma_start3A_1245 = tpu.memref_slice %arg6[%dma_start3A_1244] : memref<320xi32, #tpu.memory_space<vmem>> -> memref<80xi32, #tpu.memory_space<vmem>>
        %dma_start3A_1246 = arith.constant 9920 : i32
        %dma_start3A_1247 = tpu.memref_slice %arg3[%dma_start3A_1246] : memref<10000xi32, #tpu.memory_space<hbm>> -> memref<80xi32, #tpu.memory_space<hbm>>
        tpu.enqueue_dma source(%dma_start3A_1247 : memref<80xi32, #tpu.memory_space<hbm>>) target(%dma_start3A_1245 : memref<80xi32, #tpu.memory_space<vmem>>) target_semaphore(%run_scoped3A_1240 : memref<!tpu.dma_semaphore, #tpu.memory_space<semaphore_mem>>)
        %dma_wait3A = arith.constant 0 : i32
        %dma_wait3A_1248 = tpu.memref_slice %arg6[%dma_wait3A] : memref<320xi32, #tpu.memory_space<vmem>> -> memref<80xi32, #tpu.memory_space<vmem>>
        %dma_wait3A_1249 = arith.constant 9920 : i32
        %dma_wait3A_1250 = tpu.memref_slice %arg3[%dma_wait3A_1249] : memref<10000xi32, #tpu.memory_space<hbm>> -> memref<80xi32, #tpu.memory_space<hbm>>
        %dma_wait3A_1251 = arith.constant 0 : i32
        %dma_wait3A_1252 = tpu.memref_slice %arg6[%dma_wait3A_1251] : memref<320xi32, #tpu.memory_space<vmem>> -> memref<80xi32, #tpu.memory_space<vmem>>
        %dma_wait3A_1253 = arith.constant 9920 : i32
        %dma_wait3A_1254 = tpu.memref_slice %arg3[%dma_wait3A_1253] : memref<10000xi32, #tpu.memory_space<hbm>> -> memref<80xi32, #tpu.memory_space<hbm>>
        tpu.wait_dma2 semaphore(%run_scoped3A_1240 : memref<!tpu.dma_semaphore, #tpu.memory_space<semaphore_mem>>) src(%dma_wait3A_1254 : memref<80xi32, #tpu.memory_space<hbm>>) dst(%dma_wait3A_1252 : memref<80xi32, #tpu.memory_space<vmem>>)
        tpu.yield
      }) : () -> ()
      %scan3A = arith.constant 0 : i32
      %scan3A_1234 = arith.constant 0 : i32
      %scan3A_1235 = arith.constant 5 : i32
      %scan3A_1236 = arith.addi %scan3A_1234, %scan3A_1235 : i32
      %scan3A_1237 = arith.constant 1 : i32
      %scan3A_1238 = scf.for %scan3A_1240 = %scan3A_1234 to %scan3A_1236 step %scan3A_1237 iter_args(%scan3A_1241 = %scan3A) -> (i32)  : i32 {
        %mul3A_1242 = arith.constant 2048 : i32
        %mul3A_1243 = arith.muli %scan3A_1240, %mul3A_1242 : i32
        %mul3A_1244 = arith.constant 128 : i32
        %mul3A_1245 = vector.broadcast %mul3A_1244 : i32 to vector<16xi32>
        %mul3A_1246 = arith.muli %iota3A, %mul3A_1245 : vector<16xi32>
        %add3A_1247 = vector.broadcast %mul3A_1243 : i32 to vector<16xi32>
        %add3A_1248 = arith.addi %add3A_1247, %mul3A_1246 : vector<16xi32>
        %mul3A_1249 = arith.constant 16 : i32
        %mul3A_1250 = arith.muli %scan3A_1240, %mul3A_1249 : i32
        %multiple_of3A = tpu.assume_multiple %mul3A_1250, 16 : i32
        %get3A_1251 = arith.index_cast %multiple_of3A : i32 to index
        %get3A_1252 = tpu.vector_load %arg6[%get3A_1251] {strides = array<i32>} : memref<320xi32, #tpu.memory_space<vmem>>, vector<16xi32>,
        %add3A_1253 = arith.addi %add3A_1248, %xor3A_516 : vector<16xi32>
        %add3A_1254 = arith.addi %add3A_1248, %xor3A_519 : vector<16xi32>
        %add3A_1255 = arith.addi %add3A_1248, %xor3A_522 : vector<16xi32>
        %add3A_1256 = arith.addi %add3A_1248, %xor3A_525 : vector<16xi32>
        %add3A_1257 = arith.addi %add3A_1248, %xor3A_528 : vector<16xi32>
        %add3A_1258 = arith.addi %add3A_1248, %xor3A_531 : vector<16xi32>
        %add3A_1259 = arith.addi %add3A_1248, %xor3A_534 : vector<16xi32>
        %add3A_1260 = arith.addi %add3A_1248, %xor3A_537 : vector<16xi32>
        %add3A_1261 = arith.addi %add3A_1248, %xor3A_540 : vector<16xi32>
        %add3A_1262 = arith.addi %add3A_1248, %xor3A_543 : vector<16xi32>
        %add3A_1263 = arith.addi %add3A_1248, %xor3A_546 : vector<16xi32>
        %add3A_1264 = arith.addi %add3A_1248, %xor3A_549 : vector<16xi32>
        %add3A_1265 = arith.addi %add3A_1248, %xor3A_552 : vector<16xi32>
        %add3A_1266 = arith.addi %add3A_1248, %xor3A_555 : vector<16xi32>
        %add3A_1267 = arith.addi %add3A_1248, %xor3A_558 : vector<16xi32>
        %add3A_1268 = arith.addi %add3A_1248, %xor3A_561 : vector<16xi32>
        %parallel_loop3A = arith.constant 0 : i32
        %parallel_loop3A_1269 = arith.constant 8 : i32
        %parallel_loop3A_1270 = arith.constant 1 : i32
        %parallel_loop3A_1271:4 = scf.for %parallel_loop3A_1276 = %parallel_loop3A to %parallel_loop3A_1269 step %parallel_loop3A_1270 iter_args(%parallel_loop3A_1277 = %broadcast_in_dim3A_1, %parallel_loop3A_1278 = %broadcast_in_dim3A_1, %parallel_loop3A_1279 = %broadcast_in_dim3A_1, %parallel_loop3A_1280 = %broadcast_in_dim3A_1) -> (vector<16xf32>, vector<16xf32>, vector<16xf32>, vector<16xf32>)  : i32 {
          %parallel_loop3A_1281 = arith.constant 16 : i32
          %parallel_loop3A_1282 = arith.muli %parallel_loop3A_1276, %parallel_loop3A_1281 : i32
          %parallel_loop3A_1283 = vector.broadcast %parallel_loop3A_1282 : i32 to vector<16xi32>
          %parallel_loop3A_1284 = arith.addi %add3A_1253, %parallel_loop3A_1283 : vector<16xi32>
          %parallel_loop3A_1285 = tpu.vector_load_idx %arg5[%parallel_loop3A_1284] : memref<40960xf32, #tpu.memory_space<vmem>>[vector<16xi32>], vector<16xf32>,
          %parallel_loop3A_1286 = arith.addf %parallel_loop3A_1277, %parallel_loop3A_1285 : vector<16xf32>
          %parallel_loop3A_1287 = arith.addi %add3A_1254, %parallel_loop3A_1283 : vector<16xi32>
          %parallel_loop3A_1288 = tpu.vector_load_idx %arg5[%parallel_loop3A_1287] : memref<40960xf32, #tpu.memory_space<vmem>>[vector<16xi32>], vector<16xf32>,
          %parallel_loop3A_1289 = arith.addf %parallel_loop3A_1278, %parallel_loop3A_1288 : vector<16xf32>
          %parallel_loop3A_1290 = arith.addi %add3A_1255, %parallel_loop3A_1283 : vector<16xi32>
          %parallel_loop3A_1291 = tpu.vector_load_idx %arg5[%parallel_loop3A_1290] : memref<40960xf32, #tpu.memory_space<vmem>>[vector<16xi32>], vector<16xf32>,
          %parallel_loop3A_1292 = arith.addf %parallel_loop3A_1279, %parallel_loop3A_1291 : vector<16xf32>
          %parallel_loop3A_1293 = arith.addi %add3A_1256, %parallel_loop3A_1283 : vector<16xi32>
          %parallel_loop3A_1294 = tpu.vector_load_idx %arg5[%parallel_loop3A_1293] : memref<40960xf32, #tpu.memory_space<vmem>>[vector<16xi32>], vector<16xf32>,
          %parallel_loop3A_1295 = arith.addf %parallel_loop3A_1280, %parallel_loop3A_1294 : vector<16xf32>
          %parallel_loop3A_1296 = arith.addi %add3A_1257, %parallel_loop3A_1283 : vector<16xi32>
          %parallel_loop3A_1297 = tpu.vector_load_idx %arg5[%parallel_loop3A_1296] : memref<40960xf32, #tpu.memory_space<vmem>>[vector<16xi32>], vector<16xf32>,
          %parallel_loop3A_1298 = arith.addf %parallel_loop3A_1286, %parallel_loop3A_1297 : vector<16xf32>
          %parallel_loop3A_1299 = arith.addi %add3A_1258, %parallel_loop3A_1283 : vector<16xi32>
          %parallel_loop3A_1300 = tpu.vector_load_idx %arg5[%parallel_loop3A_1299] : memref<40960xf32, #tpu.memory_space<vmem>>[vector<16xi32>], vector<16xf32>,
          %parallel_loop3A_1301 = arith.addf %parallel_loop3A_1289, %parallel_loop3A_1300 : vector<16xf32>
          %parallel_loop3A_1302 = arith.addi %add3A_1259, %parallel_loop3A_1283 : vector<16xi32>
          %parallel_loop3A_1303 = tpu.vector_load_idx %arg5[%parallel_loop3A_1302] : memref<40960xf32, #tpu.memory_space<vmem>>[vector<16xi32>], vector<16xf32>,
          %parallel_loop3A_1304 = arith.addf %parallel_loop3A_1292, %parallel_loop3A_1303 : vector<16xf32>
          %parallel_loop3A_1305 = arith.addi %add3A_1260, %parallel_loop3A_1283 : vector<16xi32>
          %parallel_loop3A_1306 = tpu.vector_load_idx %arg5[%parallel_loop3A_1305] : memref<40960xf32, #tpu.memory_space<vmem>>[vector<16xi32>], vector<16xf32>,
          %parallel_loop3A_1307 = arith.addf %parallel_loop3A_1295, %parallel_loop3A_1306 : vector<16xf32>
          %parallel_loop3A_1308 = arith.addi %add3A_1261, %parallel_loop3A_1283 : vector<16xi32>
          %parallel_loop3A_1309 = tpu.vector_load_idx %arg5[%parallel_loop3A_1308] : memref<40960xf32, #tpu.memory_space<vmem>>[vector<16xi32>], vector<16xf32>,
          %parallel_loop3A_1310 = arith.addf %parallel_loop3A_1298, %parallel_loop3A_1309 : vector<16xf32>
          %parallel_loop3A_1311 = arith.addi %add3A_1262, %parallel_loop3A_1283 : vector<16xi32>
          %parallel_loop3A_1312 = tpu.vector_load_idx %arg5[%parallel_loop3A_1311] : memref<40960xf32, #tpu.memory_space<vmem>>[vector<16xi32>], vector<16xf32>,
          %parallel_loop3A_1313 = arith.addf %parallel_loop3A_1301, %parallel_loop3A_1312 : vector<16xf32>
          %parallel_loop3A_1314 = arith.addi %add3A_1263, %parallel_loop3A_1283 : vector<16xi32>
          %parallel_loop3A_1315 = tpu.vector_load_idx %arg5[%parallel_loop3A_1314] : memref<40960xf32, #tpu.memory_space<vmem>>[vector<16xi32>], vector<16xf32>,
          %parallel_loop3A_1316 = arith.addf %parallel_loop3A_1304, %parallel_loop3A_1315 : vector<16xf32>
          %parallel_loop3A_1317 = arith.addi %add3A_1264, %parallel_loop3A_1283 : vector<16xi32>
          %parallel_loop3A_1318 = tpu.vector_load_idx %arg5[%parallel_loop3A_1317] : memref<40960xf32, #tpu.memory_space<vmem>>[vector<16xi32>], vector<16xf32>,
          %parallel_loop3A_1319 = arith.addf %parallel_loop3A_1307, %parallel_loop3A_1318 : vector<16xf32>
          %parallel_loop3A_1320 = arith.addi %add3A_1265, %parallel_loop3A_1283 : vector<16xi32>
          %parallel_loop3A_1321 = tpu.vector_load_idx %arg5[%parallel_loop3A_1320] : memref<40960xf32, #tpu.memory_space<vmem>>[vector<16xi32>], vector<16xf32>,
          %parallel_loop3A_1322 = arith.addf %parallel_loop3A_1310, %parallel_loop3A_1321 : vector<16xf32>
          %parallel_loop3A_1323 = arith.addi %add3A_1266, %parallel_loop3A_1283 : vector<16xi32>
          %parallel_loop3A_1324 = tpu.vector_load_idx %arg5[%parallel_loop3A_1323] : memref<40960xf32, #tpu.memory_space<vmem>>[vector<16xi32>], vector<16xf32>,
          %parallel_loop3A_1325 = arith.addf %parallel_loop3A_1313, %parallel_loop3A_1324 : vector<16xf32>
          %parallel_loop3A_1326 = arith.addi %add3A_1267, %parallel_loop3A_1283 : vector<16xi32>
          %parallel_loop3A_1327 = tpu.vector_load_idx %arg5[%parallel_loop3A_1326] : memref<40960xf32, #tpu.memory_space<vmem>>[vector<16xi32>], vector<16xf32>,
          %parallel_loop3A_1328 = arith.addf %parallel_loop3A_1316, %parallel_loop3A_1327 : vector<16xf32>
          %parallel_loop3A_1329 = arith.addi %add3A_1268, %parallel_loop3A_1283 : vector<16xi32>
          %parallel_loop3A_1330 = tpu.vector_load_idx %arg5[%parallel_loop3A_1329] : memref<40960xf32, #tpu.memory_space<vmem>>[vector<16xi32>], vector<16xf32>,
          %parallel_loop3A_1331 = arith.addf %parallel_loop3A_1319, %parallel_loop3A_1330 : vector<16xf32>
          scf.yield %parallel_loop3A_1322, %parallel_loop3A_1325, %parallel_loop3A_1328, %parallel_loop3A_1331 : vector<16xf32>, vector<16xf32>, vector<16xf32>, vector<16xf32>
        } {sc.loop_unroll_factor = 1 : i64, sc.parallel_access}
        %add3A_1272 = arith.addf %parallel_loop3A_1271#0, %parallel_loop3A_1271#1 : vector<16xf32>
        %add3A_1273 = arith.addf %parallel_loop3A_1271#2, %parallel_loop3A_1271#3 : vector<16xf32>
        %add3A_1274 = arith.addf %add3A_1272, %add3A_1273 : vector<16xf32>
        tpu.vector_store_idx %arg7[%iota3A, %get3A_1252], %add3A_1274 {add = true} : memref<16x64xf32, #tpu.memory_space<vmem>>[vector<16xi32>, vector<16xi32>], vector<16xf32>,
        tpu.vector_store_idx %arg8[%iota3A, %get3A_1252], %broadcast_in_dim3A_3 {add = true} : memref<16x64xf32, #tpu.memory_space<vmem>>[vector<16xi32>, vector<16xi32>], vector<16xf32>,
        %scan3A_1275 = arith.constant 0 : i32
        scf.yield %scan3A_1275 : i32
      }
      %scan3A_1239 = arith.constant 5 : i32
    } else {
    }
    %get3A = arith.constant 0 : i32
    %get3A_568 = arith.index_cast %get3A : i32 to index
    %get3A_569 = arith.constant 0 : index
    %get3A_570 = tpu.vector_load %arg7[%get3A_568, %get3A_569] {strides = array<i32>} : memref<16x64xf32, #tpu.memory_space<vmem>>, vector<16xf32>,
    %get3A_571 = arith.constant 0 : i32
    %get3A_572 = arith.index_cast %get3A_571 : i32 to index
    %get3A_573 = arith.constant 0 : index
    %get3A_574 = tpu.vector_load %arg8[%get3A_572, %get3A_573] {strides = array<i32>} : memref<16x64xf32, #tpu.memory_space<vmem>>, vector<16xf32>,
    %get3A_575 = arith.constant 1 : i32
    %get3A_576 = arith.index_cast %get3A_575 : i32 to index
    %get3A_577 = arith.constant 0 : index
    %get3A_578 = tpu.vector_load %arg7[%get3A_576, %get3A_577] {strides = array<i32>} : memref<16x64xf32, #tpu.memory_space<vmem>>, vector<16xf32>,
    %add3A_579 = arith.addf %get3A_570, %get3A_578 : vector<16xf32>
    %get3A_580 = arith.constant 1 : i32
    %get3A_581 = arith.index_cast %get3A_580 : i32 to index
    %get3A_582 = arith.constant 0 : index
    %get3A_583 = tpu.vector_load %arg8[%get3A_581, %get3A_582] {strides = array<i32>} : memref<16x64xf32, #tpu.memory_space<vmem>>, vector<16xf32>,
    %add3A_584 = arith.addf %get3A_574, %get3A_583 : vector<16xf32>
    %get3A_585 = arith.constant 2 : i32
    %get3A_586 = arith.index_cast %get3A_585 : i32 to index
    %get3A_587 = arith.constant 0 : index
    %get3A_588 = tpu.vector_load %arg7[%get3A_586, %get3A_587] {strides = array<i32>} : memref<16x64xf32, #tpu.memory_space<vmem>>, vector<16xf32>,
    %add3A_589 = arith.addf %add3A_579, %get3A_588 : vector<16xf32>
    %get3A_590 = arith.constant 2 : i32
    %get3A_591 = arith.index_cast %get3A_590 : i32 to index
    %get3A_592 = arith.constant 0 : index
    %get3A_593 = tpu.vector_load %arg8[%get3A_591, %get3A_592] {strides = array<i32>} : memref<16x64xf32, #tpu.memory_space<vmem>>, vector<16xf32>,
    %add3A_594 = arith.addf %add3A_584, %get3A_593 : vector<16xf32>
    %get3A_595 = arith.constant 3 : i32
    %get3A_596 = arith.index_cast %get3A_595 : i32 to index
    %get3A_597 = arith.constant 0 : index
    %get3A_598 = tpu.vector_load %arg7[%get3A_596, %get3A_597] {strides = array<i32>} : memref<16x64xf32, #tpu.memory_space<vmem>>, vector<16xf32>,
    %add3A_599 = arith.addf %add3A_589, %get3A_598 : vector<16xf32>
    %get3A_600 = arith.constant 3 : i32
    %get3A_601 = arith.index_cast %get3A_600 : i32 to index
    %get3A_602 = arith.constant 0 : index
    %get3A_603 = tpu.vector_load %arg8[%get3A_601, %get3A_602] {strides = array<i32>} : memref<16x64xf32, #tpu.memory_space<vmem>>, vector<16xf32>,
    %add3A_604 = arith.addf %add3A_594, %get3A_603 : vector<16xf32>
    %get3A_605 = arith.constant 4 : i32
    %get3A_606 = arith.index_cast %get3A_605 : i32 to index
    %get3A_607 = arith.constant 0 : index
    %get3A_608 = tpu.vector_load %arg7[%get3A_606, %get3A_607] {strides = array<i32>} : memref<16x64xf32, #tpu.memory_space<vmem>>, vector<16xf32>,
    %add3A_609 = arith.addf %add3A_599, %get3A_608 : vector<16xf32>
    %get3A_610 = arith.constant 4 : i32
    %get3A_611 = arith.index_cast %get3A_610 : i32 to index
    %get3A_612 = arith.constant 0 : index
    %get3A_613 = tpu.vector_load %arg8[%get3A_611, %get3A_612] {strides = array<i32>} : memref<16x64xf32, #tpu.memory_space<vmem>>, vector<16xf32>,
    %add3A_614 = arith.addf %add3A_604, %get3A_613 : vector<16xf32>
    %get3A_615 = arith.constant 5 : i32
    %get3A_616 = arith.index_cast %get3A_615 : i32 to index
    %get3A_617 = arith.constant 0 : index
    %get3A_618 = tpu.vector_load %arg7[%get3A_616, %get3A_617] {strides = array<i32>} : memref<16x64xf32, #tpu.memory_space<vmem>>, vector<16xf32>,
    %add3A_619 = arith.addf %add3A_609, %get3A_618 : vector<16xf32>
    %get3A_620 = arith.constant 5 : i32
    %get3A_621 = arith.index_cast %get3A_620 : i32 to index
    %get3A_622 = arith.constant 0 : index
    %get3A_623 = tpu.vector_load %arg8[%get3A_621, %get3A_622] {strides = array<i32>} : memref<16x64xf32, #tpu.memory_space<vmem>>, vector<16xf32>,
    %add3A_624 = arith.addf %add3A_614, %get3A_623 : vector<16xf32>
    %get3A_625 = arith.constant 6 : i32
    %get3A_626 = arith.index_cast %get3A_625 : i32 to index
    %get3A_627 = arith.constant 0 : index
    %get3A_628 = tpu.vector_load %arg7[%get3A_626, %get3A_627] {strides = array<i32>} : memref<16x64xf32, #tpu.memory_space<vmem>>, vector<16xf32>,
    %add3A_629 = arith.addf %add3A_619, %get3A_628 : vector<16xf32>
    %get3A_630 = arith.constant 6 : i32
    %get3A_631 = arith.index_cast %get3A_630 : i32 to index
    %get3A_632 = arith.constant 0 : index
    %get3A_633 = tpu.vector_load %arg8[%get3A_631, %get3A_632] {strides = array<i32>} : memref<16x64xf32, #tpu.memory_space<vmem>>, vector<16xf32>,
    %add3A_634 = arith.addf %add3A_624, %get3A_633 : vector<16xf32>
    %get3A_635 = arith.constant 7 : i32
    %get3A_636 = arith.index_cast %get3A_635 : i32 to index
    %get3A_637 = arith.constant 0 : index
    %get3A_638 = tpu.vector_load %arg7[%get3A_636, %get3A_637] {strides = array<i32>} : memref<16x64xf32, #tpu.memory_space<vmem>>, vector<16xf32>,
    %add3A_639 = arith.addf %add3A_629, %get3A_638 : vector<16xf32>
    %get3A_640 = arith.constant 7 : i32
    %get3A_641 = arith.index_cast %get3A_640 : i32 to index
    %get3A_642 = arith.constant 0 : index
    %get3A_643 = tpu.vector_load %arg8[%get3A_641, %get3A_642] {strides = array<i32>} : memref<16x64xf32, #tpu.memory_space<vmem>>, vector<16xf32>,
    %add3A_644 = arith.addf %add3A_634, %get3A_643 : vector<16xf32>
    %get3A_645 = arith.constant 8 : i32
    %get3A_646 = arith.index_cast %get3A_645 : i32 to index
    %get3A_647 = arith.constant 0 : index
    %get3A_648 = tpu.vector_load %arg7[%get3A_646, %get3A_647] {strides = array<i32>} : memref<16x64xf32, #tpu.memory_space<vmem>>, vector<16xf32>,
    %add3A_649 = arith.addf %add3A_639, %get3A_648 : vector<16xf32>
    %get3A_650 = arith.constant 8 : i32
    %get3A_651 = arith.index_cast %get3A_650 : i32 to index
    %get3A_652 = arith.constant 0 : index
    %get3A_653 = tpu.vector_load %arg8[%get3A_651, %get3A_652] {strides = array<i32>} : memref<16x64xf32, #tpu.memory_space<vmem>>, vector<16xf32>,
    %add3A_654 = arith.addf %add3A_644, %get3A_653 : vector<16xf32>
    %get3A_655 = arith.constant 9 : i32
    %get3A_656 = arith.index_cast %get3A_655 : i32 to index
    %get3A_657 = arith.constant 0 : index
    %get3A_658 = tpu.vector_load %arg7[%get3A_656, %get3A_657] {strides = array<i32>} : memref<16x64xf32, #tpu.memory_space<vmem>>, vector<16xf32>,
    %add3A_659 = arith.addf %add3A_649, %get3A_658 : vector<16xf32>
    %get3A_660 = arith.constant 9 : i32
    %get3A_661 = arith.index_cast %get3A_660 : i32 to index
    %get3A_662 = arith.constant 0 : index
    %get3A_663 = tpu.vector_load %arg8[%get3A_661, %get3A_662] {strides = array<i32>} : memref<16x64xf32, #tpu.memory_space<vmem>>, vector<16xf32>,
    %add3A_664 = arith.addf %add3A_654, %get3A_663 : vector<16xf32>
    %get3A_665 = arith.constant 10 : i32
    %get3A_666 = arith.index_cast %get3A_665 : i32 to index
    %get3A_667 = arith.constant 0 : index
    %get3A_668 = tpu.vector_load %arg7[%get3A_666, %get3A_667] {strides = array<i32>} : memref<16x64xf32, #tpu.memory_space<vmem>>, vector<16xf32>,
    %add3A_669 = arith.addf %add3A_659, %get3A_668 : vector<16xf32>
    %get3A_670 = arith.constant 10 : i32
    %get3A_671 = arith.index_cast %get3A_670 : i32 to index
    %get3A_672 = arith.constant 0 : index
    %get3A_673 = tpu.vector_load %arg8[%get3A_671, %get3A_672] {strides = array<i32>} : memref<16x64xf32, #tpu.memory_space<vmem>>, vector<16xf32>,
    %add3A_674 = arith.addf %add3A_664, %get3A_673 : vector<16xf32>
    %get3A_675 = arith.constant 11 : i32
    %get3A_676 = arith.index_cast %get3A_675 : i32 to index
    %get3A_677 = arith.constant 0 : index
    %get3A_678 = tpu.vector_load %arg7[%get3A_676, %get3A_677] {strides = array<i32>} : memref<16x64xf32, #tpu.memory_space<vmem>>, vector<16xf32>,
    %add3A_679 = arith.addf %add3A_669, %get3A_678 : vector<16xf32>
    %get3A_680 = arith.constant 11 : i32
    %get3A_681 = arith.index_cast %get3A_680 : i32 to index
    %get3A_682 = arith.constant 0 : index
    %get3A_683 = tpu.vector_load %arg8[%get3A_681, %get3A_682] {strides = array<i32>} : memref<16x64xf32, #tpu.memory_space<vmem>>, vector<16xf32>,
    %add3A_684 = arith.addf %add3A_674, %get3A_683 : vector<16xf32>
    %get3A_685 = arith.constant 12 : i32
    %get3A_686 = arith.index_cast %get3A_685 : i32 to index
    %get3A_687 = arith.constant 0 : index
    %get3A_688 = tpu.vector_load %arg7[%get3A_686, %get3A_687] {strides = array<i32>} : memref<16x64xf32, #tpu.memory_space<vmem>>, vector<16xf32>,
    %add3A_689 = arith.addf %add3A_679, %get3A_688 : vector<16xf32>
    %get3A_690 = arith.constant 12 : i32
    %get3A_691 = arith.index_cast %get3A_690 : i32 to index
    %get3A_692 = arith.constant 0 : index
    %get3A_693 = tpu.vector_load %arg8[%get3A_691, %get3A_692] {strides = array<i32>} : memref<16x64xf32, #tpu.memory_space<vmem>>, vector<16xf32>,
    %add3A_694 = arith.addf %add3A_684, %get3A_693 : vector<16xf32>
    %get3A_695 = arith.constant 13 : i32
    %get3A_696 = arith.index_cast %get3A_695 : i32 to index
    %get3A_697 = arith.constant 0 : index
    %get3A_698 = tpu.vector_load %arg7[%get3A_696, %get3A_697] {strides = array<i32>} : memref<16x64xf32, #tpu.memory_space<vmem>>, vector<16xf32>,
    %add3A_699 = arith.addf %add3A_689, %get3A_698 : vector<16xf32>
    %get3A_700 = arith.constant 13 : i32
    %get3A_701 = arith.index_cast %get3A_700 : i32 to index
    %get3A_702 = arith.constant 0 : index
    %get3A_703 = tpu.vector_load %arg8[%get3A_701, %get3A_702] {strides = array<i32>} : memref<16x64xf32, #tpu.memory_space<vmem>>, vector<16xf32>,
    %add3A_704 = arith.addf %add3A_694, %get3A_703 : vector<16xf32>
    %get3A_705 = arith.constant 14 : i32
    %get3A_706 = arith.index_cast %get3A_705 : i32 to index
    %get3A_707 = arith.constant 0 : index
    %get3A_708 = tpu.vector_load %arg7[%get3A_706, %get3A_707] {strides = array<i32>} : memref<16x64xf32, #tpu.memory_space<vmem>>, vector<16xf32>,
    %add3A_709 = arith.addf %add3A_699, %get3A_708 : vector<16xf32>
    %get3A_710 = arith.constant 14 : i32
    %get3A_711 = arith.index_cast %get3A_710 : i32 to index
    %get3A_712 = arith.constant 0 : index
    %get3A_713 = tpu.vector_load %arg8[%get3A_711, %get3A_712] {strides = array<i32>} : memref<16x64xf32, #tpu.memory_space<vmem>>, vector<16xf32>,
    %add3A_714 = arith.addf %add3A_704, %get3A_713 : vector<16xf32>
    %get3A_715 = arith.constant 15 : i32
    %get3A_716 = arith.index_cast %get3A_715 : i32 to index
    %get3A_717 = arith.constant 0 : index
    %get3A_718 = tpu.vector_load %arg7[%get3A_716, %get3A_717] {strides = array<i32>} : memref<16x64xf32, #tpu.memory_space<vmem>>, vector<16xf32>,
    %add3A_719 = arith.addf %add3A_709, %get3A_718 : vector<16xf32>
    %get3A_720 = arith.constant 15 : i32
    %get3A_721 = arith.index_cast %get3A_720 : i32 to index
    %get3A_722 = arith.constant 0 : index
    %get3A_723 = tpu.vector_load %arg8[%get3A_721, %get3A_722] {strides = array<i32>} : memref<16x64xf32, #tpu.memory_space<vmem>>, vector<16xf32>,
    %add3A_724 = arith.addf %add3A_714, %get3A_723 : vector<16xf32>
    %swap3A_725 = arith.constant 0 : i32
    %swap3A_726 = arith.index_cast %swap3A_725 : i32 to index
    %swap3A_727 = arith.constant 0 : index
    %swap3A_728 = tpu.vector_load %arg7[%swap3A_726, %swap3A_727] {strides = array<i32>} : memref<16x64xf32, #tpu.memory_space<vmem>>, vector<16xf32>,
    tpu.vector_store %arg7[%swap3A_726, %swap3A_727], %add3A_719 {strides = array<i32>} : memref<16x64xf32, #tpu.memory_space<vmem>>, vector<16xf32>,
    %swap3A_729 = arith.constant 0 : i32
    %swap3A_730 = arith.index_cast %swap3A_729 : i32 to index
    %swap3A_731 = arith.constant 0 : index
    %swap3A_732 = tpu.vector_load %arg8[%swap3A_730, %swap3A_731] {strides = array<i32>} : memref<16x64xf32, #tpu.memory_space<vmem>>, vector<16xf32>,
    tpu.vector_store %arg8[%swap3A_730, %swap3A_731], %add3A_724 {strides = array<i32>} : memref<16x64xf32, #tpu.memory_space<vmem>>, vector<16xf32>,
    %get3A_733 = arith.constant 0 : i32
    %get3A_734 = arith.index_cast %get3A_733 : i32 to index
    %get3A_735 = arith.constant 16 : index
    %get3A_736 = tpu.vector_load %arg7[%get3A_734, %get3A_735] {strides = array<i32>} : memref<16x64xf32, #tpu.memory_space<vmem>>, vector<16xf32>,
    %get3A_737 = arith.constant 0 : i32
    %get3A_738 = arith.index_cast %get3A_737 : i32 to index
    %get3A_739 = arith.constant 16 : index
    %get3A_740 = tpu.vector_load %arg8[%get3A_738, %get3A_739] {strides = array<i32>} : memref<16x64xf32, #tpu.memory_space<vmem>>, vector<16xf32>,
    %get3A_741 = arith.constant 1 : i32
    %get3A_742 = arith.index_cast %get3A_741 : i32 to index
    %get3A_743 = arith.constant 16 : index
    %get3A_744 = tpu.vector_load %arg7[%get3A_742, %get3A_743] {strides = array<i32>} : memref<16x64xf32, #tpu.memory_space<vmem>>, vector<16xf32>,
    %add3A_745 = arith.addf %get3A_736, %get3A_744 : vector<16xf32>
    %get3A_746 = arith.constant 1 : i32
    %get3A_747 = arith.index_cast %get3A_746 : i32 to index
    %get3A_748 = arith.constant 16 : index
    %get3A_749 = tpu.vector_load %arg8[%get3A_747, %get3A_748] {strides = array<i32>} : memref<16x64xf32, #tpu.memory_space<vmem>>, vector<16xf32>,
    %add3A_750 = arith.addf %get3A_740, %get3A_749 : vector<16xf32>
    %get3A_751 = arith.constant 2 : i32
    %get3A_752 = arith.index_cast %get3A_751 : i32 to index
    %get3A_753 = arith.constant 16 : index
    %get3A_754 = tpu.vector_load %arg7[%get3A_752, %get3A_753] {strides = array<i32>} : memref<16x64xf32, #tpu.memory_space<vmem>>, vector<16xf32>,
    %add3A_755 = arith.addf %add3A_745, %get3A_754 : vector<16xf32>
    %get3A_756 = arith.constant 2 : i32
    %get3A_757 = arith.index_cast %get3A_756 : i32 to index
    %get3A_758 = arith.constant 16 : index
    %get3A_759 = tpu.vector_load %arg8[%get3A_757, %get3A_758] {strides = array<i32>} : memref<16x64xf32, #tpu.memory_space<vmem>>, vector<16xf32>,
    %add3A_760 = arith.addf %add3A_750, %get3A_759 : vector<16xf32>
    %get3A_761 = arith.constant 3 : i32
    %get3A_762 = arith.index_cast %get3A_761 : i32 to index
    %get3A_763 = arith.constant 16 : index
    %get3A_764 = tpu.vector_load %arg7[%get3A_762, %get3A_763] {strides = array<i32>} : memref<16x64xf32, #tpu.memory_space<vmem>>, vector<16xf32>,
    %add3A_765 = arith.addf %add3A_755, %get3A_764 : vector<16xf32>
    %get3A_766 = arith.constant 3 : i32
    %get3A_767 = arith.index_cast %get3A_766 : i32 to index
    %get3A_768 = arith.constant 16 : index
    %get3A_769 = tpu.vector_load %arg8[%get3A_767, %get3A_768] {strides = array<i32>} : memref<16x64xf32, #tpu.memory_space<vmem>>, vector<16xf32>,
    %add3A_770 = arith.addf %add3A_760, %get3A_769 : vector<16xf32>
    %get3A_771 = arith.constant 4 : i32
    %get3A_772 = arith.index_cast %get3A_771 : i32 to index
    %get3A_773 = arith.constant 16 : index
    %get3A_774 = tpu.vector_load %arg7[%get3A_772, %get3A_773] {strides = array<i32>} : memref<16x64xf32, #tpu.memory_space<vmem>>, vector<16xf32>,
    %add3A_775 = arith.addf %add3A_765, %get3A_774 : vector<16xf32>
    %get3A_776 = arith.constant 4 : i32
    %get3A_777 = arith.index_cast %get3A_776 : i32 to index
    %get3A_778 = arith.constant 16 : index
    %get3A_779 = tpu.vector_load %arg8[%get3A_777, %get3A_778] {strides = array<i32>} : memref<16x64xf32, #tpu.memory_space<vmem>>, vector<16xf32>,
    %add3A_780 = arith.addf %add3A_770, %get3A_779 : vector<16xf32>
    %get3A_781 = arith.constant 5 : i32
    %get3A_782 = arith.index_cast %get3A_781 : i32 to index
    %get3A_783 = arith.constant 16 : index
    %get3A_784 = tpu.vector_load %arg7[%get3A_782, %get3A_783] {strides = array<i32>} : memref<16x64xf32, #tpu.memory_space<vmem>>, vector<16xf32>,
    %add3A_785 = arith.addf %add3A_775, %get3A_784 : vector<16xf32>
    %get3A_786 = arith.constant 5 : i32
    %get3A_787 = arith.index_cast %get3A_786 : i32 to index
    %get3A_788 = arith.constant 16 : index
    %get3A_789 = tpu.vector_load %arg8[%get3A_787, %get3A_788] {strides = array<i32>} : memref<16x64xf32, #tpu.memory_space<vmem>>, vector<16xf32>,
    %add3A_790 = arith.addf %add3A_780, %get3A_789 : vector<16xf32>
    %get3A_791 = arith.constant 6 : i32
    %get3A_792 = arith.index_cast %get3A_791 : i32 to index
    %get3A_793 = arith.constant 16 : index
    %get3A_794 = tpu.vector_load %arg7[%get3A_792, %get3A_793] {strides = array<i32>} : memref<16x64xf32, #tpu.memory_space<vmem>>, vector<16xf32>,
    %add3A_795 = arith.addf %add3A_785, %get3A_794 : vector<16xf32>
    %get3A_796 = arith.constant 6 : i32
    %get3A_797 = arith.index_cast %get3A_796 : i32 to index
    %get3A_798 = arith.constant 16 : index
    %get3A_799 = tpu.vector_load %arg8[%get3A_797, %get3A_798] {strides = array<i32>} : memref<16x64xf32, #tpu.memory_space<vmem>>, vector<16xf32>,
    %add3A_800 = arith.addf %add3A_790, %get3A_799 : vector<16xf32>
    %get3A_801 = arith.constant 7 : i32
    %get3A_802 = arith.index_cast %get3A_801 : i32 to index
    %get3A_803 = arith.constant 16 : index
    %get3A_804 = tpu.vector_load %arg7[%get3A_802, %get3A_803] {strides = array<i32>} : memref<16x64xf32, #tpu.memory_space<vmem>>, vector<16xf32>,
    %add3A_805 = arith.addf %add3A_795, %get3A_804 : vector<16xf32>
    %get3A_806 = arith.constant 7 : i32
    %get3A_807 = arith.index_cast %get3A_806 : i32 to index
    %get3A_808 = arith.constant 16 : index
    %get3A_809 = tpu.vector_load %arg8[%get3A_807, %get3A_808] {strides = array<i32>} : memref<16x64xf32, #tpu.memory_space<vmem>>, vector<16xf32>,
    %add3A_810 = arith.addf %add3A_800, %get3A_809 : vector<16xf32>
    %get3A_811 = arith.constant 8 : i32
    %get3A_812 = arith.index_cast %get3A_811 : i32 to index
    %get3A_813 = arith.constant 16 : index
    %get3A_814 = tpu.vector_load %arg7[%get3A_812, %get3A_813] {strides = array<i32>} : memref<16x64xf32, #tpu.memory_space<vmem>>, vector<16xf32>,
    %add3A_815 = arith.addf %add3A_805, %get3A_814 : vector<16xf32>
    %get3A_816 = arith.constant 8 : i32
    %get3A_817 = arith.index_cast %get3A_816 : i32 to index
    %get3A_818 = arith.constant 16 : index
    %get3A_819 = tpu.vector_load %arg8[%get3A_817, %get3A_818] {strides = array<i32>} : memref<16x64xf32, #tpu.memory_space<vmem>>, vector<16xf32>,
    %add3A_820 = arith.addf %add3A_810, %get3A_819 : vector<16xf32>
    %get3A_821 = arith.constant 9 : i32
    %get3A_822 = arith.index_cast %get3A_821 : i32 to index
    %get3A_823 = arith.constant 16 : index
    %get3A_824 = tpu.vector_load %arg7[%get3A_822, %get3A_823] {strides = array<i32>} : memref<16x64xf32, #tpu.memory_space<vmem>>, vector<16xf32>,
    %add3A_825 = arith.addf %add3A_815, %get3A_824 : vector<16xf32>
    %get3A_826 = arith.constant 9 : i32
    %get3A_827 = arith.index_cast %get3A_826 : i32 to index
    %get3A_828 = arith.constant 16 : index
    %get3A_829 = tpu.vector_load %arg8[%get3A_827, %get3A_828] {strides = array<i32>} : memref<16x64xf32, #tpu.memory_space<vmem>>, vector<16xf32>,
    %add3A_830 = arith.addf %add3A_820, %get3A_829 : vector<16xf32>
    %get3A_831 = arith.constant 10 : i32
    %get3A_832 = arith.index_cast %get3A_831 : i32 to index
    %get3A_833 = arith.constant 16 : index
    %get3A_834 = tpu.vector_load %arg7[%get3A_832, %get3A_833] {strides = array<i32>} : memref<16x64xf32, #tpu.memory_space<vmem>>, vector<16xf32>,
    %add3A_835 = arith.addf %add3A_825, %get3A_834 : vector<16xf32>
    %get3A_836 = arith.constant 10 : i32
    %get3A_837 = arith.index_cast %get3A_836 : i32 to index
    %get3A_838 = arith.constant 16 : index
    %get3A_839 = tpu.vector_load %arg8[%get3A_837, %get3A_838] {strides = array<i32>} : memref<16x64xf32, #tpu.memory_space<vmem>>, vector<16xf32>,
    %add3A_840 = arith.addf %add3A_830, %get3A_839 : vector<16xf32>
    %get3A_841 = arith.constant 11 : i32
    %get3A_842 = arith.index_cast %get3A_841 : i32 to index
    %get3A_843 = arith.constant 16 : index
    %get3A_844 = tpu.vector_load %arg7[%get3A_842, %get3A_843] {strides = array<i32>} : memref<16x64xf32, #tpu.memory_space<vmem>>, vector<16xf32>,
    %add3A_845 = arith.addf %add3A_835, %get3A_844 : vector<16xf32>
    %get3A_846 = arith.constant 11 : i32
    %get3A_847 = arith.index_cast %get3A_846 : i32 to index
    %get3A_848 = arith.constant 16 : index
    %get3A_849 = tpu.vector_load %arg8[%get3A_847, %get3A_848] {strides = array<i32>} : memref<16x64xf32, #tpu.memory_space<vmem>>, vector<16xf32>,
    %add3A_850 = arith.addf %add3A_840, %get3A_849 : vector<16xf32>
    %get3A_851 = arith.constant 12 : i32
    %get3A_852 = arith.index_cast %get3A_851 : i32 to index
    %get3A_853 = arith.constant 16 : index
    %get3A_854 = tpu.vector_load %arg7[%get3A_852, %get3A_853] {strides = array<i32>} : memref<16x64xf32, #tpu.memory_space<vmem>>, vector<16xf32>,
    %add3A_855 = arith.addf %add3A_845, %get3A_854 : vector<16xf32>
    %get3A_856 = arith.constant 12 : i32
    %get3A_857 = arith.index_cast %get3A_856 : i32 to index
    %get3A_858 = arith.constant 16 : index
    %get3A_859 = tpu.vector_load %arg8[%get3A_857, %get3A_858] {strides = array<i32>} : memref<16x64xf32, #tpu.memory_space<vmem>>, vector<16xf32>,
    %add3A_860 = arith.addf %add3A_850, %get3A_859 : vector<16xf32>
    %get3A_861 = arith.constant 13 : i32
    %get3A_862 = arith.index_cast %get3A_861 : i32 to index
    %get3A_863 = arith.constant 16 : index
    %get3A_864 = tpu.vector_load %arg7[%get3A_862, %get3A_863] {strides = array<i32>} : memref<16x64xf32, #tpu.memory_space<vmem>>, vector<16xf32>,
    %add3A_865 = arith.addf %add3A_855, %get3A_864 : vector<16xf32>
    %get3A_866 = arith.constant 13 : i32
    %get3A_867 = arith.index_cast %get3A_866 : i32 to index
    %get3A_868 = arith.constant 16 : index
    %get3A_869 = tpu.vector_load %arg8[%get3A_867, %get3A_868] {strides = array<i32>} : memref<16x64xf32, #tpu.memory_space<vmem>>, vector<16xf32>,
    %add3A_870 = arith.addf %add3A_860, %get3A_869 : vector<16xf32>
    %get3A_871 = arith.constant 14 : i32
    %get3A_872 = arith.index_cast %get3A_871 : i32 to index
    %get3A_873 = arith.constant 16 : index
    %get3A_874 = tpu.vector_load %arg7[%get3A_872, %get3A_873] {strides = array<i32>} : memref<16x64xf32, #tpu.memory_space<vmem>>, vector<16xf32>,
    %add3A_875 = arith.addf %add3A_865, %get3A_874 : vector<16xf32>
    %get3A_876 = arith.constant 14 : i32
    %get3A_877 = arith.index_cast %get3A_876 : i32 to index
    %get3A_878 = arith.constant 16 : index
    %get3A_879 = tpu.vector_load %arg8[%get3A_877, %get3A_878] {strides = array<i32>} : memref<16x64xf32, #tpu.memory_space<vmem>>, vector<16xf32>,
    %add3A_880 = arith.addf %add3A_870, %get3A_879 : vector<16xf32>
    %get3A_881 = arith.constant 15 : i32
    %get3A_882 = arith.index_cast %get3A_881 : i32 to index
    %get3A_883 = arith.constant 16 : index
    %get3A_884 = tpu.vector_load %arg7[%get3A_882, %get3A_883] {strides = array<i32>} : memref<16x64xf32, #tpu.memory_space<vmem>>, vector<16xf32>,
    %add3A_885 = arith.addf %add3A_875, %get3A_884 : vector<16xf32>
    %get3A_886 = arith.constant 15 : i32
    %get3A_887 = arith.index_cast %get3A_886 : i32 to index
    %get3A_888 = arith.constant 16 : index
    %get3A_889 = tpu.vector_load %arg8[%get3A_887, %get3A_888] {strides = array<i32>} : memref<16x64xf32, #tpu.memory_space<vmem>>, vector<16xf32>,
    %add3A_890 = arith.addf %add3A_880, %get3A_889 : vector<16xf32>
    %swap3A_891 = arith.constant 0 : i32
    %swap3A_892 = arith.index_cast %swap3A_891 : i32 to index
    %swap3A_893 = arith.constant 16 : index
    %swap3A_894 = tpu.vector_load %arg7[%swap3A_892, %swap3A_893] {strides = array<i32>} : memref<16x64xf32, #tpu.memory_space<vmem>>, vector<16xf32>,
    tpu.vector_store %arg7[%swap3A_892, %swap3A_893], %add3A_885 {strides = array<i32>} : memref<16x64xf32, #tpu.memory_space<vmem>>, vector<16xf32>,
    %swap3A_895 = arith.constant 0 : i32
    %swap3A_896 = arith.index_cast %swap3A_895 : i32 to index
    %swap3A_897 = arith.constant 16 : index
    %swap3A_898 = tpu.vector_load %arg8[%swap3A_896, %swap3A_897] {strides = array<i32>} : memref<16x64xf32, #tpu.memory_space<vmem>>, vector<16xf32>,
    tpu.vector_store %arg8[%swap3A_896, %swap3A_897], %add3A_890 {strides = array<i32>} : memref<16x64xf32, #tpu.memory_space<vmem>>, vector<16xf32>,
    %get3A_899 = arith.constant 0 : i32
    %get3A_900 = arith.index_cast %get3A_899 : i32 to index
    %get3A_901 = arith.constant 32 : index
    %get3A_902 = tpu.vector_load %arg7[%get3A_900, %get3A_901] {strides = array<i32>} : memref<16x64xf32, #tpu.memory_space<vmem>>, vector<16xf32>,
    %get3A_903 = arith.constant 0 : i32
    %get3A_904 = arith.index_cast %get3A_903 : i32 to index
    %get3A_905 = arith.constant 32 : index
    %get3A_906 = tpu.vector_load %arg8[%get3A_904, %get3A_905] {strides = array<i32>} : memref<16x64xf32, #tpu.memory_space<vmem>>, vector<16xf32>,
    %get3A_907 = arith.constant 1 : i32
    %get3A_908 = arith.index_cast %get3A_907 : i32 to index
    %get3A_909 = arith.constant 32 : index
    %get3A_910 = tpu.vector_load %arg7[%get3A_908, %get3A_909] {strides = array<i32>} : memref<16x64xf32, #tpu.memory_space<vmem>>, vector<16xf32>,
    %add3A_911 = arith.addf %get3A_902, %get3A_910 : vector<16xf32>
    %get3A_912 = arith.constant 1 : i32
    %get3A_913 = arith.index_cast %get3A_912 : i32 to index
    %get3A_914 = arith.constant 32 : index
    %get3A_915 = tpu.vector_load %arg8[%get3A_913, %get3A_914] {strides = array<i32>} : memref<16x64xf32, #tpu.memory_space<vmem>>, vector<16xf32>,
    %add3A_916 = arith.addf %get3A_906, %get3A_915 : vector<16xf32>
    %get3A_917 = arith.constant 2 : i32
    %get3A_918 = arith.index_cast %get3A_917 : i32 to index
    %get3A_919 = arith.constant 32 : index
    %get3A_920 = tpu.vector_load %arg7[%get3A_918, %get3A_919] {strides = array<i32>} : memref<16x64xf32, #tpu.memory_space<vmem>>, vector<16xf32>,
    %add3A_921 = arith.addf %add3A_911, %get3A_920 : vector<16xf32>
    %get3A_922 = arith.constant 2 : i32
    %get3A_923 = arith.index_cast %get3A_922 : i32 to index
    %get3A_924 = arith.constant 32 : index
    %get3A_925 = tpu.vector_load %arg8[%get3A_923, %get3A_924] {strides = array<i32>} : memref<16x64xf32, #tpu.memory_space<vmem>>, vector<16xf32>,
    %add3A_926 = arith.addf %add3A_916, %get3A_925 : vector<16xf32>
    %get3A_927 = arith.constant 3 : i32
    %get3A_928 = arith.index_cast %get3A_927 : i32 to index
    %get3A_929 = arith.constant 32 : index
    %get3A_930 = tpu.vector_load %arg7[%get3A_928, %get3A_929] {strides = array<i32>} : memref<16x64xf32, #tpu.memory_space<vmem>>, vector<16xf32>,
    %add3A_931 = arith.addf %add3A_921, %get3A_930 : vector<16xf32>
    %get3A_932 = arith.constant 3 : i32
    %get3A_933 = arith.index_cast %get3A_932 : i32 to index
    %get3A_934 = arith.constant 32 : index
    %get3A_935 = tpu.vector_load %arg8[%get3A_933, %get3A_934] {strides = array<i32>} : memref<16x64xf32, #tpu.memory_space<vmem>>, vector<16xf32>,
    %add3A_936 = arith.addf %add3A_926, %get3A_935 : vector<16xf32>
    %get3A_937 = arith.constant 4 : i32
    %get3A_938 = arith.index_cast %get3A_937 : i32 to index
    %get3A_939 = arith.constant 32 : index
    %get3A_940 = tpu.vector_load %arg7[%get3A_938, %get3A_939] {strides = array<i32>} : memref<16x64xf32, #tpu.memory_space<vmem>>, vector<16xf32>,
    %add3A_941 = arith.addf %add3A_931, %get3A_940 : vector<16xf32>
    %get3A_942 = arith.constant 4 : i32
    %get3A_943 = arith.index_cast %get3A_942 : i32 to index
    %get3A_944 = arith.constant 32 : index
    %get3A_945 = tpu.vector_load %arg8[%get3A_943, %get3A_944] {strides = array<i32>} : memref<16x64xf32, #tpu.memory_space<vmem>>, vector<16xf32>,
    %add3A_946 = arith.addf %add3A_936, %get3A_945 : vector<16xf32>
    %get3A_947 = arith.constant 5 : i32
    %get3A_948 = arith.index_cast %get3A_947 : i32 to index
    %get3A_949 = arith.constant 32 : index
    %get3A_950 = tpu.vector_load %arg7[%get3A_948, %get3A_949] {strides = array<i32>} : memref<16x64xf32, #tpu.memory_space<vmem>>, vector<16xf32>,
    %add3A_951 = arith.addf %add3A_941, %get3A_950 : vector<16xf32>
    %get3A_952 = arith.constant 5 : i32
    %get3A_953 = arith.index_cast %get3A_952 : i32 to index
    %get3A_954 = arith.constant 32 : index
    %get3A_955 = tpu.vector_load %arg8[%get3A_953, %get3A_954] {strides = array<i32>} : memref<16x64xf32, #tpu.memory_space<vmem>>, vector<16xf32>,
    %add3A_956 = arith.addf %add3A_946, %get3A_955 : vector<16xf32>
    %get3A_957 = arith.constant 6 : i32
    %get3A_958 = arith.index_cast %get3A_957 : i32 to index
    %get3A_959 = arith.constant 32 : index
    %get3A_960 = tpu.vector_load %arg7[%get3A_958, %get3A_959] {strides = array<i32>} : memref<16x64xf32, #tpu.memory_space<vmem>>, vector<16xf32>,
    %add3A_961 = arith.addf %add3A_951, %get3A_960 : vector<16xf32>
    %get3A_962 = arith.constant 6 : i32
    %get3A_963 = arith.index_cast %get3A_962 : i32 to index
    %get3A_964 = arith.constant 32 : index
    %get3A_965 = tpu.vector_load %arg8[%get3A_963, %get3A_964] {strides = array<i32>} : memref<16x64xf32, #tpu.memory_space<vmem>>, vector<16xf32>,
    %add3A_966 = arith.addf %add3A_956, %get3A_965 : vector<16xf32>
    %get3A_967 = arith.constant 7 : i32
    %get3A_968 = arith.index_cast %get3A_967 : i32 to index
    %get3A_969 = arith.constant 32 : index
    %get3A_970 = tpu.vector_load %arg7[%get3A_968, %get3A_969] {strides = array<i32>} : memref<16x64xf32, #tpu.memory_space<vmem>>, vector<16xf32>,
    %add3A_971 = arith.addf %add3A_961, %get3A_970 : vector<16xf32>
    %get3A_972 = arith.constant 7 : i32
    %get3A_973 = arith.index_cast %get3A_972 : i32 to index
    %get3A_974 = arith.constant 32 : index
    %get3A_975 = tpu.vector_load %arg8[%get3A_973, %get3A_974] {strides = array<i32>} : memref<16x64xf32, #tpu.memory_space<vmem>>, vector<16xf32>,
    %add3A_976 = arith.addf %add3A_966, %get3A_975 : vector<16xf32>
    %get3A_977 = arith.constant 8 : i32
    %get3A_978 = arith.index_cast %get3A_977 : i32 to index
    %get3A_979 = arith.constant 32 : index
    %get3A_980 = tpu.vector_load %arg7[%get3A_978, %get3A_979] {strides = array<i32>} : memref<16x64xf32, #tpu.memory_space<vmem>>, vector<16xf32>,
    %add3A_981 = arith.addf %add3A_971, %get3A_980 : vector<16xf32>
    %get3A_982 = arith.constant 8 : i32
    %get3A_983 = arith.index_cast %get3A_982 : i32 to index
    %get3A_984 = arith.constant 32 : index
    %get3A_985 = tpu.vector_load %arg8[%get3A_983, %get3A_984] {strides = array<i32>} : memref<16x64xf32, #tpu.memory_space<vmem>>, vector<16xf32>,
    %add3A_986 = arith.addf %add3A_976, %get3A_985 : vector<16xf32>
    %get3A_987 = arith.constant 9 : i32
    %get3A_988 = arith.index_cast %get3A_987 : i32 to index
    %get3A_989 = arith.constant 32 : index
    %get3A_990 = tpu.vector_load %arg7[%get3A_988, %get3A_989] {strides = array<i32>} : memref<16x64xf32, #tpu.memory_space<vmem>>, vector<16xf32>,
    %add3A_991 = arith.addf %add3A_981, %get3A_990 : vector<16xf32>
    %get3A_992 = arith.constant 9 : i32
    %get3A_993 = arith.index_cast %get3A_992 : i32 to index
    %get3A_994 = arith.constant 32 : index
    %get3A_995 = tpu.vector_load %arg8[%get3A_993, %get3A_994] {strides = array<i32>} : memref<16x64xf32, #tpu.memory_space<vmem>>, vector<16xf32>,
    %add3A_996 = arith.addf %add3A_986, %get3A_995 : vector<16xf32>
    %get3A_997 = arith.constant 10 : i32
    %get3A_998 = arith.index_cast %get3A_997 : i32 to index
    %get3A_999 = arith.constant 32 : index
    %get3A_1000 = tpu.vector_load %arg7[%get3A_998, %get3A_999] {strides = array<i32>} : memref<16x64xf32, #tpu.memory_space<vmem>>, vector<16xf32>,
    %add3A_1001 = arith.addf %add3A_991, %get3A_1000 : vector<16xf32>
    %get3A_1002 = arith.constant 10 : i32
    %get3A_1003 = arith.index_cast %get3A_1002 : i32 to index
    %get3A_1004 = arith.constant 32 : index
    %get3A_1005 = tpu.vector_load %arg8[%get3A_1003, %get3A_1004] {strides = array<i32>} : memref<16x64xf32, #tpu.memory_space<vmem>>, vector<16xf32>,
    %add3A_1006 = arith.addf %add3A_996, %get3A_1005 : vector<16xf32>
    %get3A_1007 = arith.constant 11 : i32
    %get3A_1008 = arith.index_cast %get3A_1007 : i32 to index
    %get3A_1009 = arith.constant 32 : index
    %get3A_1010 = tpu.vector_load %arg7[%get3A_1008, %get3A_1009] {strides = array<i32>} : memref<16x64xf32, #tpu.memory_space<vmem>>, vector<16xf32>,
    %add3A_1011 = arith.addf %add3A_1001, %get3A_1010 : vector<16xf32>
    %get3A_1012 = arith.constant 11 : i32
    %get3A_1013 = arith.index_cast %get3A_1012 : i32 to index
    %get3A_1014 = arith.constant 32 : index
    %get3A_1015 = tpu.vector_load %arg8[%get3A_1013, %get3A_1014] {strides = array<i32>} : memref<16x64xf32, #tpu.memory_space<vmem>>, vector<16xf32>,
    %add3A_1016 = arith.addf %add3A_1006, %get3A_1015 : vector<16xf32>
    %get3A_1017 = arith.constant 12 : i32
    %get3A_1018 = arith.index_cast %get3A_1017 : i32 to index
    %get3A_1019 = arith.constant 32 : index
    %get3A_1020 = tpu.vector_load %arg7[%get3A_1018, %get3A_1019] {strides = array<i32>} : memref<16x64xf32, #tpu.memory_space<vmem>>, vector<16xf32>,
    %add3A_1021 = arith.addf %add3A_1011, %get3A_1020 : vector<16xf32>
    %get3A_1022 = arith.constant 12 : i32
    %get3A_1023 = arith.index_cast %get3A_1022 : i32 to index
    %get3A_1024 = arith.constant 32 : index
    %get3A_1025 = tpu.vector_load %arg8[%get3A_1023, %get3A_1024] {strides = array<i32>} : memref<16x64xf32, #tpu.memory_space<vmem>>, vector<16xf32>,
    %add3A_1026 = arith.addf %add3A_1016, %get3A_1025 : vector<16xf32>
    %get3A_1027 = arith.constant 13 : i32
    %get3A_1028 = arith.index_cast %get3A_1027 : i32 to index
    %get3A_1029 = arith.constant 32 : index
    %get3A_1030 = tpu.vector_load %arg7[%get3A_1028, %get3A_1029] {strides = array<i32>} : memref<16x64xf32, #tpu.memory_space<vmem>>, vector<16xf32>,
    %add3A_1031 = arith.addf %add3A_1021, %get3A_1030 : vector<16xf32>
    %get3A_1032 = arith.constant 13 : i32
    %get3A_1033 = arith.index_cast %get3A_1032 : i32 to index
    %get3A_1034 = arith.constant 32 : index
    %get3A_1035 = tpu.vector_load %arg8[%get3A_1033, %get3A_1034] {strides = array<i32>} : memref<16x64xf32, #tpu.memory_space<vmem>>, vector<16xf32>,
    %add3A_1036 = arith.addf %add3A_1026, %get3A_1035 : vector<16xf32>
    %get3A_1037 = arith.constant 14 : i32
    %get3A_1038 = arith.index_cast %get3A_1037 : i32 to index
    %get3A_1039 = arith.constant 32 : index
    %get3A_1040 = tpu.vector_load %arg7[%get3A_1038, %get3A_1039] {strides = array<i32>} : memref<16x64xf32, #tpu.memory_space<vmem>>, vector<16xf32>,
    %add3A_1041 = arith.addf %add3A_1031, %get3A_1040 : vector<16xf32>
    %get3A_1042 = arith.constant 14 : i32
    %get3A_1043 = arith.index_cast %get3A_1042 : i32 to index
    %get3A_1044 = arith.constant 32 : index
    %get3A_1045 = tpu.vector_load %arg8[%get3A_1043, %get3A_1044] {strides = array<i32>} : memref<16x64xf32, #tpu.memory_space<vmem>>, vector<16xf32>,
    %add3A_1046 = arith.addf %add3A_1036, %get3A_1045 : vector<16xf32>
    %get3A_1047 = arith.constant 15 : i32
    %get3A_1048 = arith.index_cast %get3A_1047 : i32 to index
    %get3A_1049 = arith.constant 32 : index
    %get3A_1050 = tpu.vector_load %arg7[%get3A_1048, %get3A_1049] {strides = array<i32>} : memref<16x64xf32, #tpu.memory_space<vmem>>, vector<16xf32>,
    %add3A_1051 = arith.addf %add3A_1041, %get3A_1050 : vector<16xf32>
    %get3A_1052 = arith.constant 15 : i32
    %get3A_1053 = arith.index_cast %get3A_1052 : i32 to index
    %get3A_1054 = arith.constant 32 : index
    %get3A_1055 = tpu.vector_load %arg8[%get3A_1053, %get3A_1054] {strides = array<i32>} : memref<16x64xf32, #tpu.memory_space<vmem>>, vector<16xf32>,
    %add3A_1056 = arith.addf %add3A_1046, %get3A_1055 : vector<16xf32>
    %swap3A_1057 = arith.constant 0 : i32
    %swap3A_1058 = arith.index_cast %swap3A_1057 : i32 to index
    %swap3A_1059 = arith.constant 32 : index
    %swap3A_1060 = tpu.vector_load %arg7[%swap3A_1058, %swap3A_1059] {strides = array<i32>} : memref<16x64xf32, #tpu.memory_space<vmem>>, vector<16xf32>,
    tpu.vector_store %arg7[%swap3A_1058, %swap3A_1059], %add3A_1051 {strides = array<i32>} : memref<16x64xf32, #tpu.memory_space<vmem>>, vector<16xf32>,
    %swap3A_1061 = arith.constant 0 : i32
    %swap3A_1062 = arith.index_cast %swap3A_1061 : i32 to index
    %swap3A_1063 = arith.constant 32 : index
    %swap3A_1064 = tpu.vector_load %arg8[%swap3A_1062, %swap3A_1063] {strides = array<i32>} : memref<16x64xf32, #tpu.memory_space<vmem>>, vector<16xf32>,
    tpu.vector_store %arg8[%swap3A_1062, %swap3A_1063], %add3A_1056 {strides = array<i32>} : memref<16x64xf32, #tpu.memory_space<vmem>>, vector<16xf32>,
    %get3A_1065 = arith.constant 0 : i32
    %get3A_1066 = arith.index_cast %get3A_1065 : i32 to index
    %get3A_1067 = arith.constant 48 : index
    %get3A_1068 = tpu.vector_load %arg7[%get3A_1066, %get3A_1067] {strides = array<i32>} : memref<16x64xf32, #tpu.memory_space<vmem>>, vector<16xf32>,
    %get3A_1069 = arith.constant 0 : i32
    %get3A_1070 = arith.index_cast %get3A_1069 : i32 to index
    %get3A_1071 = arith.constant 48 : index
    %get3A_1072 = tpu.vector_load %arg8[%get3A_1070, %get3A_1071] {strides = array<i32>} : memref<16x64xf32, #tpu.memory_space<vmem>>, vector<16xf32>,
    %get3A_1073 = arith.constant 1 : i32
    %get3A_1074 = arith.index_cast %get3A_1073 : i32 to index
    %get3A_1075 = arith.constant 48 : index
    %get3A_1076 = tpu.vector_load %arg7[%get3A_1074, %get3A_1075] {strides = array<i32>} : memref<16x64xf32, #tpu.memory_space<vmem>>, vector<16xf32>,
    %add3A_1077 = arith.addf %get3A_1068, %get3A_1076 : vector<16xf32>
    %get3A_1078 = arith.constant 1 : i32
    %get3A_1079 = arith.index_cast %get3A_1078 : i32 to index
    %get3A_1080 = arith.constant 48 : index
    %get3A_1081 = tpu.vector_load %arg8[%get3A_1079, %get3A_1080] {strides = array<i32>} : memref<16x64xf32, #tpu.memory_space<vmem>>, vector<16xf32>,
    %add3A_1082 = arith.addf %get3A_1072, %get3A_1081 : vector<16xf32>
    %get3A_1083 = arith.constant 2 : i32
    %get3A_1084 = arith.index_cast %get3A_1083 : i32 to index
    %get3A_1085 = arith.constant 48 : index
    %get3A_1086 = tpu.vector_load %arg7[%get3A_1084, %get3A_1085] {strides = array<i32>} : memref<16x64xf32, #tpu.memory_space<vmem>>, vector<16xf32>,
    %add3A_1087 = arith.addf %add3A_1077, %get3A_1086 : vector<16xf32>
    %get3A_1088 = arith.constant 2 : i32
    %get3A_1089 = arith.index_cast %get3A_1088 : i32 to index
    %get3A_1090 = arith.constant 48 : index
    %get3A_1091 = tpu.vector_load %arg8[%get3A_1089, %get3A_1090] {strides = array<i32>} : memref<16x64xf32, #tpu.memory_space<vmem>>, vector<16xf32>,
    %add3A_1092 = arith.addf %add3A_1082, %get3A_1091 : vector<16xf32>
    %get3A_1093 = arith.constant 3 : i32
    %get3A_1094 = arith.index_cast %get3A_1093 : i32 to index
    %get3A_1095 = arith.constant 48 : index
    %get3A_1096 = tpu.vector_load %arg7[%get3A_1094, %get3A_1095] {strides = array<i32>} : memref<16x64xf32, #tpu.memory_space<vmem>>, vector<16xf32>,
    %add3A_1097 = arith.addf %add3A_1087, %get3A_1096 : vector<16xf32>
    %get3A_1098 = arith.constant 3 : i32
    %get3A_1099 = arith.index_cast %get3A_1098 : i32 to index
    %get3A_1100 = arith.constant 48 : index
    %get3A_1101 = tpu.vector_load %arg8[%get3A_1099, %get3A_1100] {strides = array<i32>} : memref<16x64xf32, #tpu.memory_space<vmem>>, vector<16xf32>,
    %add3A_1102 = arith.addf %add3A_1092, %get3A_1101 : vector<16xf32>
    %get3A_1103 = arith.constant 4 : i32
    %get3A_1104 = arith.index_cast %get3A_1103 : i32 to index
    %get3A_1105 = arith.constant 48 : index
    %get3A_1106 = tpu.vector_load %arg7[%get3A_1104, %get3A_1105] {strides = array<i32>} : memref<16x64xf32, #tpu.memory_space<vmem>>, vector<16xf32>,
    %add3A_1107 = arith.addf %add3A_1097, %get3A_1106 : vector<16xf32>
    %get3A_1108 = arith.constant 4 : i32
    %get3A_1109 = arith.index_cast %get3A_1108 : i32 to index
    %get3A_1110 = arith.constant 48 : index
    %get3A_1111 = tpu.vector_load %arg8[%get3A_1109, %get3A_1110] {strides = array<i32>} : memref<16x64xf32, #tpu.memory_space<vmem>>, vector<16xf32>,
    %add3A_1112 = arith.addf %add3A_1102, %get3A_1111 : vector<16xf32>
    %get3A_1113 = arith.constant 5 : i32
    %get3A_1114 = arith.index_cast %get3A_1113 : i32 to index
    %get3A_1115 = arith.constant 48 : index
    %get3A_1116 = tpu.vector_load %arg7[%get3A_1114, %get3A_1115] {strides = array<i32>} : memref<16x64xf32, #tpu.memory_space<vmem>>, vector<16xf32>,
    %add3A_1117 = arith.addf %add3A_1107, %get3A_1116 : vector<16xf32>
    %get3A_1118 = arith.constant 5 : i32
    %get3A_1119 = arith.index_cast %get3A_1118 : i32 to index
    %get3A_1120 = arith.constant 48 : index
    %get3A_1121 = tpu.vector_load %arg8[%get3A_1119, %get3A_1120] {strides = array<i32>} : memref<16x64xf32, #tpu.memory_space<vmem>>, vector<16xf32>,
    %add3A_1122 = arith.addf %add3A_1112, %get3A_1121 : vector<16xf32>
    %get3A_1123 = arith.constant 6 : i32
    %get3A_1124 = arith.index_cast %get3A_1123 : i32 to index
    %get3A_1125 = arith.constant 48 : index
    %get3A_1126 = tpu.vector_load %arg7[%get3A_1124, %get3A_1125] {strides = array<i32>} : memref<16x64xf32, #tpu.memory_space<vmem>>, vector<16xf32>,
    %add3A_1127 = arith.addf %add3A_1117, %get3A_1126 : vector<16xf32>
    %get3A_1128 = arith.constant 6 : i32
    %get3A_1129 = arith.index_cast %get3A_1128 : i32 to index
    %get3A_1130 = arith.constant 48 : index
    %get3A_1131 = tpu.vector_load %arg8[%get3A_1129, %get3A_1130] {strides = array<i32>} : memref<16x64xf32, #tpu.memory_space<vmem>>, vector<16xf32>,
    %add3A_1132 = arith.addf %add3A_1122, %get3A_1131 : vector<16xf32>
    %get3A_1133 = arith.constant 7 : i32
    %get3A_1134 = arith.index_cast %get3A_1133 : i32 to index
    %get3A_1135 = arith.constant 48 : index
    %get3A_1136 = tpu.vector_load %arg7[%get3A_1134, %get3A_1135] {strides = array<i32>} : memref<16x64xf32, #tpu.memory_space<vmem>>, vector<16xf32>,
    %add3A_1137 = arith.addf %add3A_1127, %get3A_1136 : vector<16xf32>
    %get3A_1138 = arith.constant 7 : i32
    %get3A_1139 = arith.index_cast %get3A_1138 : i32 to index
    %get3A_1140 = arith.constant 48 : index
    %get3A_1141 = tpu.vector_load %arg8[%get3A_1139, %get3A_1140] {strides = array<i32>} : memref<16x64xf32, #tpu.memory_space<vmem>>, vector<16xf32>,
    %add3A_1142 = arith.addf %add3A_1132, %get3A_1141 : vector<16xf32>
    %get3A_1143 = arith.constant 8 : i32
    %get3A_1144 = arith.index_cast %get3A_1143 : i32 to index
    %get3A_1145 = arith.constant 48 : index
    %get3A_1146 = tpu.vector_load %arg7[%get3A_1144, %get3A_1145] {strides = array<i32>} : memref<16x64xf32, #tpu.memory_space<vmem>>, vector<16xf32>,
    %add3A_1147 = arith.addf %add3A_1137, %get3A_1146 : vector<16xf32>
    %get3A_1148 = arith.constant 8 : i32
    %get3A_1149 = arith.index_cast %get3A_1148 : i32 to index
    %get3A_1150 = arith.constant 48 : index
    %get3A_1151 = tpu.vector_load %arg8[%get3A_1149, %get3A_1150] {strides = array<i32>} : memref<16x64xf32, #tpu.memory_space<vmem>>, vector<16xf32>,
    %add3A_1152 = arith.addf %add3A_1142, %get3A_1151 : vector<16xf32>
    %get3A_1153 = arith.constant 9 : i32
    %get3A_1154 = arith.index_cast %get3A_1153 : i32 to index
    %get3A_1155 = arith.constant 48 : index
    %get3A_1156 = tpu.vector_load %arg7[%get3A_1154, %get3A_1155] {strides = array<i32>} : memref<16x64xf32, #tpu.memory_space<vmem>>, vector<16xf32>,
    %add3A_1157 = arith.addf %add3A_1147, %get3A_1156 : vector<16xf32>
    %get3A_1158 = arith.constant 9 : i32
    %get3A_1159 = arith.index_cast %get3A_1158 : i32 to index
    %get3A_1160 = arith.constant 48 : index
    %get3A_1161 = tpu.vector_load %arg8[%get3A_1159, %get3A_1160] {strides = array<i32>} : memref<16x64xf32, #tpu.memory_space<vmem>>, vector<16xf32>,
    %add3A_1162 = arith.addf %add3A_1152, %get3A_1161 : vector<16xf32>
    %get3A_1163 = arith.constant 10 : i32
    %get3A_1164 = arith.index_cast %get3A_1163 : i32 to index
    %get3A_1165 = arith.constant 48 : index
    %get3A_1166 = tpu.vector_load %arg7[%get3A_1164, %get3A_1165] {strides = array<i32>} : memref<16x64xf32, #tpu.memory_space<vmem>>, vector<16xf32>,
    %add3A_1167 = arith.addf %add3A_1157, %get3A_1166 : vector<16xf32>
    %get3A_1168 = arith.constant 10 : i32
    %get3A_1169 = arith.index_cast %get3A_1168 : i32 to index
    %get3A_1170 = arith.constant 48 : index
    %get3A_1171 = tpu.vector_load %arg8[%get3A_1169, %get3A_1170] {strides = array<i32>} : memref<16x64xf32, #tpu.memory_space<vmem>>, vector<16xf32>,
    %add3A_1172 = arith.addf %add3A_1162, %get3A_1171 : vector<16xf32>
    %get3A_1173 = arith.constant 11 : i32
    %get3A_1174 = arith.index_cast %get3A_1173 : i32 to index
    %get3A_1175 = arith.constant 48 : index
    %get3A_1176 = tpu.vector_load %arg7[%get3A_1174, %get3A_1175] {strides = array<i32>} : memref<16x64xf32, #tpu.memory_space<vmem>>, vector<16xf32>,
    %add3A_1177 = arith.addf %add3A_1167, %get3A_1176 : vector<16xf32>
    %get3A_1178 = arith.constant 11 : i32
    %get3A_1179 = arith.index_cast %get3A_1178 : i32 to index
    %get3A_1180 = arith.constant 48 : index
    %get3A_1181 = tpu.vector_load %arg8[%get3A_1179, %get3A_1180] {strides = array<i32>} : memref<16x64xf32, #tpu.memory_space<vmem>>, vector<16xf32>,
    %add3A_1182 = arith.addf %add3A_1172, %get3A_1181 : vector<16xf32>
    %get3A_1183 = arith.constant 12 : i32
    %get3A_1184 = arith.index_cast %get3A_1183 : i32 to index
    %get3A_1185 = arith.constant 48 : index
    %get3A_1186 = tpu.vector_load %arg7[%get3A_1184, %get3A_1185] {strides = array<i32>} : memref<16x64xf32, #tpu.memory_space<vmem>>, vector<16xf32>,
    %add3A_1187 = arith.addf %add3A_1177, %get3A_1186 : vector<16xf32>
    %get3A_1188 = arith.constant 12 : i32
    %get3A_1189 = arith.index_cast %get3A_1188 : i32 to index
    %get3A_1190 = arith.constant 48 : index
    %get3A_1191 = tpu.vector_load %arg8[%get3A_1189, %get3A_1190] {strides = array<i32>} : memref<16x64xf32, #tpu.memory_space<vmem>>, vector<16xf32>,
    %add3A_1192 = arith.addf %add3A_1182, %get3A_1191 : vector<16xf32>
    %get3A_1193 = arith.constant 13 : i32
    %get3A_1194 = arith.index_cast %get3A_1193 : i32 to index
    %get3A_1195 = arith.constant 48 : index
    %get3A_1196 = tpu.vector_load %arg7[%get3A_1194, %get3A_1195] {strides = array<i32>} : memref<16x64xf32, #tpu.memory_space<vmem>>, vector<16xf32>,
    %add3A_1197 = arith.addf %add3A_1187, %get3A_1196 : vector<16xf32>
    %get3A_1198 = arith.constant 13 : i32
    %get3A_1199 = arith.index_cast %get3A_1198 : i32 to index
    %get3A_1200 = arith.constant 48 : index
    %get3A_1201 = tpu.vector_load %arg8[%get3A_1199, %get3A_1200] {strides = array<i32>} : memref<16x64xf32, #tpu.memory_space<vmem>>, vector<16xf32>,
    %add3A_1202 = arith.addf %add3A_1192, %get3A_1201 : vector<16xf32>
    %get3A_1203 = arith.constant 14 : i32
    %get3A_1204 = arith.index_cast %get3A_1203 : i32 to index
    %get3A_1205 = arith.constant 48 : index
    %get3A_1206 = tpu.vector_load %arg7[%get3A_1204, %get3A_1205] {strides = array<i32>} : memref<16x64xf32, #tpu.memory_space<vmem>>, vector<16xf32>,
    %add3A_1207 = arith.addf %add3A_1197, %get3A_1206 : vector<16xf32>
    %get3A_1208 = arith.constant 14 : i32
    %get3A_1209 = arith.index_cast %get3A_1208 : i32 to index
    %get3A_1210 = arith.constant 48 : index
    %get3A_1211 = tpu.vector_load %arg8[%get3A_1209, %get3A_1210] {strides = array<i32>} : memref<16x64xf32, #tpu.memory_space<vmem>>, vector<16xf32>,
    %add3A_1212 = arith.addf %add3A_1202, %get3A_1211 : vector<16xf32>
    %get3A_1213 = arith.constant 15 : i32
    %get3A_1214 = arith.index_cast %get3A_1213 : i32 to index
    %get3A_1215 = arith.constant 48 : index
    %get3A_1216 = tpu.vector_load %arg7[%get3A_1214, %get3A_1215] {strides = array<i32>} : memref<16x64xf32, #tpu.memory_space<vmem>>, vector<16xf32>,
    %add3A_1217 = arith.addf %add3A_1207, %get3A_1216 : vector<16xf32>
    %get3A_1218 = arith.constant 15 : i32
    %get3A_1219 = arith.index_cast %get3A_1218 : i32 to index
    %get3A_1220 = arith.constant 48 : index
    %get3A_1221 = tpu.vector_load %arg8[%get3A_1219, %get3A_1220] {strides = array<i32>} : memref<16x64xf32, #tpu.memory_space<vmem>>, vector<16xf32>,
    %add3A_1222 = arith.addf %add3A_1212, %get3A_1221 : vector<16xf32>
    %swap3A_1223 = arith.constant 0 : i32
    %swap3A_1224 = arith.index_cast %swap3A_1223 : i32 to index
    %swap3A_1225 = arith.constant 48 : index
    %swap3A_1226 = tpu.vector_load %arg7[%swap3A_1224, %swap3A_1225] {strides = array<i32>} : memref<16x64xf32, #tpu.memory_space<vmem>>, vector<16xf32>,
    tpu.vector_store %arg7[%swap3A_1224, %swap3A_1225], %add3A_1217 {strides = array<i32>} : memref<16x64xf32, #tpu.memory_space<vmem>>, vector<16xf32>,
    %swap3A_1227 = arith.constant 0 : i32
    %swap3A_1228 = arith.index_cast %swap3A_1227 : i32 to index
    %swap3A_1229 = arith.constant 48 : index
    %swap3A_1230 = tpu.vector_load %arg8[%swap3A_1228, %swap3A_1229] {strides = array<i32>} : memref<16x64xf32, #tpu.memory_space<vmem>>, vector<16xf32>,
    tpu.vector_store %arg8[%swap3A_1228, %swap3A_1229], %add3A_1222 {strides = array<i32>} : memref<16x64xf32, #tpu.memory_space<vmem>>, vector<16xf32>,
    %run_scoped3A = arith.constant 0 : i32
    "tpu.region"() ({
      %run_scoped3A_1234 = tpu.sem_alloc : memref<!tpu.dma_semaphore, #tpu.memory_space<semaphore_mem>>
      %dma_start3A = arith.constant 0 : i32
      %dma_start3A_1235 = tpu.memref_slice %arg7[%run_scoped3A, %dma_start3A] : memref<16x64xf32, #tpu.memory_space<vmem>> -> memref<1x64xf32, #tpu.memory_space<vmem>>
      %dma_start3A_1236 = tpu.memref_squeeze %dma_start3A_1235 : memref<1x64xf32, #tpu.memory_space<vmem>> -> memref<64xf32, #tpu.memory_space<vmem>>
      %dma_start3A_1237 = arith.constant 0 : i32
      %dma_start3A_1238 = tpu.memref_slice %arg4[%add3A, %dma_start3A_1237] : memref<64x64xf32, #tpu.memory_space<hbm>> -> memref<1x64xf32, #tpu.memory_space<hbm>>
      %dma_start3A_1239 = tpu.memref_squeeze %dma_start3A_1238 : memref<1x64xf32, #tpu.memory_space<hbm>> -> memref<64xf32, #tpu.memory_space<hbm>>
      %dma_start3A_1240 = arith.constant 0 : i32
      %dma_start3A_1241 = tpu.memref_slice %arg4[%add3A, %dma_start3A_1240] : memref<64x64xf32, #tpu.memory_space<hbm>> -> memref<1x64xf32, #tpu.memory_space<hbm>>
      %dma_start3A_1242 = tpu.memref_squeeze %dma_start3A_1241 : memref<1x64xf32, #tpu.memory_space<hbm>> -> memref<64xf32, #tpu.memory_space<hbm>>
      %dma_start3A_1243 = arith.constant 0 : i32
      %dma_start3A_1244 = tpu.memref_slice %arg7[%run_scoped3A, %dma_start3A_1243] : memref<16x64xf32, #tpu.memory_space<vmem>> -> memref<1x64xf32, #tpu.memory_space<vmem>>
      %dma_start3A_1245 = tpu.memref_squeeze %dma_start3A_1244 : memref<1x64xf32, #tpu.memory_space<vmem>> -> memref<64xf32, #tpu.memory_space<vmem>>
      tpu.enqueue_dma source(%dma_start3A_1245 : memref<64xf32, #tpu.memory_space<vmem>>) target(%dma_start3A_1242 : memref<64xf32, #tpu.memory_space<hbm>>) target_semaphore(%run_scoped3A_1234 : memref<!tpu.dma_semaphore, #tpu.memory_space<semaphore_mem>>)
      %dma_wait3A = arith.constant 0 : i32
      %dma_wait3A_1246 = tpu.memref_slice %arg7[%run_scoped3A, %dma_wait3A] : memref<16x64xf32, #tpu.memory_space<vmem>> -> memref<1x64xf32, #tpu.memory_space<vmem>>
      %dma_wait3A_1247 = tpu.memref_squeeze %dma_wait3A_1246 : memref<1x64xf32, #tpu.memory_space<vmem>> -> memref<64xf32, #tpu.memory_space<vmem>>
      %dma_wait3A_1248 = arith.constant 0 : i32
      %dma_wait3A_1249 = tpu.memref_slice %arg4[%add3A, %dma_wait3A_1248] : memref<64x64xf32, #tpu.memory_space<hbm>> -> memref<1x64xf32, #tpu.memory_space<hbm>>
      %dma_wait3A_1250 = tpu.memref_squeeze %dma_wait3A_1249 : memref<1x64xf32, #tpu.memory_space<hbm>> -> memref<64xf32, #tpu.memory_space<hbm>>
      %dma_wait3A_1251 = arith.constant 0 : i32
      %dma_wait3A_1252 = tpu.memref_slice %arg4[%add3A, %dma_wait3A_1251] : memref<64x64xf32, #tpu.memory_space<hbm>> -> memref<1x64xf32, #tpu.memory_space<hbm>>
      %dma_wait3A_1253 = tpu.memref_squeeze %dma_wait3A_1252 : memref<1x64xf32, #tpu.memory_space<hbm>> -> memref<64xf32, #tpu.memory_space<hbm>>
      %dma_wait3A_1254 = arith.constant 0 : i32
      %dma_wait3A_1255 = tpu.memref_slice %arg7[%run_scoped3A, %dma_wait3A_1254] : memref<16x64xf32, #tpu.memory_space<vmem>> -> memref<1x64xf32, #tpu.memory_space<vmem>>
      %dma_wait3A_1256 = tpu.memref_squeeze %dma_wait3A_1255 : memref<1x64xf32, #tpu.memory_space<vmem>> -> memref<64xf32, #tpu.memory_space<vmem>>
      tpu.wait_dma2 semaphore(%run_scoped3A_1234 : memref<!tpu.dma_semaphore, #tpu.memory_space<semaphore_mem>>) src(%dma_wait3A_1256 : memref<64xf32, #tpu.memory_space<vmem>>) dst(%dma_wait3A_1253 : memref<64xf32, #tpu.memory_space<hbm>>)
      tpu.yield
    }) : () -> ()
    %add3A_1231 = arith.constant 32 : i32
    %add3A_1232 = arith.addi %add3A_1231, %add3A : i32
    %run_scoped3A_1233 = arith.constant 0 : i32
    "tpu.region"() ({
      %run_scoped3A_1234 = tpu.sem_alloc : memref<!tpu.dma_semaphore, #tpu.memory_space<semaphore_mem>>
      %dma_start3A = arith.constant 0 : i32
      %dma_start3A_1235 = tpu.memref_slice %arg8[%run_scoped3A_1233, %dma_start3A] : memref<16x64xf32, #tpu.memory_space<vmem>> -> memref<1x64xf32, #tpu.memory_space<vmem>>
      %dma_start3A_1236 = tpu.memref_squeeze %dma_start3A_1235 : memref<1x64xf32, #tpu.memory_space<vmem>> -> memref<64xf32, #tpu.memory_space<vmem>>
      %dma_start3A_1237 = arith.constant 0 : i32
      %dma_start3A_1238 = tpu.memref_slice %arg4[%add3A_1232, %dma_start3A_1237] : memref<64x64xf32, #tpu.memory_space<hbm>> -> memref<1x64xf32, #tpu.memory_space<hbm>>
      %dma_start3A_1239 = tpu.memref_squeeze %dma_start3A_1238 : memref<1x64xf32, #tpu.memory_space<hbm>> -> memref<64xf32, #tpu.memory_space<hbm>>
      %dma_start3A_1240 = arith.constant 0 : i32
      %dma_start3A_1241 = tpu.memref_slice %arg4[%add3A_1232, %dma_start3A_1240] : memref<64x64xf32, #tpu.memory_space<hbm>> -> memref<1x64xf32, #tpu.memory_space<hbm>>
      %dma_start3A_1242 = tpu.memref_squeeze %dma_start3A_1241 : memref<1x64xf32, #tpu.memory_space<hbm>> -> memref<64xf32, #tpu.memory_space<hbm>>
      %dma_start3A_1243 = arith.constant 0 : i32
      %dma_start3A_1244 = tpu.memref_slice %arg8[%run_scoped3A_1233, %dma_start3A_1243] : memref<16x64xf32, #tpu.memory_space<vmem>> -> memref<1x64xf32, #tpu.memory_space<vmem>>
      %dma_start3A_1245 = tpu.memref_squeeze %dma_start3A_1244 : memref<1x64xf32, #tpu.memory_space<vmem>> -> memref<64xf32, #tpu.memory_space<vmem>>
      tpu.enqueue_dma source(%dma_start3A_1245 : memref<64xf32, #tpu.memory_space<vmem>>) target(%dma_start3A_1242 : memref<64xf32, #tpu.memory_space<hbm>>) target_semaphore(%run_scoped3A_1234 : memref<!tpu.dma_semaphore, #tpu.memory_space<semaphore_mem>>)
      %dma_wait3A = arith.constant 0 : i32
      %dma_wait3A_1246 = tpu.memref_slice %arg8[%run_scoped3A_1233, %dma_wait3A] : memref<16x64xf32, #tpu.memory_space<vmem>> -> memref<1x64xf32, #tpu.memory_space<vmem>>
      %dma_wait3A_1247 = tpu.memref_squeeze %dma_wait3A_1246 : memref<1x64xf32, #tpu.memory_space<vmem>> -> memref<64xf32, #tpu.memory_space<vmem>>
      %dma_wait3A_1248 = arith.constant 0 : i32
      %dma_wait3A_1249 = tpu.memref_slice %arg4[%add3A_1232, %dma_wait3A_1248] : memref<64x64xf32, #tpu.memory_space<hbm>> -> memref<1x64xf32, #tpu.memory_space<hbm>>
      %dma_wait3A_1250 = tpu.memref_squeeze %dma_wait3A_1249 : memref<1x64xf32, #tpu.memory_space<hbm>> -> memref<64xf32, #tpu.memory_space<hbm>>
      %dma_wait3A_1251 = arith.constant 0 : i32
      %dma_wait3A_1252 = tpu.memref_slice %arg4[%add3A_1232, %dma_wait3A_1251] : memref<64x64xf32, #tpu.memory_space<hbm>> -> memref<1x64xf32, #tpu.memory_space<hbm>>
      %dma_wait3A_1253 = tpu.memref_squeeze %dma_wait3A_1252 : memref<1x64xf32, #tpu.memory_space<hbm>> -> memref<64xf32, #tpu.memory_space<hbm>>
      %dma_wait3A_1254 = arith.constant 0 : i32
      %dma_wait3A_1255 = tpu.memref_slice %arg8[%run_scoped3A_1233, %dma_wait3A_1254] : memref<16x64xf32, #tpu.memory_space<vmem>> -> memref<1x64xf32, #tpu.memory_space<vmem>>
      %dma_wait3A_1256 = tpu.memref_squeeze %dma_wait3A_1255 : memref<1x64xf32, #tpu.memory_space<vmem>> -> memref<64xf32, #tpu.memory_space<vmem>>
      tpu.wait_dma2 semaphore(%run_scoped3A_1234 : memref<!tpu.dma_semaphore, #tpu.memory_space<semaphore_mem>>) src(%dma_wait3A_1256 : memref<64xf32, #tpu.memory_space<vmem>>) dst(%dma_wait3A_1253 : memref<64xf32, #tpu.memory_space<hbm>>)
      tpu.yield
    }) : () -> ()
    return
  }
}

module attributes {stable_mosaic.version = 14 : i64} {
  func.func @_combine_body(%arg0: memref<64x64xf32, #tpu.memory_space<vmem>>, %arg1: memref<64x8xf32, #tpu.memory_space<vmem>>, %arg2: memref<1x64xf32, #tpu.memory_space<vmem>>) attributes {dimension_semantics = [], scalar_prefetch = 0 : i64, scratch_operands = 0 : i64, tpu.core_type = #tpu.core_type<tc>} {
    %get3A = arith.constant 0 : index
    %get3A_0 = arith.constant 0 : index
    %get3A_1 = vector.load %arg0[%get3A, %get3A_0] : memref<64x64xf32, #tpu.memory_space<vmem>>, vector<32x64xf32>
    %reduce_sum3A = arith.constant dense<0.000000e+00> : vector<64xf32>
    %reduce_sum3A_2 = vector.multi_reduction <add>, %get3A_1, %reduce_sum3A [0] : vector<32x64xf32> to vector<64xf32>
    %broadcast_in_dim3A = vector.shape_cast %reduce_sum3A_2 : vector<64xf32> to vector<1x64xf32>
    %get3A_3 = arith.constant 32 : index
    %get3A_4 = arith.constant 0 : index
    %get3A_5 = vector.load %arg0[%get3A_3, %get3A_4] : memref<64x64xf32, #tpu.memory_space<vmem>>, vector<32x64xf32>
    %reduce_sum3A_6 = arith.constant dense<0.000000e+00> : vector<64xf32>
    %reduce_sum3A_7 = vector.multi_reduction <add>, %get3A_5, %reduce_sum3A_6 [0] : vector<32x64xf32> to vector<64xf32>
    %broadcast_in_dim3A_8 = vector.shape_cast %reduce_sum3A_7 : vector<64xf32> to vector<1x64xf32>
    %broadcast_in_dim3A_9 = arith.constant 1.000000e+00 : f32
    %broadcast_in_dim3A_10 = vector.broadcast %broadcast_in_dim3A_9 : f32 to vector<1x8xf32>
    %get3A_11 = arith.constant 0 : index
    %get3A_12 = arith.constant 0 : index
    %get3A_13 = vector.load %arg1[%get3A_11, %get3A_12] : memref<64x8xf32, #tpu.memory_space<vmem>>, vector<64x8xf32>
    %dot_general3A = arith.constant dense<0.000000e+00> : vector<1x64xf32>
    %dot_general3A_14 = tpu.matmul %broadcast_in_dim3A_10, %get3A_13, %dot_general3A {dimension_numbers = #tpu.dot_dimension_numbers<[1], [1], [0], [0], [0, 0, 1, 0], [], []>, transpose_lhs_hint = false} : vector<1x8xf32>, vector<64x8xf32>, vector<1x64xf32> -> vector<1x64xf32>
    %max3A = arith.constant 1.000000e+00 : f32
    %max3A_15 = vector.broadcast %max3A : f32 to vector<1x64xf32>
    %max3A_16 = arith.maximumf %broadcast_in_dim3A_8, %max3A_15 : vector<1x64xf32>
    %div3A = arith.divf %broadcast_in_dim3A, %max3A_16 : vector<1x64xf32>
    %add3A = arith.addf %dot_general3A_14, %div3A : vector<1x64xf32>
    %div3A_17 = arith.constant 1.360000e+02 : f32
    %div3A_18 = vector.broadcast %div3A_17 : f32 to vector<1x64xf32>
    %div3A_19 = arith.divf %add3A, %div3A_18 : vector<1x64xf32>
    %swap3A = arith.constant 0 : index
    %swap3A_20 = arith.constant 0 : index
    %swap3A_21 = vector.load %arg2[%swap3A, %swap3A_20] : memref<1x64xf32, #tpu.memory_space<vmem>>, vector<1x64xf32>
    tpu.vector_store %arg2[%swap3A, %swap3A_20], %div3A_19 {strides = array<i32>} : memref<1x64xf32, #tpu.memory_space<vmem>>, vector<1x64xf32>,
    return
  }
}

</mosaic_0001>

<sc_bundles>
// kernel: kernel.4.cloned.1.call-start
scs
__scs_entry_jumppad:
0x0: {  	(pc) =	sbr.rel $0x88, $3  }
0x1: {  	(tag) =	ssettag $0x0;
	lr =	simm.s32 $0x1  }
0x2: {  	[smem:$0x3F9E] =	sst lr;
	_ =	strace $0xD0000000  }
0x3: {  	_ = 	snop  }
0x4: {  	_ = 	snop  }
0x5: {  	_ = 	snop  }
0x6: {  	_ = 	snop  }
0x7: {  	_ = 	snop  }
__scs_overlays_trampoline_lowered:
0x8: {  	[smem:$0x3FAD] =	sst s0  }
0x9: {  	[smem:$0x3FAE] =	sst s1  }
0xa: {  	[smem:$0x3FAF] =	sst s2  }
0xb: {  	[smem:$0x3FB0] =	sst s3  }
0xc: {  	[smem:$0x3FB1] =	sst s4  }
0xd: {  	[smem:$0x3FB2] =	sst s5  }
0xe: {  	[smem:$0x3FB3] =	sst s6  }
0xf: {  	[smem:$0x3FB4] =	sst s7  }
0x10: {  	[smem:$0x3FB5] =	sst s8  }
0x11: {  	[smem:$0x3FB6] =	sst s9;
	s0 =	simm.s32 @!p0 $0x0  }
0x12: {  	s1 =	sld [smem:$0x3F9C];
	s0 =	simm.s32 @p0 $0x1  }
0x13: {  	[smem:$0x3FB7] =	sst s0;
	s0 =	simm.s32 @!p1 $0x0  }
0x14: {  	s2 =	sld [smem:$0x3F9B];
	s0 =	simm.s32 @p1 $0x1  }
0x15: {  	[smem:$0x3FB8] =	sst s0;
	s0 =	simm.s32 @!p2 $0x0  }
0x16: {  	s3 =	sld [smem:$0x3FDB];
	s0 =	simm.s32 @p2 $0x1  }
0x17: {  	s4 =	simm.s32 $0x1BF5;
	[smem:$0x3FBA] =	sst s0  }
0x18: {  	s0 =	sld [smem:$0x3F9D];
	_ =	swait.ge [sflag:s4], $0x0  }
0x19: {  	s7 =	sld [smem:$0x3F9E]  }
0x1a: {  	s8 =	sadd.s32 $0xFFFFE003, lr  }
0x1b: {  	s9 =	sadd.s32 $0xFFFFFEF7, lr;
	s5 =	simm.s32 $0xFFFFFFFF;
	p2 =	slt.u32 s8, $0xFFFFF086  }
0x1c: {  	p1 =	slt.u32 s9, $0xF7A;
	s5 =	simm.s32 @!p2 $0x0  }
0x1d: {  	s5 =	simm.s32 @p1 $0x1;
	p0 =	seq.s32 s7, s2  }
0x1e: {  	s7 =	smul.u32 @!p0 $0xF7A, s2;
	p2 =	seq.s32 @!p0 s5, $0x0  }
0x1f: {  	s9 =	smul.u32 $0xF7A, s1;
	s8 =	simm.s32 @!p0 $0x1BF5;
	p2 =	por !p2, p0  }
0x20: {  	[sflag:s8] =	ssyncset.s32 @!p0 $0xFFFFF086;
	s6 =	sadd.s32 @!p0 s3, s7;
	s7 =	simm.s32 @!p0 $0x108  }
0x21: {  	s3 =	sadd.s32 s3, s9;
	s6 =	sadd.s32 @!p0 $0x88, s6;
	s7 =	simm.s32 @p2 $0x1082  }
0x22: {  	[simem:s7], [sflag:s8] =	dma.local @!p0 [hbm:s6], $0xF7A  }
0x23: {  	s9 =	sor.u32 $0xD0000000, s2;
	s6 =	simm.s32 $0x108;
	_ =	swait.ge @!p0 [sflag:s8], $0x0  }
0x24: {  	s3 =	sadd.s32 $0x88, s3;
	s6 =	simm.s32 @!p1 $0x1082;
	[sflag:s4] =	ssyncset.s32 $0xFFFFF086  }
0x25: {  	[simem:s6], [sflag:s4] =	dma.local [hbm:s3], $0xF7A  }
0x26: {  	[smem:$0x3F9E] =	sst s1;
	(tag) =	ssettag s2;
	_ =	strace s9  }
0x27: {  	s1 =	sld [smem:$0x3FAE]  }
0x28: {  	s2 =	sld [smem:$0x3FAF]  }
0x29: {  	s4 =	sld [smem:$0x3FB1]  }
0x2a: {  	p0 =	seq.s32 s5, $0x0;
	s5 =	sld [smem:$0x3FB2]  }
0x2b: {  	s6 =	sld [smem:$0x3FB3]  }
0x2c: {  	s7 =	sld [smem:$0x3FB4]  }
0x2d: {  	s3 =	simm.s32 $0x108;
	s8 =	sld [smem:$0x3FB5]  }
0x2e: {  	s3 =	simm.s32 @!p0 $0x1082;
	s9 =	sld [smem:$0x3FB6]  }
0x2f: {  	lr =	sadd.s32 s0, s3;
	s0 =	sld [smem:$0x3FAD]  }
0x30: {  	s3 =	sld [smem:$0x3FB0]  }
0x31: {  	[smem:$0x3FB9] =	sst s10  }
0x32: {  	s10 =	sld [smem:$0x3FB7];
	_ =	sdelay $0x3  }
0x33: {  	p0 =	seq.s32 s10, $0x1;
	s10 =	sld [smem:$0x3FB9];
	_ =	sdelay $0x3  }
0x34: {  	[smem:$0x3FB9] =	sst s10  }
0x35: {  	s10 =	sld [smem:$0x3FB8];
	_ =	sdelay $0x3  }
0x36: {  	p1 =	seq.s32 s10, $0x1;
	s10 =	sld [smem:$0x3FB9];
	_ =	sdelay $0x3  }
0x37: {  	[smem:$0x3FB9] =	sst s10  }
0x38: {  	s10 =	sld [smem:$0x3FBA]  }
0x39: {  	_ = 	snop;
	(pc) =	sbr.ind lr, $3  }
0x3a: {  	_ = 	snop  }
0x3b: {  	_ = 	snop  }
0x3c: {  	p2 =	seq.s32 s10, $0x1;
	s10 =	sld [smem:$0x3FB9]  }
0x3d: {  	_ =	shalt  }
0x3e: {  	_ =	shalt  }
0x3f: {  	_ =	shalt  }
0x40: {  	_ =	shalt  }
0x41: {  	_ =	shalt  }
0x42: {  	_ =	shalt  }
0x43: {  	_ =	shalt  }
0x44: {  	_ =	shalt  }
0x45: {  	_ =	shalt  }
0x46: {  	_ =	shalt  }
0x47: {  	_ =	shalt  }
0x48: {  	_ =	shalt  }
0x49: {  	_ =	shalt  }
0x4a: {  	_ =	shalt  }
0x4b: {  	_ =	shalt  }
0x4c: {  	_ =	shalt  }
0x4d: {  	_ =	shalt  }
0x4e: {  	_ =	shalt  }
0x4f: {  	_ =	shalt  }
0x50: {  	_ =	shalt  }
0x51: {  	_ =	shalt  }
0x52: {  	_ =	shalt  }
0x53: {  	_ =	shalt  }
0x54: {  	_ =	shalt  }
0x55: {  	_ =	shalt  }
0x56: {  	_ =	shalt  }
0x57: {  	_ =	shalt  }
0x58: {  	_ =	shalt  }
0x59: {  	_ =	shalt  }
0x5a: {  	_ =	shalt  }
0x5b: {  	_ =	shalt  }
0x5c: {  	_ =	shalt  }
0x5d: {  	_ =	shalt  }
0x5e: {  	_ =	shalt  }
0x5f: {  	_ =	shalt  }
0x60: {  	_ =	shalt  }
0x61: {  	_ =	shalt  }
0x62: {  	_ =	shalt  }
0x63: {  	_ =	shalt  }
0x64: {  	_ =	shalt  }
0x65: {  	_ =	shalt  }
0x66: {  	_ =	shalt  }
0x67: {  	_ =	shalt  }
0x68: {  	_ =	shalt  }
0x69: {  	_ =	shalt  }
0x6a: {  	_ =	shalt  }
0x6b: {  	_ =	shalt  }
0x6c: {  	_ =	shalt  }
0x6d: {  	_ =	shalt  }
0x6e: {  	_ =	shalt  }
0x6f: {  	_ =	shalt  }
0x70: {  	_ =	shalt  }
0x71: {  	_ =	shalt  }
0x72: {  	_ =	shalt  }
0x73: {  	_ =	shalt  }
0x74: {  	_ =	shalt  }
0x75: {  	_ =	shalt  }
0x76: {  	_ =	shalt  }
0x77: {  	_ =	shalt  }
0x78: {  	_ =	shalt  }
0x79: {  	_ =	shalt  }
0x7a: {  	_ =	shalt  }
0x7b: {  	_ =	shalt  }
0x7c: {  	_ =	shalt  }
0x7d: {  	_ =	shalt  }
0x7e: {  	_ =	shalt  }
0x7f: {  	_ =	shalt  }
0x80: {  	_ =	shalt  }
0x81: {  	_ =	shalt  }
0x82: {  	_ =	shalt  }
0x83: {  	_ =	shalt  }
0x84: {  	_ =	shalt  }
0x85: {  	_ =	shalt  }
0x86: {  	_ =	shalt  }
0x87: {  	_ =	shalt  }
.Lfunc_end0:
.L_simem_size_0:
called_computation_lowered:
.L_overlay_start_0:
0x88: {  	s2 =	sld [smem:$0x3FD9]  }
0x89: {  	s3 =	sld [smem:$0x3FFE];
	_ =	sdelay $0x1  }
0x8a: {  	s1 =	srdreg.scid  }
0x8b: {  	s0 =	sand.u32 $0x1, s1  }
0x8c: {  	s17 =	sshll.u32 s0, $0xA;
	s2 =	sadd.s32 s3, s2  }
0x8d: {  	s2 =	sadd.s32 s2, s17  }
0x8e: {  	[smem:$0x3FC5] =	sst s2  }
0x8f: {  	_ = 	snop  }
0x90: {  	s2 =	sld [smem:$0x3FC9]  }
0x91: {  	s18 =	sld [smem:$0x3FC7];
	(tm) =	ssettm $0x1  }
0x92: {  	s4 =	sld [smem:$0x3FFB];
	_ =	sdelay $0x3  }
0x93: {  	_ =	strace s4  }
0x94: {  	s4 =	sld [smem:$0x3FFC];
	_ =	sdelay $0x3  }
0x95: {  	_ =	strace s4  }
0x96: {  	s4 =	sld [smem:$0x3FFD];
	_ =	sdelay $0x3  }
0x97: {  	_ =	strace s4  }
0x98: {  	_ =	strace $0x8FFFFFFF  }
0x99: {  	s19 =	sld [smem:$0x3FDB];
	_ =	sdelay $0x1  }
0x9a: {  	s5 =	simm.s32 $_scs_section_size  }
0x9b: {  	s6 =	simm.s32 $_size__tile_overlayer_lowered;
	s7 =	simm.s32 $_tile_overlayer_lowered  }
0x9c: {  	s22 =	simm.s32 $0x1BFF;
	s21 =	sshll.u32 s7, $0x1;
	s4 =	sadd.s32 s5, s19  }
0x9d: {  	s8 =	simm.s32 $0x0;
	s20 =	sshll.u32 s6, $0x1;
	s6 =	sadd.s32 s21, s4  }
0x9e: {  	[timem:s8], [sflag:s22] =	dma.local [hbm:s6], s20  }
0x9f: {  	_ =	swait.ge [sflag:s22], s20  }
0xa0: {  	s5 =	ssub.s32 $0x0, s20;
	[sflag:s22] =	ssyncset.done $0x0  }
0xa1: {  	[sflag:s22] =	ssyncadd.s32 s5;
	_ =	sdelay $0x1  }
0xa2: {  	s23 =	simm.s32 $0x1B8B  }
0xa3: {  	_ =	swait.ge [sflag:s23], $0x1  }
0xa4: {  	[sflag:s23] =	ssyncset.done $0x0  }
0xa5: {  	s25 =	simm.s32 $0x1B8E;
	s24 =	sld [smem:$0x3FFE];
	[sflag:s23] =	ssyncadd.s32 $0xFFFFFFFF  }
0xa6: {  	s26 =	simm.s32 $execute0_lowered;
	[smem:$0x3FD2] =	sst s25  }
0xa7: {  	s6 =	sshll.u32 s26, $0x1;
	_ =	strace $0x80000046;
	[dreg:$0x1] =	wrdreg $0xFFFFFFFF  }
0xa8: {  	s28 =	simm.s32 $_size_execute0_lowered;
	s4 =	sadd.s32 s4, s6;
	[dreg:$0x0] =	wrdreg $0x0  }
0xa9: {  	s6 =	sshll.u32 s28, $0x1;
	[dreg:$0x2] =	wrdreg s4  }
0xaa: {  	[dreg:$0x3] =	wrdreg s6  }
0xab: {  	[dreg:$0x4] =	wrdreg $0xC0  }
0xac: {  	_ =	task [dreg:s8], $0x5FFFF  }
0xad: {  	[dreg:$0x1] =	wrdreg $0xFFFFFFFF  }
0xae: {  	[dreg:$0x0] =	wrdreg $0x60  }
0xaf: {  	[dreg:$0x2] =	wrdreg s2  }
0xb0: {  	[dreg:$0x3] =	wrdreg s18  }
0xb1: {  	[dreg:$0x4] =	wrdreg s24  }
0xb2: {  	[dreg:$0x5] =	wrdreg $0x9  }
0xb3: {  	_ =	task.clear_ibuf [dreg:s8], $0x6FFFF;
	_ =	strace $0x90000046  }
0xb4: {  	s29 =	simm.s32 $0x9;
	_ =	strace $0x80000048  }
0xb5: {  	_ =	swait.ge [sflag:s29], $0x1  }
0xb6: {  	[sflag:s29] =	ssyncadd.s32 $0xFFFFFFFF  }
0xb7: {  	_ =	strace $0x90000048  }
0xb8: {  	_ =	sfence  }
0xb9: {  	s30 =	sld [smem:$0x0];
	_ =	sdelay $0x2  }
0xba: {  	s31 =	sshll.u32 s1, $0xD;
	s1 =	sshrl.u32 s1, $0x2  }
0xbb: {  	s3 =	sand.u32 $0x4000, s31;
	s1 =	sadd.s32 s1, s30  }
0xbc: {  	s0 =	sor.u32 s3, s0;
	s1 =	sshll.u32 s1, $0x11  }
0xbd: {  	s0 =	sor.u32 s1, s0  }
0xbe: {  	s0 =	sadd.s32 $0x8F2B, s0  }
0xbf: {  	[sflag:s0] =	ssyncadd.remote.s32 $0x1  }
0xc0: {  	_ =	sfence.sel $0xFFFF  }
0xc1: {  	[dreg:$0x0] =	wrdreg $0xFFFFFFFF;
	(pc) =	sbr.abs _section_cstart, $3  }
0xc2: {  	[dreg:$0x1] =	wrdreg $0xFFFFFFFF  }
0xc3: {  	_ =	task.clear_ibuf [dreg:s8], $0x2FFFF;
	_ =	strace $0x9FFFFFFF  }
0xc4: {  	(tm) =	ssettm $0x7FFFFFFF  }
0xc5: {  	_ =	shalt  }
tec
execute0_lowered:
.L_overlay_start_1:
0x0: {  	(tag) =	ssettag $0x1  }
0x1: {  	v17 =	vlaneseq.u32;
	v0 =	vimm.f32 $0.0e+00;
	v2 =	vimm.s32 $0x78E  }
0x2: {  	vm14 =	vcmask $0x300;
	v3 =	vimm.s32 $0x78D;
	vm13 =	vcmask $0x704  }
0x3: {  	vm12 =	vcmask $0xB08;
	vm11 =	vcmask $0xF0C;
	vm10 =	vcmask $0x1310  }
0x4: {  	vm9 =	vcmask $0x1714;
	vm8 =	vcmask $0x1B18;
	vm7 =	vcmask $0x1F1C  }
0x5: {  	vm6 =	vcmask $0x2320;
	vm5 =	vcmask $0x2724;
	vm4 =	vcmask $0x2B28  }
0x6: {  	vm3 =	vcmask $0x2F2C;
	vm1 =	vcmask $0x3330;
	vm2 =	vcmask $0x3734  }
0x7: {  	vm0 =	vcmask $0x3B38;
	v4 =	vimm.s32 $0x78C;
	v5 =	vimm.s32 $0x78B  }
0x8: {  	v6 =	vimm.s32 $0x78A;
	v7 =	vimm.s32 $0x789;
	v8 =	vimm.s32 $0x788  }
0x9: {  	v9 =	vimm.s32 $0x787;
	v10 =	vimm.s32 $0x786;
	v11 =	vimm.s32 $0x785  }
0xa: {  	v12 =	vimm.s32 $0x784;
	v13 =	vimm.s32 $0x783;
	v14 =	vimm.s32 $0x782  }
0xb: {  	v15 =	vimm.s32 $0x781;
	v18 =	vimm.f32 $1.000000000e+00;
	v1 =	vmul.u32 $0x81, v17  }
0xc: {  	v2 =	vsel vm14, $0x1, v2;
	v3 =	vsel vm14, $0x2, v3;
	v4 =	vsel vm14, $0x3, v4  }
0xd: {  	v5 =	vsel vm14, $0x4, v5;
	v6 =	vsel vm14, $0x5, v6;
	v7 =	vsel vm14, $0x6, v7  }
0xe: {  	v8 =	vsel vm14, $0x7, v8;
	v9 =	vsel vm14, $0x8, v9;
	v10 =	vsel vm14, $0x9, v10  }
0xf: {  	v11 =	vsel vm14, $0xA, v11;
	v12 =	vsel vm14, $0xB, v12;
	v13 =	vsel vm14, $0xC, v13  }
0x10: {  	v14 =	vsel vm14, $0xD, v14;
	v15 =	vsel vm14, $0xE, v15;
	v16 =	vmul.u32 $0x7F, v17  }
0x11: {  	v17 =	vmul.u32 $0x80, v17;
	v2 =	vsel vm13, $0x80, v2;
	v3 =	vsel vm13, $0x83, v3  }
0x12: {  	v4 =	vsel vm13, $0x82, v4;
	v5 =	vsel vm13, $0x85, v5;
	v6 =	vsel vm13, $0x84, v6  }
0x13: {  	v7 =	vsel vm13, $0x87, v7;
	v8 =	vsel vm13, $0x86, v8;
	v9 =	vsel vm13, $0x89, v9  }
0x14: {  	v10 =	vsel vm13, $0x88, v10;
	v11 =	vsel vm13, $0x8B, v11;
	v12 =	vsel vm13, $0x8A, v12  }
0x15: {  	v13 =	vsel vm13, $0x8D, v13;
	v14 =	vsel vm13, $0x8C, v14;
	v15 =	vsel vm13, $0x8F, v15  }
0x16: {  	v2 =	vsel vm12, $0x103, v2;
	v3 =	vsel vm12, $0x100, v3;
	v4 =	vsel vm12, $0x101, v4  }
0x17: {  	v5 =	vsel vm12, $0x106, v5;
	v6 =	vsel vm12, $0x107, v6;
	v7 =	vsel vm12, $0x104, v7  }
0x18: {  	v8 =	vsel vm12, $0x105, v8;
	v9 =	vsel vm12, $0x10A, v9;
	v10 =	vsel vm12, $0x10B, v10  }
0x19: {  	v11 =	vsel vm12, $0x108, v11;
	v12 =	vsel vm12, $0x109, v12;
	v13 =	vsel vm12, $0x10E, v13  }
0x1a: {  	v14 =	vsel vm12, $0x10F, v14;
	v15 =	vsel vm12, $0x10C, v15;
	v16 =	vadd.s32 $0xF, v16  }
0x1b: {  	v2 =	vsel vm11, $0x182, v2;
	v3 =	vsel vm11, $0x181, v3;
	v4 =	vsel vm11, $0x180, v4  }
0x1c: {  	v5 =	vsel vm11, $0x187, v5;
	v6 =	vsel vm11, $0x186, v6;
	v7 =	vsel vm11, $0x185, v7  }
0x1d: {  	v8 =	vsel vm11, $0x184, v8;
	v9 =	vsel vm11, $0x18B, v9;
	v10 =	vsel vm11, $0x18A, v10  }
0x1e: {  	v11 =	vsel vm11, $0x189, v11;
	v12 =	vsel vm11, $0x188, v12;
	v13 =	vsel vm11, $0x18F, v13  }
0x1f: {  	v14 =	vsel vm11, $0x18E, v14;
	v15 =	vsel vm11, $0x18D, v15;
	v2 =	vsel vm10, $0x205, v2  }
0x20: {  	v3 =	vsel vm10, $0x206, v3;
	v4 =	vsel vm10, $0x207, v4;
	v5 =	vsel vm10, $0x200, v5  }
0x21: {  	v6 =	vsel vm10, $0x201, v6;
	v7 =	vsel vm10, $0x202, v7;
	v8 =	vsel vm10, $0x203, v8  }
0x22: {  	v9 =	vsel vm10, $0x20C, v9;
	v10 =	vsel vm10, $0x20D, v10;
	v11 =	vsel vm10, $0x20E, v11  }
0x23: {  	v12 =	vsel vm10, $0x20F, v12;
	v13 =	vsel vm10, $0x208, v13;
	v14 =	vsel vm10, $0x209, v14  }
0x24: {  	v15 =	vsel vm10, $0x20A, v15;
	v2 =	vsel vm9, $0x284, v2;
	v3 =	vsel vm9, $0x287, v3  }
0x25: {  	v4 =	vsel vm9, $0x286, v4;
	v5 =	vsel vm9, $0x281, v5;
	v6 =	vsel vm9, $0x280, v6  }
0x26: {  	v7 =	vsel vm9, $0x283, v7;
	v8 =	vsel vm9, $0x282, v8;
	v9 =	vsel vm9, $0x28D, v9  }
0x27: {  	v10 =	vsel vm9, $0x28C, v10;
	v11 =	vsel vm9, $0x28F, v11;
	v12 =	vsel vm9, $0x28E, v12  }
0x28: {  	v13 =	vsel vm9, $0x289, v13;
	v14 =	vsel vm9, $0x288, v14;
	v15 =	vsel vm9, $0x28B, v15  }
0x29: {  	v2 =	vsel vm8, $0x307, v2;
	v3 =	vsel vm8, $0x304, v3;
	v4 =	vsel vm8, $0x305, v4  }
0x2a: {  	v5 =	vsel vm8, $0x302, v5;
	v6 =	vsel vm8, $0x303, v6;
	v7 =	vsel vm8, $0x300, v7  }
0x2b: {  	v8 =	vsel vm8, $0x301, v8;
	v9 =	vsel vm8, $0x30E, v9;
	v10 =	vsel vm8, $0x30F, v10  }
0x2c: {  	v11 =	vsel vm8, $0x30C, v11;
	v12 =	vsel vm8, $0x30D, v12;
	v13 =	vsel vm8, $0x30A, v13  }
0x2d: {  	v14 =	vsel vm8, $0x30B, v14;
	v15 =	vsel vm8, $0x308, v15;
	v2 =	vsel vm7, $0x386, v2  }
0x2e: {  	v3 =	vsel vm7, $0x385, v3;
	v4 =	vsel vm7, $0x384, v4;
	v5 =	vsel vm7, $0x383, v5  }
0x2f: {  	v6 =	vsel vm7, $0x382, v6;
	v7 =	vsel vm7, $0x381, v7;
	v8 =	vsel vm7, $0x380, v8  }
0x30: {  	v9 =	vsel vm7, $0x38F, v9;
	v10 =	vsel vm7, $0x38E, v10;
	v11 =	vsel vm7, $0x38D, v11  }
0x31: {  	v12 =	vsel vm7, $0x38C, v12;
	v13 =	vsel vm7, $0x38B, v13;
	v14 =	vsel vm7, $0x38A, v14  }
0x32: {  	v15 =	vsel vm7, $0x389, v15;
	v2 =	vsel vm6, $0x409, v2;
	v3 =	vsel vm6, $0x40A, v3  }
0x33: {  	v4 =	vsel vm6, $0x40B, v4;
	v5 =	vsel vm6, $0x40C, v5;
	v6 =	vsel vm6, $0x40D, v6  }
0x34: {  	v7 =	vsel vm6, $0x40E, v7;
	v8 =	vsel vm6, $0x40F, v8;
	v9 =	vsel vm6, $0x400, v9  }
0x35: {  	v10 =	vsel vm6, $0x401, v10;
	v11 =	vsel vm6, $0x402, v11;
	v12 =	vsel vm6, $0x403, v12  }
0x36: {  	v13 =	vsel vm6, $0x404, v13;
	v14 =	vsel vm6, $0x405, v14;
	v15 =	vsel vm6, $0x406, v15  }
0x37: {  	v2 =	vsel vm5, $0x488, v2;
	v3 =	vsel vm5, $0x48B, v3;
	v4 =	vsel vm5, $0x48A, v4  }
0x38: {  	v5 =	vsel vm5, $0x48D, v5;
	v6 =	vsel vm5, $0x48C, v6;
	v7 =	vsel vm5, $0x48F, v7  }
0x39: {  	v8 =	vsel vm5, $0x48E, v8;
	v9 =	vsel vm5, $0x481, v9;
	v10 =	vsel vm5, $0x480, v10  }
0x3a: {  	v11 =	vsel vm5, $0x483, v11;
	v12 =	vsel vm5, $0x482, v12;
	v13 =	vsel vm5, $0x485, v13  }
0x3b: {  	v14 =	vsel vm5, $0x484, v14;
	v15 =	vsel vm5, $0x487, v15;
	v2 =	vsel vm4, $0x50B, v2  }
0x3c: {  	v3 =	vsel vm4, $0x508, v3;
	v4 =	vsel vm4, $0x509, v4;
	v5 =	vsel vm4, $0x50E, v5  }
0x3d: {  	v6 =	vsel vm4, $0x50F, v6;
	v7 =	vsel vm4, $0x50C, v7;
	v8 =	vsel vm4, $0x50D, v8  }
0x3e: {  	v9 =	vsel vm4, $0x502, v9;
	v10 =	vsel vm4, $0x503, v10;
	v11 =	vsel vm4, $0x500, v11  }
0x3f: {  	v12 =	vsel vm4, $0x501, v12;
	v13 =	vsel vm4, $0x506, v13;
	v14 =	vsel vm4, $0x507, v14  }
0x40: {  	v15 =	vsel vm4, $0x504, v15;
	v2 =	vsel vm3, $0x58A, v2;
	v3 =	vsel vm3, $0x589, v3  }
0x41: {  	v4 =	vsel vm3, $0x588, v4;
	v5 =	vsel vm3, $0x58F, v5;
	v6 =	vsel vm3, $0x58E, v6  }
0x42: {  	s8 =	rddreg [dreg:$0x0];
	v7 =	vsel vm3, $0x58D, v7;
	v8 =	vsel vm3, $0x58C, v8;
	v9 =	vsel vm3, $0x583, v9  }
0x43: {  	s0 =	srdreg.scid;
	s9 =	rddreg [dreg:$0x1];
	v10 =	vsel vm3, $0x582, v10;
	v11 =	vsel vm3, $0x581, v11;
	v12 =	vsel vm3, $0x580, v12  }
0x44: {  	s4 =	rddreg [dreg:$0x2];
	s2 =	simm.s32 $0x0;
	s14 =	simm.s32 $0xA000;
	v13 =	vsel vm3, $0x587, v13;
	v14 =	vsel vm3, $0x586, v14;
	v15 =	vsel vm3, $0x585, v15  }
0x45: {  	s15 =	simm.s32 $0xA180;
	s16 =	simm.s32 $0xA980;
	s17 =	simm.s32 $0x2800;
	v2 =	vsel vm1, $0x60D, v2;
	v3 =	vsel vm1, $0x60E, v3;
	v4 =	vsel vm1, $0x60F, v4  }
0x46: {  	s18 =	simm.s32 $0x5000;
	s19 =	simm.s32 $0x7800;
	s20 =	simm.s32 $0x1;
	v5 =	vsel vm1, $0x608, v5;
	v6 =	vsel vm1, $0x609, v6;
	v7 =	vsel vm1, $0x60A, v7  }
0x47: {  	s21 =	simm.s32 $0x2;
	s22 =	simm.s32 $0x0;
	s3 =	sand.u32 $0x1, s0;
	v8 =	vsel vm1, $0x60B, v8;
	v9 =	vsel vm1, $0x604, v9;
	v10 =	vsel vm1, $0x605, v10  }
0x48: {  	s0 =	stileid.u32;
	[smem:$0x7FF] =	sst s2;
	s1 =	sshll.u32 s3, $0x4;
	v11 =	vsel vm1, $0x606, v11;
	v12 =	vsel vm1, $0x607, v12;
	v13 =	vsel vm1, $0x600, v13  }
0x49: {  	s6 =	sshll.u32 s0, $0x4;
	s3 =	ssub.s32 $0x2, s3;
	s13 =	sor.u32 s0, s1;
	v14 =	vsel vm1, $0x601, v14;
	v15 =	vsel vm1, $0x602, v15;
	v2 =	vsel vm2, $0x68C, v2  }
0x4a: {  	s1 =	rddreg [dreg:$0x3];
	s6 =	sand.u32 $0x70, s6;
	s29 =	smul.u32 $0xA000, s13;
	v3 =	vsel vm2, $0x68F, v3;
	v4 =	vsel vm2, $0x68E, v4;
	v5 =	vsel vm2, $0x689, v5  }
0x4b: {  	_ =	strace $0x80000047;
	s30 =	sshrl.u32 s3, $0x1;
	s31 =	smul.u32 $0x1400, s13;
	v6 =	vsel vm2, $0x688, v6;
	v7 =	vsel vm2, $0x68B, v7;
	v8 =	vsel vm2, $0x68A, v8  }
0x4c: {  	s5 =	sshll.u32 s13, $0x4;
	s12 =	ssub.s32 s3, s30;
	s7 =	smul.u32 $0x28, s13;
	v9 =	vsel vm2, $0x685, v9;
	v10 =	vsel vm2, $0x684, v10;
	v11 =	vsel vm2, $0x687, v11  }
0x4d: {  	p0 =	seq.s32 s13, $0x1F;
	s13 =	simm.s32 $0x3;
	s5 =	sand.u32 $0x180, s5;
	v12 =	vsel vm2, $0x686, v12;
	v13 =	vsel vm2, $0x681, v13;
	v14 =	vsel vm2, $0x680, v14  }
.Ltmp0:
0x4e: {  	s12 =	smax.u32 s12, $0x1;
	s5 =	sor.u32 s6, s5;
	v15 =	vsel vm2, $0x683, v15;
	v2 =	vsel vm0, $0x70F, v2;
	v3 =	vsel vm0, $0x70C, v3;
	(pc) =	sbr.rel .LBB2_1-.Ltmp0, $4  }
0x4f: {  	s6 =	sshrl.u32 s29, $0x3;
	s3 =	sadd.s32 s8, s31;
	s7 =	sadd.s32 s9, s7;
	v4 =	vsel vm0, $0x70D, v4;
	v5 =	vsel vm0, $0x70A, v5;
	v6 =	vsel vm0, $0x70B, v6  }
0x50: {  	s9 =	sadd.s32 $0x4D8, s9;
	s11 =	sadd.s32 s5, s4;
	s6 =	sadd.s32 s8, s6;
	v7 =	vsel vm0, $0x708, v7;
	v8 =	vsel vm0, $0x709, v8;
	v9 =	vsel vm0, $0x706, v9  }
0x51: {  	s8 =	sadd.s32 $0x26C00, s8;
	s4 =	sadd.s32 $0x500, s6;
	s5 =	sadd.s32 $0xA00, s6;
	v10 =	vsel vm0, $0x707, v10;
	v11 =	vsel vm0, $0x704, v11;
	v12 =	vsel vm0, $0x705, v12  }
0x52: {  	s6 =	sadd.s32 $0xF00, s6;
	s10 =	sadd.s32 $0x800, s11;
	s11 =	sadd.s32 $0xA00, s11;
	v13 =	vsel vm0, $0x702, v13;
	v14 =	vsel vm0, $0x703, v14;
	v15 =	vsel vm0, $0x700, v15  }
.LBB2_22:
0x53: {  	v26 =	vld [tilespmem:$0xA180]  }
0x54: {  	v27 =	vld [tilespmem:$0xA980]  }
0x55: {  	v22 =	vld [tilespmem:$0xA200]  }
0x56: {  	v23 =	vld [tilespmem:$0xAA00]  }
0x57: {  	v25 =	vld [tilespmem:$0xA280]  }
0x58: {  	v29 =	vld [tilespmem:$0xAA80]  }
0x59: {  	v31 =	vld [tilespmem:$0xA300]  }
0x5a: {  	v33 =	vld [tilespmem:$0xAB00]  }
0x5b: {  	v35 =	vld [tilespmem:$0xA380]  }
0x5c: {  	v37 =	vld [tilespmem:$0xAB80]  }
0x5d: {  	v39 =	vld [tilespmem:$0xA400]  }
0x5e: {  	v41 =	vld [tilespmem:$0xAC00]  }
0x5f: {  	v43 =	vld [tilespmem:$0xA480]  }
0x60: {  	v45 =	vld [tilespmem:$0xAC80]  }
0x61: {  	v47 =	vld [tilespmem:$0xA500]  }
0x62: {  	v49 =	vld [tilespmem:$0xAD00]  }
0x63: {  	v19 =	vld [tilespmem:$0xA580]  }
0x64: {  	v51 =	vld [tilespmem:$0xA190]  }
0x65: {  	v52 =	vld [tilespmem:$0xA990]  }
0x66: {  	v53 =	vld [tilespmem:$0xA210]  }
0x67: {  	v54 =	vld [tilespmem:$0xAA10]  }
0x68: {  	v55 =	vld [tilespmem:$0xA290]  }
0x69: {  	v56 =	vld [tilespmem:$0xAA90]  }
0x6a: {  	v57 =	vld [tilespmem:$0xA310]  }
0x6b: {  	v58 =	vld [tilespmem:$0xAB10]  }
0x6c: {  	v59 =	vld [tilespmem:$0xA390]  }
0x6d: {  	v60 =	vld [tilespmem:$0xAB90]  }
0x6e: {  	v61 =	vld [tilespmem:$0xA410]  }
0x6f: {  	[tilespmem:$0x1FE50] =	vst v19;
	v19 =	vld [tilespmem:$0xAD80]  }
0x70: {  	v62 =	vld [tilespmem:$0xAC10]  }
0x71: {  	v63 =	vld [tilespmem:$0xA490]  }
0x72: {  	v20 =	vld [tilespmem:$0xA510]  }
0x73: {  	v21 =	vld [tilespmem:$0xAD10]  }
0x74: {  	[tilespmem:$0x1FE60] =	vst v19;
	v19 =	vld [tilespmem:$0xA600]  }
0x75: {  	v24 =	vld [tilespmem:$0xA590]  }
0x76: {  	v28 =	vld [tilespmem:$0xAD90]  }
0x77: {  	v30 =	vld [tilespmem:$0xA610]  }
0x78: {  	v32 =	vld [tilespmem:$0xAE10]  }
0x79: {  	[tilespmem:$0x1FE70] =	vst v19;
	v19 =	vld [tilespmem:$0xAE00]  }
0x7a: {  	v34 =	vld [tilespmem:$0xA690]  }
0x7b: {  	v36 =	vld [tilespmem:$0xAE90]  }
0x7c: {  	v38 =	vld [tilespmem:$0xA710]  }
0x7d: {  	v50 =	vld [tilespmem:$0xA890]  }
0x7e: {  	[tilespmem:$0x1FE80] =	vst v19;
	v19 =	vld [tilespmem:$0xA680]  }
0x7f: {  	v40 =	vld [tilespmem:$0xAF10]  }
0x80: {  	v42 =	vld [tilespmem:$0xA790]  }
0x81: {  	v44 =	vld [tilespmem:$0xAF90]  }
0x82: {  	[tilespmem:$0x1FF40] =	vst v50;
	v50 =	vld [tilespmem:$0xB090]  }
0x83: {  	[tilespmem:$0x1FE90] =	vst v19;
	v19 =	vld [tilespmem:$0xAE80]  }
0x84: {  	v46 =	vld [tilespmem:$0xA810]  }
0x85: {  	v48 =	vld [tilespmem:$0xB010]  }
0x86: {  	v22 =	vadd.f32 v22, v26;
	v26 =	vld [tilespmem:$0xAB20]  }
0x87: {  	[tilespmem:$0x1FF60] =	vst v50;
	v50 =	vld [tilespmem:$0xA910]  }
0x88: {  	[tilespmem:$0x1FEA0] =	vst v19;
	v19 =	vld [tilespmem:$0xA700]  }
0x89: {  	v23 =	vadd.f32 v23, v27;
	v27 =	vld [tilespmem:$0xA3A0];
	v22 =	vadd.f32 v25, v22  }
0x8a: {  	v25 =	vadd.f32 v53, v51;
	v51 =	vld [tilespmem:$0xABA0]  }
0x8b: {  	v22 =	vadd.f32 v31, v22;
	v31 =	vld [tilespmem:$0xAC20]  }
0x8c: {  	v23 =	vadd.f32 v29, v23;
	[tilespmem:$0x1FF70] =	vst v50;
	v50 =	vld [tilespmem:$0xB110]  }
0x8d: {  	[tilespmem:$0x1FEB0] =	vst v19;
	v19 =	vld [tilespmem:$0xAF00]  }
0x8e: {  	v23 =	vadd.f32 v33, v23;
	v33 =	vld [tilespmem:$0xA4A0]  }
0x8f: {  	v22 =	vadd.f32 v35, v22;
	v35 =	vld [tilespmem:$0xACA0]  }
0x90: {  	v23 =	vadd.f32 v37, v23;
	v37 =	vld [tilespmem:$0xA520]  }
0x91: {  	[tilespmem:$0x1FFA0] =	vst v50;
	v50 =	vld [tilespmem:$0xA1A0]  }
0x92: {  	[tilespmem:$0x1FEC0] =	vst v19;
	v19 =	vld [tilespmem:$0xA780]  }
0x93: {  	v53 =	vld [tilespmem:$0x1FE60]  }
0x94: {  	v22 =	vadd.f32 v39, v22;
	v39 =	vld [tilespmem:$0xAD20]  }
0x95: {  	v25 =	vadd.f32 v55, v25;
	v23 =	vadd.f32 v41, v23;
	v41 =	vld [tilespmem:$0xA5A0]  }
0x96: {  	[tilespmem:$0x1FF80] =	vst v50;
	v50 =	vld [tilespmem:$0xA9A0]  }
0x97: {  	v25 =	vadd.f32 v57, v25;
	[tilespmem:$0x1FED0] =	vst v19;
	v19 =	vld [tilespmem:$0xAF80]  }
0x98: {  	v22 =	vadd.f32 v43, v22;
	v43 =	vld [tilespmem:$0xADA0]  }
0x99: {  	v25 =	vadd.f32 v59, v25;
	v23 =	vadd.f32 v45, v23;
	v45 =	vld [tilespmem:$0xA620]  }
0x9a: {  	v22 =	vadd.f32 v47, v22;
	v47 =	vld [tilespmem:$0xAE20]  }
0x9b: {  	v25 =	vadd.f32 v61, v25;
	[tilespmem:$0x1FFB0] =	vst v50;
	v50 =	vld [tilespmem:$0xA220]  }
0x9c: {  	[tilespmem:$0x1FEE0] =	vst v19;
	v19 =	vld [tilespmem:$0xA800]  }
0x9d: {  	v25 =	vadd.f32 v63, v25;
	v63 =	vld [tilespmem:$0x1FE50]  }
0x9e: {  	v23 =	vadd.f32 v49, v23;
	v49 =	vld [tilespmem:$0xAA30]  }
0x9f: {  	v20 =	vadd.f32 v20, v25;
	v25 =	vld [tilespmem:$0xAEA0]  }
0xa0: {  	[tilespmem:$0x1FF90] =	vst v50;
	v50 =	vld [tilespmem:$0xAA20]  }
0xa1: {  	[tilespmem:$0x1FEF0] =	vst v19;
	v19 =	vld [tilespmem:$0xB000]  }
0xa2: {  	v20 =	vadd.f32 v24, v20;
	v24 =	vld [tilespmem:$0xAF20]  }
0xa3: {  	v55 =	vld [tilespmem:$0x1FE80]  }
0xa4: {  	v20 =	vadd.f32 v30, v20;
	v30 =	vld [tilespmem:$0xAFA0]  }
0xa5: {  	[tilespmem:$0x1FFC0] =	vst v50;
	v50 =	vld [tilespmem:$0xA2A0]  }
0xa6: {  	v20 =	vadd.f32 v34, v20;
	[tilespmem:$0x1FF00] =	vst v19;
	v19 =	vld [tilespmem:$0xA880]  }
0xa7: {  	v34 =	vld [tilespmem:$0xB020]  }
0xa8: {  	v20 =	vadd.f32 v38, v20;
	v38 =	vld [tilespmem:$0xB0A0]  }
0xa9: {  	v57 =	vld [tilespmem:$0x1FEA0]  }
0xaa: {  	v20 =	vadd.f32 v42, v20;
	[tilespmem:$0x1FFD0] =	vst v50;
	v50 =	vld [tilespmem:$0xAAA0]  }
0xab: {  	[tilespmem:$0x1FF10] =	vst v19;
	v19 =	vld [tilespmem:$0xB080]  }
0xac: {  	v20 =	vadd.f32 v46, v20;
	v46 =	vld [tilespmem:$0xA9B0]  }
0xad: {  	v23 =	vadd.f32 v53, v23;
	v42 =	vld [tilespmem:$0xB120]  }
0xae: {  	v59 =	vld [tilespmem:$0x1FEC0]  }
0xaf: {  	v23 =	vadd.f32 v55, v23;
	[tilespmem:$0x1FFE0] =	vst v50;
	v50 =	vld [tilespmem:$0xA320]  }
0xb0: {  	[tilespmem:$0x1FF20] =	vst v19;
	v19 =	vld [tilespmem:$0xA900]  }
0xb1: {  	v23 =	vadd.f32 v57, v23;
	v46 =	vadd.f32 v49, v46;
	v49 =	vld [tilespmem:$0xA3B0]  }
0xb2: {  	v61 =	vld [tilespmem:$0x1FEE0]  }
0xb3: {  	v23 =	vadd.f32 v59, v23;
	v59 =	vld [tilespmem:$0x1FF70]  }
0xb4: {  	[tilespmem:$0x1FFF0] =	vst v50;
	v50 =	vadd.f32 v54, v52;
	v52 =	vld [tilespmem:$0xA420]  }
0xb5: {  	[tilespmem:$0x1FF30] =	vst v19;
	v19 =	vld [tilespmem:$0xB100]  }
0xb6: {  	v54 =	vld [tilespmem:$0x1FE70]  }
0xb7: {  	v23 =	vadd.f32 v61, v23;
	v61 =	vld [tilespmem:$0x1FF90];
	v29 =	vadd.f32 v56, v50  }
0xb8: {  	v56 =	vld [tilespmem:$0x1FE90]  }
0xb9: {  	v50 =	vld [tilespmem:$0xA2B0];
	v29 =	vadd.f32 v58, v29  }
0xba: {  	v22 =	vadd.f32 v63, v22;
	[tilespmem:$0x1FF50] =	vst v19;
	v19 =	vld [tilespmem:$0xAC90]  }
0xbb: {  	v58 =	vld [tilespmem:$0x1FEB0];
	v29 =	vadd.f32 v60, v29  }
0xbc: {  	v22 =	vadd.f32 v54, v22;
	v60 =	vld [tilespmem:$0x1FED0]  }
0xbd: {  	v63 =	vld [tilespmem:$0x1FF00];
	v29 =	vadd.f32 v62, v29  }
0xbe: {  	v22 =	vadd.f32 v56, v22;
	v56 =	vld [tilespmem:$0x1FF40]  }
0xbf: {  	v62 =	vld [tilespmem:$0x1FEF0];
	v19 =	vadd.f32 v19, v29  }
0xc0: {  	v22 =	vadd.f32 v58, v22;
	v58 =	vld [tilespmem:$0x1FF60]  }
0xc1: {  	v53 =	vld [tilespmem:$0x1FF10];
	v19 =	vadd.f32 v21, v19  }
0xc2: {  	v22 =	vadd.f32 v60, v22;
	v60 =	vld [tilespmem:$0x1FF80]  }
0xc3: {  	v23 =	vadd.f32 v63, v23;
	v63 =	vld [tilespmem:$0x1FFB0];
	v19 =	vadd.f32 v28, v19  }
0xc4: {  	v20 =	vadd.f32 v56, v20;
	v56 =	vld [tilespmem:$0xA330];
	v22 =	vadd.f32 v62, v22  }
0xc5: {  	v62 =	vld [tilespmem:$0x1FFA0];
	v19 =	vadd.f32 v32, v19  }
0xc6: {  	v22 =	vadd.f32 v53, v22;
	v54 =	vld [tilespmem:$0x1FF20]  }
0xc7: {  	v53 =	vadd.f32 v61, v60;
	v61 =	vld [tilespmem:$0x1FFD0];
	v19 =	vadd.f32 v36, v19  }
0xc8: {  	v60 =	vld [tilespmem:$0x1FFC0]  }
0xc9: {  	v55 =	vld [tilespmem:$0x1FF30];
	v19 =	vadd.f32 v40, v19  }
0xca: {  	v20 =	vadd.f32 v59, v20;
	v59 =	vld [tilespmem:$0xA5B0]  }
0xcb: {  	v23 =	vadd.f32 v54, v23;
	v54 =	vld [tilespmem:$0xAAB0];
	v19 =	vadd.f32 v44, v19  }
0xcc: {  	v53 =	vadd.f32 v61, v53;
	v61 =	vld [tilespmem:$0xA430]  }
0xcd: {  	v57 =	vld [tilespmem:$0x1FF50];
	v19 =	vadd.f32 v48, v19  }
0xce: {  	v22 =	vadd.f32 v55, v22;
	v55 =	vadd.f32 v60, v63;
	v63 =	vld [tilespmem:$0x1FFF0]  }
0xcf: {  	v44 =	vld [tilespmem:$0xA1B0];
	v19 =	vadd.f32 v58, v19  }
0xd0: {  	v48 =	vld [tilespmem:$0xA230]  }
0xd1: {  	v19 =	vadd.f32 v62, v19;
	v62 =	vld [tilespmem:$0x1FFE0]  }
0xd2: {  	v60 =	vld [tilespmem:$0xABB0]  }
0xd3: {  	v46 =	vadd.f32 v54, v46;
	v54 =	vld [tilespmem:$0xB030]  }
0xd4: {  	v29 =	vld [tilespmem:$0xA6A0]  }
0xd5: {  	v44 =	vadd.f32 v48, v44;
	v48 =	vld [tilespmem:$0xAB30]  }
0xd6: {  	v53 =	vadd.f32 v63, v53;
	v63 =	vld [tilespmem:$0xA4B0];
	v55 =	vadd.f32 v62, v55  }
0xd7: {  	v21 =	vld [tilespmem:$0xA720];
	v44 =	vadd.f32 v50, v44  }
0xd8: {  	v27 =	vadd.f32 v27, v53;
	v53 =	vld [tilespmem:$0xA830];
	v26 =	vadd.f32 v26, v55  }
0xd9: {  	v23 =	vadd.f32 v57, v23;
	v44 =	vadd.f32 v56, v44;
	v62 =	vld [tilespmem:$0xAC30]  }
0xda: {  	v28 =	vld [tilespmem:$0xA7A0];
	v46 =	vadd.f32 v48, v46;
	v26 =	vadd.f32 v51, v26  }
0xdb: {  	v27 =	vadd.f32 v52, v27;
	v52 =	vld [tilespmem:$0xACB0];
	v44 =	vadd.f32 v49, v44  }
0xdc: {  	v56 =	vld [tilespmem:$0xA530];
	v55 =	vadd.f32 v60, v46;
	v26 =	vadd.f32 v31, v26  }
0xdd: {  	v27 =	vadd.f32 v33, v27;
	v58 =	vld [tilespmem:$0xAD30];
	v57 =	vadd.f32 v61, v44  }
0xde: {  	v32 =	vld [tilespmem:$0xA820];
	v31 =	vadd.f32 v62, v55;
	v26 =	vadd.f32 v35, v26  }
0xdf: {  	v27 =	vadd.f32 v37, v27;
	v60 =	vld [tilespmem:$0xADB0];
	v33 =	vadd.f32 v63, v57  }
0xe0: {  	v61 =	vld [tilespmem:$0xA630];
	v31 =	vadd.f32 v52, v31;
	v26 =	vadd.f32 v39, v26  }
0xe1: {  	v27 =	vadd.f32 v41, v27;
	v62 =	vld [tilespmem:$0xAE30];
	v33 =	vadd.f32 v56, v33  }
0xe2: {  	v63 =	vld [tilespmem:$0xA6B0];
	v31 =	vadd.f32 v58, v31;
	v26 =	vadd.f32 v43, v26  }
0xe3: {  	v27 =	vadd.f32 v45, v27;
	v44 =	vld [tilespmem:$0xAEB0];
	v33 =	vadd.f32 v59, v33  }
0xe4: {  	v45 =	vld [tilespmem:$0xA730];
	v31 =	vadd.f32 v60, v31;
	v26 =	vadd.f32 v47, v26  }
0xe5: {  	v27 =	vadd.f32 v29, v27;
	v46 =	vadd.f32 v61, v33;
	v47 =	vld [tilespmem:$0xAF30]  }
0xe6: {  	v49 =	vld [tilespmem:$0xA7B0];
	v48 =	vadd.f32 v62, v31;
	v25 =	vadd.f32 v25, v26  }
0xe7: {  	v21 =	vadd.f32 v21, v27;
	v51 =	vld [tilespmem:$0xAFB0];
	v50 =	vadd.f32 v63, v46  }
0xe8: {  	v36 =	vld [tilespmem:$0xA8A0];
	v52 =	vadd.f32 v44, v48;
	v24 =	vadd.f32 v24, v25  }
0xe9: {  	v40 =	vld [tilespmem:$0xA920];
	v21 =	vadd.f32 v28, v21;
	v27 =	vadd.f32 v45, v50  }
0xea: {  	v55 =	vld [tilespmem:$0xA8B0];
	v25 =	vadd.f32 v47, v52;
	v24 =	vadd.f32 v30, v24  }
0xeb: {  	v21 =	vadd.f32 v32, v21;
	v56 =	vld [tilespmem:$0xB0B0];
	v27 =	vadd.f32 v49, v27  }
0xec: {  	v57 =	vld [tilespmem:$0xA930];
	v25 =	vadd.f32 v51, v25;
	v24 =	vadd.f32 v34, v24  }
0xed: {  	[tilespmem:$0xA190] =	vst v20;
	v21 =	vadd.f32 v36, v21;
	v59 =	vld [tilespmem:$0xB130];
	v58 =	vadd.f32 v53, v27  }
0xee: {  	[tilespmem:$0xA180] =	vst v22;
	v61 =	vadd.f32 v54, v25;
	v60 =	vadd.f32 v38, v24  }
0xef: {  	[tilespmem:$0xA980] =	vst v23;
	v20 =	vadd.f32 v40, v21;
	v62 =	vadd.f32 v55, v58  }
0xf0: {  	[tilespmem:$0xA990] =	vst v19;
	v63 =	vadd.f32 v56, v61;
	v19 =	vadd.f32 v42, v60  }
0xf1: {  	[tilespmem:$0xA1A0] =	vst v20;
	v20 =	vadd.f32 v57, v62  }
0xf2: {  	[tilespmem:$0xA9A0] =	vst v19;
	v19 =	vadd.f32 v59, v63  }
0xf3: {  	[tilespmem:$0xA1B0] =	vst v20  }
0xf4: {  	[tilespmem:$0xA9B0] =	vst v19  }
0xf5: {  	[hbm4b:s10+s2] =	stream.linear.scatter [tilespmem:s15], [sflag:$0x3], $0x80, $0x38;
	[tilespmem:$0xB180] =	vst v63  }
0xf6: {  	s22 =	sadd.s32 $0x1, s22;
	_ =	swait.ge [sflag:s13], $0x80  }
0xf7: {  	p1 =	sne.s32 s22, s12;
	[sflag:s13] =	ssyncset.done $0x0  }
.Ltmp1:
0xf8: {  	[sflag:s13] =	ssyncadd.s32 $0xFFFFFF80;
	(pc) =	sbr.rel @!p1 .LBB2_23-.Ltmp1, $4  }
0xf9: {  	[hbm4b:s11+s2] =	stream.linear.scatter [tilespmem:s16], [sflag:$0x3], $0x80, $0x38;
	[tilespmem:$0xB180] =	vst v63  }
0xfa: {  	_ =	swait.ge [sflag:s13], $0x80  }
0xfb: {  	[sflag:s13] =	ssyncset.done $0x0  }
0xfc: {  	[sflag:s13] =	ssyncadd.s32 $0xFFFFFF80  }
.LBB2_1:
0xfd: {  	[tilespmem:$0xA180] =	vst v0  }
0xfe: {  	[tilespmem:$0xA980] =	vst v0  }
0xff: {  	[tilespmem:$0xA190] =	vst v0  }
0x100: {  	[tilespmem:$0xA990] =	vst v0  }
0x101: {  	[tilespmem:$0xA1A0] =	vst v0  }
0x102: {  	[tilespmem:$0xA9A0] =	vst v0  }
0x103: {  	[tilespmem:$0xA1B0] =	vst v0  }
0x104: {  	[tilespmem:$0xA9B0] =	vst v0  }
0x105: {  	[tilespmem:$0xA200] =	vst v0  }
0x106: {  	[tilespmem:$0xAA00] =	vst v0  }
0x107: {  	[tilespmem:$0xA210] =	vst v0  }
0x108: {  	[tilespmem:$0xAA10] =	vst v0  }
0x109: {  	[tilespmem:$0xA220] =	vst v0  }
0x10a: {  	[tilespmem:$0xAA20] =	vst v0  }
0x10b: {  	[tilespmem:$0xA230] =	vst v0  }
0x10c: {  	[tilespmem:$0xAA30] =	vst v0  }
0x10d: {  	[tilespmem:$0xA280] =	vst v0  }
0x10e: {  	[tilespmem:$0xAA80] =	vst v0  }
0x10f: {  	[tilespmem:$0xA290] =	vst v0  }
0x110: {  	[tilespmem:$0xAA90] =	vst v0  }
0x111: {  	[tilespmem:$0xA2A0] =	vst v0  }
0x112: {  	[tilespmem:$0xAAA0] =	vst v0  }
0x113: {  	[tilespmem:$0xA2B0] =	vst v0  }
0x114: {  	[tilespmem:$0xAAB0] =	vst v0  }
0x115: {  	[tilespmem:$0xA300] =	vst v0  }
0x116: {  	[tilespmem:$0xAB00] =	vst v0  }
0x117: {  	[tilespmem:$0xA310] =	vst v0  }
0x118: {  	[tilespmem:$0xAB10] =	vst v0  }
0x119: {  	[tilespmem:$0xA320] =	vst v0  }
0x11a: {  	[tilespmem:$0xAB20] =	vst v0  }
0x11b: {  	[tilespmem:$0xA330] =	vst v0  }
0x11c: {  	[tilespmem:$0xAB30] =	vst v0  }
0x11d: {  	[tilespmem:$0xA380] =	vst v0  }
0x11e: {  	[tilespmem:$0xAB80] =	vst v0  }
0x11f: {  	[tilespmem:$0xA390] =	vst v0  }
0x120: {  	[tilespmem:$0xAB90] =	vst v0  }
0x121: {  	[tilespmem:$0xA3A0] =	vst v0  }
0x122: {  	[tilespmem:$0xABA0] =	vst v0  }
0x123: {  	[tilespmem:$0xA3B0] =	vst v0  }
0x124: {  	[tilespmem:$0xABB0] =	vst v0  }
0x125: {  	[tilespmem:$0xA400] =	vst v0  }
0x126: {  	[tilespmem:$0xAC00] =	vst v0  }
0x127: {  	[tilespmem:$0xA410] =	vst v0  }
0x128: {  	[tilespmem:$0xAC10] =	vst v0  }
0x129: {  	[tilespmem:$0xA420] =	vst v0  }
0x12a: {  	[tilespmem:$0xAC20] =	vst v0  }
0x12b: {  	[tilespmem:$0xA430] =	vst v0  }
0x12c: {  	[tilespmem:$0xAC30] =	vst v0  }
0x12d: {  	[tilespmem:$0xA480] =	vst v0  }
0x12e: {  	[tilespmem:$0xAC80] =	vst v0  }
0x12f: {  	[tilespmem:$0xA490] =	vst v0  }
0x130: {  	[tilespmem:$0xAC90] =	vst v0  }
0x131: {  	[tilespmem:$0xA4A0] =	vst v0  }
0x132: {  	[tilespmem:$0xACA0] =	vst v0  }
0x133: {  	[tilespmem:$0xA4B0] =	vst v0  }
0x134: {  	[tilespmem:$0xACB0] =	vst v0  }
0x135: {  	[tilespmem:$0xA500] =	vst v0  }
0x136: {  	[tilespmem:$0xAD00] =	vst v0  }
0x137: {  	[tilespmem:$0xA510] =	vst v0  }
0x138: {  	[tilespmem:$0xAD10] =	vst v0  }
0x139: {  	[tilespmem:$0xA520] =	vst v0  }
0x13a: {  	[tilespmem:$0xAD20] =	vst v0  }
0x13b: {  	[tilespmem:$0xA530] =	vst v0  }
0x13c: {  	[tilespmem:$0xAD30] =	vst v0  }
0x13d: {  	[tilespmem:$0xA580] =	vst v0  }
0x13e: {  	[tilespmem:$0xAD80] =	vst v0  }
0x13f: {  	[tilespmem:$0xA590] =	vst v0  }
0x140: {  	[tilespmem:$0xAD90] =	vst v0  }
0x141: {  	[tilespmem:$0xA5A0] =	vst v0  }
0x142: {  	[tilespmem:$0xADA0] =	vst v0  }
0x143: {  	[tilespmem:$0xA5B0] =	vst v0  }
0x144: {  	[tilespmem:$0xADB0] =	vst v0  }
0x145: {  	[tilespmem:$0xA600] =	vst v0  }
0x146: {  	[tilespmem:$0xAE00] =	vst v0  }
0x147: {  	[tilespmem:$0xA610] =	vst v0  }
0x148: {  	[tilespmem:$0xAE10] =	vst v0  }
0x149: {  	[tilespmem:$0xA620] =	vst v0  }
0x14a: {  	[tilespmem:$0xAE20] =	vst v0  }
0x14b: {  	[tilespmem:$0xA630] =	vst v0  }
0x14c: {  	[tilespmem:$0xAE30] =	vst v0  }
0x14d: {  	[tilespmem:$0xA680] =	vst v0  }
0x14e: {  	[tilespmem:$0xAE80] =	vst v0  }
0x14f: {  	[tilespmem:$0xA690] =	vst v0  }
0x150: {  	[tilespmem:$0xAE90] =	vst v0  }
0x151: {  	[tilespmem:$0xA6A0] =	vst v0  }
0x152: {  	[tilespmem:$0xAEA0] =	vst v0  }
0x153: {  	[tilespmem:$0xA6B0] =	vst v0  }
0x154: {  	[tilespmem:$0xAEB0] =	vst v0  }
0x155: {  	[tilespmem:$0xA700] =	vst v0  }
0x156: {  	[tilespmem:$0xAF00] =	vst v0  }
0x157: {  	[tilespmem:$0xA710] =	vst v0  }
0x158: {  	[tilespmem:$0xAF10] =	vst v0  }
0x159: {  	[tilespmem:$0xA720] =	vst v0  }
0x15a: {  	[tilespmem:$0xAF20] =	vst v0  }
0x15b: {  	[tilespmem:$0xA730] =	vst v0  }
0x15c: {  	[tilespmem:$0xAF30] =	vst v0  }
0x15d: {  	[tilespmem:$0xA780] =	vst v0  }
0x15e: {  	[tilespmem:$0xAF80] =	vst v0  }
0x15f: {  	[tilespmem:$0xA790] =	vst v0  }
0x160: {  	[tilespmem:$0xAF90] =	vst v0  }
0x161: {  	[tilespmem:$0xA7A0] =	vst v0  }
0x162: {  	[tilespmem:$0xAFA0] =	vst v0  }
0x163: {  	[tilespmem:$0xA7B0] =	vst v0  }
0x164: {  	[tilespmem:$0xAFB0] =	vst v0  }
0x165: {  	[tilespmem:$0xA800] =	vst v0  }
0x166: {  	[tilespmem:$0xB000] =	vst v0  }
0x167: {  	[tilespmem:$0xA810] =	vst v0  }
0x168: {  	[tilespmem:$0xB010] =	vst v0  }
0x169: {  	[tilespmem:$0xA820] =	vst v0  }
0x16a: {  	[tilespmem:$0xB020] =	vst v0  }
0x16b: {  	[tilespmem:$0xA830] =	vst v0  }
0x16c: {  	[tilespmem:$0xB030] =	vst v0  }
0x16d: {  	[tilespmem:$0xA880] =	vst v0  }
0x16e: {  	[tilespmem:$0xB080] =	vst v0  }
0x16f: {  	[tilespmem:$0xA890] =	vst v0  }
0x170: {  	[tilespmem:$0xB090] =	vst v0  }
0x171: {  	[tilespmem:$0xA8A0] =	vst v0  }
0x172: {  	[tilespmem:$0xB0A0] =	vst v0  }
0x173: {  	[tilespmem:$0xA8B0] =	vst v0  }
0x174: {  	[tilespmem:$0xB0B0] =	vst v0  }
0x175: {  	[tilespmem:$0xA900] =	vst v0  }
0x176: {  	[tilespmem:$0xB100] =	vst v0  }
0x177: {  	[tilespmem:$0xA910] =	vst v0  }
.Ltmp2:
0x178: {  	[tilespmem:$0xB110] =	vst v0;
	(pc) =	sbr.rel @!p0 .LBB2_2-.Ltmp2, $4  }
0x179: {  	[tilespmem:$0xA920] =	vst v0  }
0x17a: {  	[tilespmem:$0xB120] =	vst v0  }
0x17b: {  	[tilespmem:$0xA930] =	vst v0  }
0x17c: {  	[tilespmem:$0xB130] =	vst v0;
	s23 =	simm.s32 $0x0  }
0x17d: {  	[tilespmem:s23], [sflag:$0x3] =	stream.linear.gather [hbm4b:s8+s23], $0x2800, $0x38;
	[tilespmem:$0xB180] =	vst v63  }
0x17e: {  	_ =	swait.ge [sflag:s13], $0x2800  }
0x17f: {  	[sflag:s13] =	ssyncset.done $0x0  }
0x180: {  	[sflag:s13] =	ssyncadd.s32 $0xFFFFD800  }
0x181: {  	[tilespmem:s14], [sflag:$0x3] =	stream.linear.gather [hbm4b:s9+s23], $0x50, $0x38;
	[tilespmem:$0xB180] =	vst v63  }
0x182: {  	_ =	swait.ge [sflag:s13], $0x50  }
0x183: {  	[sflag:s13] =	ssyncset.done $0x0  }
0x184: {  	s24 =	simm.s32 $0x0;
	[sflag:s13] =	ssyncadd.s32 $0xFFFFFFB0  }
.LBB2_19:
0x185: {  	s25 =	sshll.u32 s24, $0xB  }
0x186: {  	v20 =	vor.u32 s25, v16  }
0x187: {  	v21 =	vor.u32 s25, v12;
	v23 =	vor.u32 s23, v20  }
0x188: {  	v22 =	vor.u32 s25, v8;
	v29 =	vor.u32 s23, v21  }
0x189: {  	s26 =	sshll.u32 s24, $0x4;
	v24 =	vor.u32 s25, v4;
	v30 =	vor.u32 s23, v22  }
0x18a: {  	s26 =	sand.u32 $0x3FFFFFF0, s26;
	v25 =	vor.u32 s25, v11;
	v31 =	vor.u32 s23, v24  }
0x18b: {  	v26 =	vor.u32 s25, v7;
	v19 =	vld [tilespmem:s26+$0xA000];
	v32 =	vor.u32 s23, v25  }
0x18c: {  	v27 =	vor.u32 s25, v3;
	v33 =	vor.u32 s23, v26;
	v23 =	vld.idx.msk [tilespmem:v23+s2+$0x0], $0xffff  }
0x18d: {  	v28 =	vor.u32 s25, v2;
	v34 =	vor.u32 s23, v27;
	v38 =	vld.idx.msk [tilespmem:v29+s2+$0x0], $0xffff  }
0x18e: {  	v35 =	vor.u32 s23, v28;
	v29 =	vor.u32 s25, v1;
	v37 =	vld.idx.msk [tilespmem:v30+s2+$0x0], $0xffff  }
0x18f: {  	v30 =	vor.u32 s25, v6;
	v39 =	vld.idx.msk [tilespmem:v31+s2+$0x0], $0xffff;
	v36 =	vor.u32 s23, v29  }
0x190: {  	v31 =	vor.u32 s25, v5;
	v43 =	vld.idx.msk [tilespmem:v32+s2+$0x0], $0xffff;
	v40 =	vor.u32 s23, v30  }
0x191: {  	v32 =	vor.u32 s25, v10;
	v44 =	vld.idx.msk [tilespmem:v33+s2+$0x0], $0xffff;
	v41 =	vor.u32 s23, v31  }
0x192: {  	v33 =	vor.u32 s25, v9;
	v42 =	vld.idx.msk [tilespmem:v34+s2+$0x0], $0xffff;
	v45 =	vor.u32 s23, v32  }
0x193: {  	v34 =	vor.u32 s25, v14;
	v46 =	vld.idx.msk [tilespmem:v35+s2+$0x0], $0xffff;
	v47 =	vor.u32 s23, v33  }
0x194: {  	v35 =	vor.u32 s25, v13;
	v49 =	vor.u32 s23, v34;
	v48 =	vld.idx.msk [tilespmem:v36+s2+$0x0], $0xffff  }
0x195: {  	v50 =	vor.u32 s23, v35;
	v36 =	vor.u32 s25, v15;
	v40 =	vld.idx.msk [tilespmem:v40+s2+$0x0], $0xffff  }
0x196: {  	s25 =	simm.s32 $0x10;
	v41 =	vld.idx.msk [tilespmem:v41+s2+$0x0], $0xffff;
	v51 =	vor.u32 s23, v36  }
0x197: {  	v53 =	vld.idx.msk [tilespmem:v45+s2+$0x0], $0xffff;
	v52 =	vor.u32 s25, v20  }
0x198: {  	v55 =	vld.idx.msk [tilespmem:v47+s2+$0x0], $0xffff;
	v54 =	vor.u32 s25, v21  }
0x199: {  	v61 =	vimm.f32 $0.0e+00;
	v57 =	vld.idx.msk [tilespmem:v49+s2+$0x0], $0xffff;
	v56 =	vor.u32 s25, v22  }
0x19a: {  	v46 =	vadd.f32 v46, v61;
	v58 =	vld.idx.msk [tilespmem:v50+s2+$0x0], $0xffff;
	v49 =	vor.u32 s25, v24;
	v62 =	vadd.f32 v48, v61  }
0x19b: {  	v63 =	vadd.f32 v42, v61;
	v60 =	vadd.f32 v39, v61;
	v59 =	vor.u32 s25, v25;
	v42 =	vld.idx.msk [tilespmem:v51+s2+$0x0], $0xffff  }
0x19c: {  	v45 =	vor.u32 s25, v26;
	v40 =	vadd.f32 v40, v46;
	v39 =	vld.idx.msk [tilespmem:v52+s2+$0x0], $0xffff;
	v61 =	vadd.f32 v41, v62  }
0x19d: {  	v44 =	vadd.f32 v44, v63;
	v46 =	vor.u32 s25, v27;
	v41 =	vld.idx.msk [tilespmem:v54+s2+$0x0], $0xffff;
	v62 =	vadd.f32 v37, v60  }
0x19e: {  	v47 =	vor.u32 s25, v28;
	v37 =	vld.idx.msk [tilespmem:v56+s2+$0x0], $0xffff;
	v53 =	vadd.f32 v53, v40;
	v63 =	vadd.f32 v55, v61  }
0x19f: {  	v50 =	vadd.f32 v43, v44;
	v48 =	vor.u32 s25, v29;
	v40 =	vld.idx.msk [tilespmem:v49+s2+$0x0], $0xffff;
	v51 =	vadd.f32 v38, v62  }
0x1a0: {  	s26 =	simm.s32 $0x20;
	v49 =	vor.u32 s25, v30;
	v38 =	vld.idx.msk [tilespmem:v59+s2+$0x0], $0xffff;
	v44 =	vadd.f32 v57, v53;
	v43 =	vadd.f32 v58, v63  }
.LBB2_20:
0x1a1: {  	p1 =	sne.s32 s26, $0x70;
	v52 =	vor.u32 s25, v31;
	v53 =	vld.idx.msk [tilespmem:v45+s2+$0x0], $0xffff;
	v42 =	vadd.f32 v42, v50;
	v45 =	vadd.f32 v23, v51  }
0x1a2: {  	v50 =	vor.u32 s25, v32;
	v23 =	vmov v39;
	v46 =	vld.idx.msk [tilespmem:v46+s2+$0x0], $0xffff  }
0x1a3: {  	v51 =	vmov v41;
	v39 =	vld.idx.msk [tilespmem:v47+s2+$0x0], $0xffff;
	v47 =	vor.u32 s25, v33  }
0x1a4: {  	v41 =	vld.idx.msk [tilespmem:v48+s2+$0x0], $0xffff;
	v48 =	vor.u32 s25, v34  }
0x1a5: {  	v54 =	vor.u32 s25, v35;
	v49 =	vld.idx.msk [tilespmem:v49+s2+$0x0], $0xffff  }
0x1a6: {  	v55 =	vor.u32 s25, v36;
	s25 =	smov.u32 s26;
	v52 =	vld.idx.msk [tilespmem:v52+s2+$0x0], $0xffff  }
0x1a7: {  	v56 =	vor.u32 s26, v20;
	v50 =	vld.idx.msk [tilespmem:v50+s2+$0x0], $0xffff  }
0x1a8: {  	v57 =	vor.u32 s26, v21;
	v58 =	vld.idx.msk [tilespmem:v47+s2+$0x0], $0xffff  }
0x1a9: {  	v59 =	vor.u32 s26, v22;
	v60 =	vld.idx.msk [tilespmem:v48+s2+$0x0], $0xffff  }
0x1aa: {  	v61 =	vor.u32 s26, v24;
	v41 =	vadd.f32 v41, v43;
	v43 =	vadd.f32 v39, v44;
	v44 =	vld.idx.msk [tilespmem:v54+s2+$0x0], $0xffff  }
0x1ab: {  	v40 =	vadd.f32 v40, v45;
	v47 =	vadd.f32 v46, v42;
	v54 =	vor.u32 s26, v25;
	v42 =	vld.idx.msk [tilespmem:v55+s2+$0x0], $0xffff  }
.Ltmp3:
0x1ac: {  	v45 =	vor.u32 s26, v26;
	v48 =	vadd.f32 v52, v41;
	v43 =	vadd.f32 v49, v43;
	v39 =	vld.idx.msk [tilespmem:v56+s2+$0x0], $0xffff;
	(pc) =	sbr.rel @p1 .LBB2_20-.Ltmp3, $4  }
0x1ad: {  	v46 =	vor.u32 s26, v27;
	v49 =	vadd.f32 v53, v47;
	v52 =	vadd.f32 v37, v40;
	v41 =	vld.idx.msk [tilespmem:v57+s2+$0x0], $0xffff  }
0x1ae: {  	v47 =	vor.u32 s26, v28;
	v53 =	vadd.f32 v58, v48;
	v55 =	vadd.f32 v50, v43;
	v37 =	vld.idx.msk [tilespmem:v59+s2+$0x0], $0xffff  }
0x1af: {  	v48 =	vor.u32 s26, v29;
	v50 =	vadd.f32 v38, v49;
	v51 =	vadd.f32 v51, v52;
	v40 =	vld.idx.msk [tilespmem:v61+s2+$0x0], $0xffff  }
0x1b0: {  	v49 =	vor.u32 s25, v30;
	s26 =	sadd.s32 $0x10, s26;
	v43 =	vadd.f32 v44, v53;
	v44 =	vadd.f32 v60, v55;
	v38 =	vld.idx.msk [tilespmem:v54+s2+$0x0], $0xffff  }
0x1b1: {  	_ =	sdelay $0x3  }
0x1b2: {  	v20 =	vor.u32 s25, v31;
	v21 =	vld.idx.msk [tilespmem:v45+s2+$0x0], $0xffff  }
0x1b3: {  	v22 =	vld.idx.msk [tilespmem:v46+s2+$0x0], $0xffff;
	v24 =	vor.u32 s25, v32  }
0x1b4: {  	v25 =	vld.idx.msk [tilespmem:v47+s2+$0x0], $0xffff;
	v26 =	vor.u32 s25, v33  }
0x1b5: {  	v27 =	vld.idx.msk [tilespmem:v48+s2+$0x0], $0xffff;
	v28 =	vor.u32 s25, v34  }
0x1b6: {  	v29 =	vld.idx.msk [tilespmem:v49+s2+$0x0], $0xffff;
	v60 =	vor.u32 s25, v36  }
0x1b7: {  	v30 =	vor.u32 s25, v35;
	v20 =	vld.idx.msk [tilespmem:v20+s2+$0x0], $0xffff  }
0x1b8: {  	v61 =	vadd.f32 v42, v50;
	v23 =	vadd.f32 v23, v51;
	v24 =	vld.idx.msk [tilespmem:v24+s2+$0x0], $0xffff  }
0x1b9: {  	v26 =	vld.idx.msk [tilespmem:v26+s2+$0x0], $0xffff  }
0x1ba: {  	v23 =	vadd.f32 v40, v23;
	v28 =	vld.idx.msk [tilespmem:v28+s2+$0x0], $0xffff;
	v22 =	vadd.f32 v22, v61  }
0x1bb: {  	v27 =	vadd.f32 v27, v43;
	v25 =	vadd.f32 v25, v44;
	v31 =	vld.idx.msk [tilespmem:v60+s2+$0x0], $0xffff  }
0x1bc: {  	v30 =	vld.idx.msk [tilespmem:v30+s2+$0x0], $0xffff;
	v62 =	vadd.f32 v37, v23;
	v21 =	vadd.f32 v21, v22  }
0x1bd: {  	v25 =	vadd.f32 v29, v25;
	v20 =	vadd.f32 v20, v27  }
0x1be: {  	v22 =	vadd.f32 v41, v62;
	v21 =	vadd.f32 v38, v21  }
0x1bf: {  	v63 =	vadd.f32 v24, v25;
	v20 =	vadd.f32 v26, v20  }
0x1c0: {  	v22 =	vadd.f32 v39, v22;
	v21 =	vadd.f32 v31, v21  }
0x1c1: {  	v23 =	vadd.f32 v28, v63;
	v20 =	vadd.f32 v30, v20  }
0x1c2: {  	v19 =	vadd.s32 v17, v19;
	s24 =	sadd.s32 $0x1, s24  }
0x1c3: {  	p1 =	sne.s32 s24, $0x5;
	v21 =	vadd.f32 v22, v21;
	v20 =	vadd.f32 v23, v20  }
.Ltmp4:
0x1c4: {  	_ = 	snop;
	(pc) =	sbr.rel @p1 .LBB2_19-.Ltmp4, $4  }
.Ltmp5:
0x1c5: {  	v20 =	vadd.f32 v21, v20;
	(pc) =	sbr.rel @!p1 .LBB2_22-.Ltmp5, $4  }
0x1c6: {  	_ = 	snop  }
0x1c7: {  	[tilespmem:v19+s15+$0x0] =	vst.idx.add.f32.msk $0xffff, v20  }
0x1c8: {  	[tilespmem:v19+s16+$0x0] =	vst.idx.add.f32.msk $0xffff, v18  }
0x1c9: {  	_ = 	snop  }
.LBB2_2:
0x1ca: {  	[tilespmem:s23], [sflag:$0x1] =	stream.linear.gather [hbm4b:s3+s23], $0x2800, $0x38;
	[tilespmem:$0xB180] =	vst v63  }
0x1cb: {  	_ = 	snop  }
0x1cc: {  	[tilespmem:s17], [sflag:$0x2] =	stream.linear.gather [hbm4b:s4+s23], $0x2800, $0x38;
	[tilespmem:$0xB180] =	vst v63  }
0x1cd: {  	_ = 	snop  }
0x1ce: {  	[tilespmem:s18], [sflag:$0x1] =	stream.linear.gather [hbm4b:s5+s23], $0x2800, $0x38;
	[tilespmem:$0xB180] =	vst v63  }
0x1cf: {  	_ = 	snop  }
0x1d0: {  	[tilespmem:s19], [sflag:$0x2] =	stream.linear.gather [hbm4b:s6+s23], $0x2800, $0x38;
	[tilespmem:$0xB180] =	vst v63  }
0x1d1: {  	_ = 	snop  }
0x1d2: {  	[tilespmem:s14], [sflag:$0x3] =	stream.linear.gather [hbm4b:s7+s23], $0x140, $0x38;
	[tilespmem:$0xB180] =	vst v63  }
0x1d3: {  	_ =	swait.ge [sflag:s13], $0x140  }
0x1d4: {  	[sflag:s13] =	ssyncset.done $0x0  }
0x1d5: {  	[sflag:s13] =	ssyncadd.s32 $0xFFFFFEC0  }
0x1d6: {  	_ =	swait.ge [sflag:s20], $0x2800  }
0x1d7: {  	[sflag:s20] =	ssyncset.done $0x0  }
0x1d8: {  	s24 =	simm.s32 $0x0;
	[sflag:s20] =	ssyncadd.s32 $0xFFFFD800  }
.LBB2_3:
0x1d9: {  	s25 =	sshll.u32 s24, $0xB  }
0x1da: {  	v20 =	vor.u32 s25, v16  }
0x1db: {  	v21 =	vor.u32 s25, v12;
	v23 =	vor.u32 s23, v20  }
0x1dc: {  	v22 =	vor.u32 s25, v8;
	v29 =	vor.u32 s23, v21  }
0x1dd: {  	s26 =	sshll.u32 s24, $0x4;
	v24 =	vor.u32 s25, v4;
	v30 =	vor.u32 s23, v22  }
0x1de: {  	s26 =	sand.u32 $0x3FFFFFF0, s26;
	v25 =	vor.u32 s25, v11;
	v31 =	vor.u32 s23, v24  }
0x1df: {  	v26 =	vor.u32 s25, v7;
	v19 =	vld [tilespmem:s26+$0xA000];
	v32 =	vor.u32 s23, v25  }
0x1e0: {  	v27 =	vor.u32 s25, v3;
	v33 =	vor.u32 s23, v26;
	v23 =	vld.idx.msk [tilespmem:v23+s2+$0x0], $0xffff  }
0x1e1: {  	v28 =	vor.u32 s25, v2;
	v34 =	vor.u32 s23, v27;
	v38 =	vld.idx.msk [tilespmem:v29+s2+$0x0], $0xffff  }
0x1e2: {  	v35 =	vor.u32 s23, v28;
	v29 =	vor.u32 s25, v1;
	v37 =	vld.idx.msk [tilespmem:v30+s2+$0x0], $0xffff  }
0x1e3: {  	v30 =	vor.u32 s25, v6;
	v39 =	vld.idx.msk [tilespmem:v31+s2+$0x0], $0xffff;
	v36 =	vor.u32 s23, v29  }
0x1e4: {  	v31 =	vor.u32 s25, v5;
	v43 =	vld.idx.msk [tilespmem:v32+s2+$0x0], $0xffff;
	v40 =	vor.u32 s23, v30  }
0x1e5: {  	v32 =	vor.u32 s25, v10;
	v44 =	vld.idx.msk [tilespmem:v33+s2+$0x0], $0xffff;
	v41 =	vor.u32 s23, v31  }
0x1e6: {  	v33 =	vor.u32 s25, v9;
	v42 =	vld.idx.msk [tilespmem:v34+s2+$0x0], $0xffff;
	v45 =	vor.u32 s23, v32  }
0x1e7: {  	v34 =	vor.u32 s25, v14;
	v46 =	vld.idx.msk [tilespmem:v35+s2+$0x0], $0xffff;
	v47 =	vor.u32 s23, v33  }
0x1e8: {  	v35 =	vor.u32 s25, v13;
	v49 =	vor.u32 s23, v34;
	v48 =	vld.idx.msk [tilespmem:v36+s2+$0x0], $0xffff  }
0x1e9: {  	v50 =	vor.u32 s23, v35;
	v36 =	vor.u32 s25, v15;
	v40 =	vld.idx.msk [tilespmem:v40+s2+$0x0], $0xffff  }
0x1ea: {  	s25 =	simm.s32 $0x10;
	v41 =	vld.idx.msk [tilespmem:v41+s2+$0x0], $0xffff;
	v51 =	vor.u32 s23, v36  }
0x1eb: {  	v53 =	vld.idx.msk [tilespmem:v45+s2+$0x0], $0xffff;
	v52 =	vor.u32 s25, v20  }
0x1ec: {  	v55 =	vld.idx.msk [tilespmem:v47+s2+$0x0], $0xffff;
	v54 =	vor.u32 s25, v21  }
0x1ed: {  	v61 =	vimm.f32 $0.0e+00;
	v57 =	vld.idx.msk [tilespmem:v49+s2+$0x0], $0xffff;
	v56 =	vor.u32 s25, v22  }
0x1ee: {  	v46 =	vadd.f32 v46, v61;
	v58 =	vld.idx.msk [tilespmem:v50+s2+$0x0], $0xffff;
	v49 =	vor.u32 s25, v24;
	v62 =	vadd.f32 v48, v61  }
0x1ef: {  	v63 =	vadd.f32 v42, v61;
	v60 =	vadd.f32 v39, v61;
	v59 =	vor.u32 s25, v25;
	v42 =	vld.idx.msk [tilespmem:v51+s2+$0x0], $0xffff  }
0x1f0: {  	v45 =	vor.u32 s25, v26;
	v40 =	vadd.f32 v40, v46;
	v39 =	vld.idx.msk [tilespmem:v52+s2+$0x0], $0xffff;
	v61 =	vadd.f32 v41, v62  }
0x1f1: {  	v44 =	vadd.f32 v44, v63;
	v46 =	vor.u32 s25, v27;
	v41 =	vld.idx.msk [tilespmem:v54+s2+$0x0], $0xffff;
	v62 =	vadd.f32 v37, v60  }
0x1f2: {  	v47 =	vor.u32 s25, v28;
	v37 =	vld.idx.msk [tilespmem:v56+s2+$0x0], $0xffff;
	v53 =	vadd.f32 v53, v40;
	v63 =	vadd.f32 v55, v61  }
0x1f3: {  	v50 =	vadd.f32 v43, v44;
	v48 =	vor.u32 s25, v29;
	v40 =	vld.idx.msk [tilespmem:v49+s2+$0x0], $0xffff;
	v51 =	vadd.f32 v38, v62  }
0x1f4: {  	s26 =	simm.s32 $0x20;
	v49 =	vor.u32 s25, v30;
	v38 =	vld.idx.msk [tilespmem:v59+s2+$0x0], $0xffff;
	v44 =	vadd.f32 v57, v53;
	v43 =	vadd.f32 v58, v63  }
.LBB2_4:
0x1f5: {  	p1 =	sne.s32 s26, $0x70;
	v52 =	vor.u32 s25, v31;
	v53 =	vld.idx.msk [tilespmem:v45+s2+$0x0], $0xffff;
	v42 =	vadd.f32 v42, v50;
	v45 =	vadd.f32 v23, v51  }
0x1f6: {  	v50 =	vor.u32 s25, v32;
	v23 =	vmov v39;
	v46 =	vld.idx.msk [tilespmem:v46+s2+$0x0], $0xffff  }
0x1f7: {  	v51 =	vmov v41;
	v39 =	vld.idx.msk [tilespmem:v47+s2+$0x0], $0xffff;
	v47 =	vor.u32 s25, v33  }
0x1f8: {  	v41 =	vld.idx.msk [tilespmem:v48+s2+$0x0], $0xffff;
	v48 =	vor.u32 s25, v34  }
0x1f9: {  	v54 =	vor.u32 s25, v35;
	v49 =	vld.idx.msk [tilespmem:v49+s2+$0x0], $0xffff  }
0x1fa: {  	v55 =	vor.u32 s25, v36;
	s25 =	smov.u32 s26;
	v52 =	vld.idx.msk [tilespmem:v52+s2+$0x0], $0xffff  }
0x1fb: {  	v56 =	vor.u32 s26, v20;
	v50 =	vld.idx.msk [tilespmem:v50+s2+$0x0], $0xffff  }
0x1fc: {  	v57 =	vor.u32 s26, v21;
	v58 =	vld.idx.msk [tilespmem:v47+s2+$0x0], $0xffff  }
0x1fd: {  	v59 =	vor.u32 s26, v22;
	v60 =	vld.idx.msk [tilespmem:v48+s2+$0x0], $0xffff  }
0x1fe: {  	v61 =	vor.u32 s26, v24;
	v41 =	vadd.f32 v41, v43;
	v43 =	vadd.f32 v39, v44;
	v44 =	vld.idx.msk [tilespmem:v54+s2+$0x0], $0xffff  }
0x1ff: {  	v40 =	vadd.f32 v40, v45;
	v47 =	vadd.f32 v46, v42;
	v54 =	vor.u32 s26, v25;
	v42 =	vld.idx.msk [tilespmem:v55+s2+$0x0], $0xffff  }
.Ltmp6:
0x200: {  	v45 =	vor.u32 s26, v26;
	v48 =	vadd.f32 v52, v41;
	v43 =	vadd.f32 v49, v43;
	v39 =	vld.idx.msk [tilespmem:v56+s2+$0x0], $0xffff;
	(pc) =	sbr.rel @p1 .LBB2_4-.Ltmp6, $4  }
0x201: {  	v46 =	vor.u32 s26, v27;
	v49 =	vadd.f32 v53, v47;
	v52 =	vadd.f32 v37, v40;
	v41 =	vld.idx.msk [tilespmem:v57+s2+$0x0], $0xffff  }
0x202: {  	v47 =	vor.u32 s26, v28;
	v53 =	vadd.f32 v58, v48;
	v55 =	vadd.f32 v50, v43;
	v37 =	vld.idx.msk [tilespmem:v59+s2+$0x0], $0xffff  }
0x203: {  	v48 =	vor.u32 s26, v29;
	v50 =	vadd.f32 v38, v49;
	v51 =	vadd.f32 v51, v52;
	v40 =	vld.idx.msk [tilespmem:v61+s2+$0x0], $0xffff  }
0x204: {  	v49 =	vor.u32 s25, v30;
	s26 =	sadd.s32 $0x10, s26;
	v43 =	vadd.f32 v44, v53;
	v44 =	vadd.f32 v60, v55;
	v38 =	vld.idx.msk [tilespmem:v54+s2+$0x0], $0xffff  }
0x205: {  	_ =	sdelay $0x3  }
0x206: {  	v20 =	vor.u32 s25, v31;
	v21 =	vld.idx.msk [tilespmem:v45+s2+$0x0], $0xffff  }
0x207: {  	v22 =	vld.idx.msk [tilespmem:v46+s2+$0x0], $0xffff;
	v24 =	vor.u32 s25, v32  }
0x208: {  	v25 =	vld.idx.msk [tilespmem:v47+s2+$0x0], $0xffff;
	v26 =	vor.u32 s25, v33  }
0x209: {  	v27 =	vld.idx.msk [tilespmem:v48+s2+$0x0], $0xffff;
	v28 =	vor.u32 s25, v34  }
0x20a: {  	v29 =	vld.idx.msk [tilespmem:v49+s2+$0x0], $0xffff;
	v60 =	vor.u32 s25, v36  }
0x20b: {  	v30 =	vor.u32 s25, v35;
	v20 =	vld.idx.msk [tilespmem:v20+s2+$0x0], $0xffff  }
0x20c: {  	v61 =	vadd.f32 v42, v50;
	v23 =	vadd.f32 v23, v51;
	v24 =	vld.idx.msk [tilespmem:v24+s2+$0x0], $0xffff  }
0x20d: {  	v26 =	vld.idx.msk [tilespmem:v26+s2+$0x0], $0xffff  }
0x20e: {  	v23 =	vadd.f32 v40, v23;
	v28 =	vld.idx.msk [tilespmem:v28+s2+$0x0], $0xffff;
	v22 =	vadd.f32 v22, v61  }
0x20f: {  	v27 =	vadd.f32 v27, v43;
	v25 =	vadd.f32 v25, v44;
	v31 =	vld.idx.msk [tilespmem:v60+s2+$0x0], $0xffff  }
0x210: {  	v30 =	vld.idx.msk [tilespmem:v30+s2+$0x0], $0xffff;
	v62 =	vadd.f32 v37, v23;
	v21 =	vadd.f32 v21, v22  }
0x211: {  	v25 =	vadd.f32 v29, v25;
	v20 =	vadd.f32 v20, v27  }
0x212: {  	v22 =	vadd.f32 v41, v62;
	v21 =	vadd.f32 v38, v21  }
0x213: {  	v63 =	vadd.f32 v24, v25;
	v20 =	vadd.f32 v26, v20  }
0x214: {  	v22 =	vadd.f32 v39, v22;
	v21 =	vadd.f32 v31, v21  }
0x215: {  	v23 =	vadd.f32 v28, v63;
	v20 =	vadd.f32 v30, v20  }
0x216: {  	v19 =	vadd.s32 v17, v19;
	s24 =	sadd.s32 $0x1, s24  }
0x217: {  	p1 =	sne.s32 s24, $0x5;
	v21 =	vadd.f32 v22, v21;
	v20 =	vadd.f32 v23, v20  }
.Ltmp7:
0x218: {  	_ = 	snop;
	(pc) =	sbr.rel @p1 .LBB2_3-.Ltmp7, $3  }
0x219: {  	v20 =	vadd.f32 v21, v20;
	_ =	sdelay $0x1  }
0x21a: {  	[tilespmem:v19+s15+$0x0] =	vst.idx.add.f32.msk $0xffff, v20  }
0x21b: {  	[tilespmem:v19+s16+$0x0] =	vst.idx.add.f32.msk $0xffff, v18  }
0x21c: {  	_ =	swait.ge [sflag:s21], $0x2800  }
0x21d: {  	[sflag:s21] =	ssyncset.done $0x0  }
0x21e: {  	s23 =	simm.s32 $0x5;
	[sflag:s21] =	ssyncadd.s32 $0xFFFFD800  }
.LBB2_7:
0x21f: {  	s24 =	sshll.u32 s23, $0xB  }
0x220: {  	s25 =	simm.s32 $0x0;
	v20 =	vor.u32 s24, v16  }
0x221: {  	v21 =	vor.u32 s24, v12;
	v23 =	vor.u32 s25, v20  }
0x222: {  	v22 =	vor.u32 s24, v8;
	v29 =	vor.u32 s25, v21  }
0x223: {  	s26 =	sshll.u32 s23, $0x4;
	v24 =	vor.u32 s24, v4;
	v30 =	vor.u32 s25, v22  }
0x224: {  	s26 =	sand.u32 $0x3FFFFFF0, s26;
	v25 =	vor.u32 s24, v11;
	v31 =	vor.u32 s25, v24  }
0x225: {  	v26 =	vor.u32 s24, v7;
	v19 =	vld [tilespmem:s26+$0xA000];
	v32 =	vor.u32 s25, v25  }
0x226: {  	v27 =	vor.u32 s24, v3;
	v33 =	vor.u32 s25, v26;
	v23 =	vld.idx.msk [tilespmem:v23+s2+$0x0], $0xffff  }
0x227: {  	v28 =	vor.u32 s24, v2;
	v34 =	vor.u32 s25, v27;
	v38 =	vld.idx.msk [tilespmem:v29+s2+$0x0], $0xffff  }
0x228: {  	v35 =	vor.u32 s25, v28;
	v29 =	vor.u32 s24, v1;
	v37 =	vld.idx.msk [tilespmem:v30+s2+$0x0], $0xffff  }
0x229: {  	v30 =	vor.u32 s24, v6;
	v39 =	vld.idx.msk [tilespmem:v31+s2+$0x0], $0xffff;
	v36 =	vor.u32 s25, v29  }
0x22a: {  	v31 =	vor.u32 s24, v5;
	v43 =	vld.idx.msk [tilespmem:v32+s2+$0x0], $0xffff;
	v40 =	vor.u32 s25, v30  }
0x22b: {  	v32 =	vor.u32 s24, v10;
	v44 =	vld.idx.msk [tilespmem:v33+s2+$0x0], $0xffff;
	v41 =	vor.u32 s25, v31  }
0x22c: {  	v33 =	vor.u32 s24, v9;
	v42 =	vld.idx.msk [tilespmem:v34+s2+$0x0], $0xffff;
	v45 =	vor.u32 s25, v32  }
0x22d: {  	v34 =	vor.u32 s24, v14;
	v46 =	vld.idx.msk [tilespmem:v35+s2+$0x0], $0xffff;
	v47 =	vor.u32 s25, v33  }
0x22e: {  	v35 =	vor.u32 s24, v13;
	v49 =	vor.u32 s25, v34;
	v48 =	vld.idx.msk [tilespmem:v36+s2+$0x0], $0xffff  }
0x22f: {  	v50 =	vor.u32 s25, v35;
	v36 =	vor.u32 s24, v15;
	v40 =	vld.idx.msk [tilespmem:v40+s2+$0x0], $0xffff  }
0x230: {  	s24 =	simm.s32 $0x10;
	v41 =	vld.idx.msk [tilespmem:v41+s2+$0x0], $0xffff;
	v51 =	vor.u32 s25, v36  }
0x231: {  	v53 =	vld.idx.msk [tilespmem:v45+s2+$0x0], $0xffff;
	v52 =	vor.u32 s24, v20  }
0x232: {  	v55 =	vld.idx.msk [tilespmem:v47+s2+$0x0], $0xffff;
	v54 =	vor.u32 s24, v21  }
0x233: {  	v61 =	vimm.f32 $0.0e+00;
	v57 =	vld.idx.msk [tilespmem:v49+s2+$0x0], $0xffff;
	v56 =	vor.u32 s24, v22  }
0x234: {  	v46 =	vadd.f32 v46, v61;
	v58 =	vld.idx.msk [tilespmem:v50+s2+$0x0], $0xffff;
	v49 =	vor.u32 s24, v24;
	v62 =	vadd.f32 v48, v61  }
0x235: {  	v63 =	vadd.f32 v42, v61;
	v60 =	vadd.f32 v39, v61;
	v59 =	vor.u32 s24, v25;
	v42 =	vld.idx.msk [tilespmem:v51+s2+$0x0], $0xffff  }
0x236: {  	v45 =	vor.u32 s24, v26;
	v40 =	vadd.f32 v40, v46;
	v39 =	vld.idx.msk [tilespmem:v52+s2+$0x0], $0xffff;
	v61 =	vadd.f32 v41, v62  }
0x237: {  	v44 =	vadd.f32 v44, v63;
	v46 =	vor.u32 s24, v27;
	v41 =	vld.idx.msk [tilespmem:v54+s2+$0x0], $0xffff;
	v62 =	vadd.f32 v37, v60  }
0x238: {  	v47 =	vor.u32 s24, v28;
	v37 =	vld.idx.msk [tilespmem:v56+s2+$0x0], $0xffff;
	v53 =	vadd.f32 v53, v40;
	v63 =	vadd.f32 v55, v61  }
0x239: {  	v50 =	vadd.f32 v43, v44;
	v48 =	vor.u32 s24, v29;
	v40 =	vld.idx.msk [tilespmem:v49+s2+$0x0], $0xffff;
	v51 =	vadd.f32 v38, v62  }
0x23a: {  	s25 =	simm.s32 $0x20;
	v49 =	vor.u32 s24, v30;
	v38 =	vld.idx.msk [tilespmem:v59+s2+$0x0], $0xffff;
	v44 =	vadd.f32 v57, v53;
	v43 =	vadd.f32 v58, v63  }
.LBB2_8:
0x23b: {  	p1 =	sne.s32 s25, $0x70;
	v52 =	vor.u32 s24, v31;
	v53 =	vld.idx.msk [tilespmem:v45+s2+$0x0], $0xffff;
	v42 =	vadd.f32 v42, v50;
	v45 =	vadd.f32 v23, v51  }
0x23c: {  	v50 =	vor.u32 s24, v32;
	v23 =	vmov v39;
	v46 =	vld.idx.msk [tilespmem:v46+s2+$0x0], $0xffff  }
0x23d: {  	v51 =	vmov v41;
	v39 =	vld.idx.msk [tilespmem:v47+s2+$0x0], $0xffff;
	v47 =	vor.u32 s24, v33  }
0x23e: {  	v41 =	vld.idx.msk [tilespmem:v48+s2+$0x0], $0xffff;
	v48 =	vor.u32 s24, v34  }
0x23f: {  	v54 =	vor.u32 s24, v35;
	v49 =	vld.idx.msk [tilespmem:v49+s2+$0x0], $0xffff  }
0x240: {  	v55 =	vor.u32 s24, v36;
	s24 =	smov.u32 s25;
	v52 =	vld.idx.msk [tilespmem:v52+s2+$0x0], $0xffff  }
0x241: {  	v56 =	vor.u32 s25, v20;
	v50 =	vld.idx.msk [tilespmem:v50+s2+$0x0], $0xffff  }
0x242: {  	v57 =	vor.u32 s25, v21;
	v58 =	vld.idx.msk [tilespmem:v47+s2+$0x0], $0xffff  }
0x243: {  	v59 =	vor.u32 s25, v22;
	v60 =	vld.idx.msk [tilespmem:v48+s2+$0x0], $0xffff  }
0x244: {  	v61 =	vor.u32 s25, v24;
	v41 =	vadd.f32 v41, v43;
	v43 =	vadd.f32 v39, v44;
	v44 =	vld.idx.msk [tilespmem:v54+s2+$0x0], $0xffff  }
0x245: {  	v40 =	vadd.f32 v40, v45;
	v47 =	vadd.f32 v46, v42;
	v54 =	vor.u32 s25, v25;
	v42 =	vld.idx.msk [tilespmem:v55+s2+$0x0], $0xffff  }
.Ltmp8:
0x246: {  	v45 =	vor.u32 s25, v26;
	v48 =	vadd.f32 v52, v41;
	v43 =	vadd.f32 v49, v43;
	v39 =	vld.idx.msk [tilespmem:v56+s2+$0x0], $0xffff;
	(pc) =	sbr.rel @p1 .LBB2_8-.Ltmp8, $4  }
0x247: {  	v46 =	vor.u32 s25, v27;
	v49 =	vadd.f32 v53, v47;
	v52 =	vadd.f32 v37, v40;
	v41 =	vld.idx.msk [tilespmem:v57+s2+$0x0], $0xffff  }
0x248: {  	v47 =	vor.u32 s25, v28;
	v53 =	vadd.f32 v58, v48;
	v55 =	vadd.f32 v50, v43;
	v37 =	vld.idx.msk [tilespmem:v59+s2+$0x0], $0xffff  }
0x249: {  	v48 =	vor.u32 s25, v29;
	v50 =	vadd.f32 v38, v49;
	v51 =	vadd.f32 v51, v52;
	v40 =	vld.idx.msk [tilespmem:v61+s2+$0x0], $0xffff  }
0x24a: {  	v49 =	vor.u32 s24, v30;
	s25 =	sadd.s32 $0x10, s25;
	v43 =	vadd.f32 v44, v53;
	v44 =	vadd.f32 v60, v55;
	v38 =	vld.idx.msk [tilespmem:v54+s2+$0x0], $0xffff  }
0x24b: {  	_ =	sdelay $0x3  }
0x24c: {  	v20 =	vor.u32 s24, v31;
	v21 =	vld.idx.msk [tilespmem:v45+s2+$0x0], $0xffff  }
0x24d: {  	v22 =	vld.idx.msk [tilespmem:v46+s2+$0x0], $0xffff;
	v24 =	vor.u32 s24, v32  }
0x24e: {  	v25 =	vld.idx.msk [tilespmem:v47+s2+$0x0], $0xffff;
	v26 =	vor.u32 s24, v33  }
0x24f: {  	v27 =	vld.idx.msk [tilespmem:v48+s2+$0x0], $0xffff;
	v28 =	vor.u32 s24, v34  }
0x250: {  	v29 =	vld.idx.msk [tilespmem:v49+s2+$0x0], $0xffff;
	v60 =	vor.u32 s24, v36  }
0x251: {  	v30 =	vor.u32 s24, v35;
	v20 =	vld.idx.msk [tilespmem:v20+s2+$0x0], $0xffff  }
0x252: {  	v61 =	vadd.f32 v42, v50;
	v23 =	vadd.f32 v23, v51;
	v24 =	vld.idx.msk [tilespmem:v24+s2+$0x0], $0xffff  }
0x253: {  	v26 =	vld.idx.msk [tilespmem:v26+s2+$0x0], $0xffff  }
0x254: {  	v23 =	vadd.f32 v40, v23;
	v28 =	vld.idx.msk [tilespmem:v28+s2+$0x0], $0xffff;
	v22 =	vadd.f32 v22, v61  }
0x255: {  	v27 =	vadd.f32 v27, v43;
	v25 =	vadd.f32 v25, v44;
	v31 =	vld.idx.msk [tilespmem:v60+s2+$0x0], $0xffff  }
0x256: {  	v30 =	vld.idx.msk [tilespmem:v30+s2+$0x0], $0xffff;
	v62 =	vadd.f32 v37, v23;
	v21 =	vadd.f32 v21, v22  }
0x257: {  	v25 =	vadd.f32 v29, v25;
	v20 =	vadd.f32 v20, v27  }
0x258: {  	v22 =	vadd.f32 v41, v62;
	v21 =	vadd.f32 v38, v21  }
0x259: {  	v63 =	vadd.f32 v24, v25;
	v20 =	vadd.f32 v26, v20  }
0x25a: {  	v22 =	vadd.f32 v39, v22;
	v21 =	vadd.f32 v31, v21  }
0x25b: {  	v23 =	vadd.f32 v28, v63;
	v20 =	vadd.f32 v30, v20  }
0x25c: {  	v19 =	vadd.s32 v17, v19;
	s23 =	sadd.s32 $0x1, s23  }
0x25d: {  	p1 =	sne.s32 s23, $0xA;
	v21 =	vadd.f32 v22, v21;
	v20 =	vadd.f32 v23, v20  }
.Ltmp9:
0x25e: {  	_ = 	snop;
	(pc) =	sbr.rel @p1 .LBB2_7-.Ltmp9, $3  }
0x25f: {  	v20 =	vadd.f32 v21, v20;
	_ =	sdelay $0x1  }
0x260: {  	[tilespmem:v19+s15+$0x0] =	vst.idx.add.f32.msk $0xffff, v20  }
0x261: {  	[tilespmem:v19+s16+$0x0] =	vst.idx.add.f32.msk $0xffff, v18  }
0x262: {  	_ =	swait.ge [sflag:s20], $0x2800  }
0x263: {  	[sflag:s20] =	ssyncset.done $0x0  }
0x264: {  	s23 =	simm.s32 $0xA;
	[sflag:s20] =	ssyncadd.s32 $0xFFFFD800  }
.LBB2_11:
0x265: {  	s24 =	sshll.u32 s23, $0xB  }
0x266: {  	s25 =	simm.s32 $0x0;
	v20 =	vor.u32 s24, v16  }
0x267: {  	v21 =	vor.u32 s24, v12;
	v23 =	vor.u32 s25, v20  }
0x268: {  	v22 =	vor.u32 s24, v8;
	v29 =	vor.u32 s25, v21  }
0x269: {  	s26 =	sshll.u32 s23, $0x4;
	v24 =	vor.u32 s24, v4;
	v30 =	vor.u32 s25, v22  }
0x26a: {  	s26 =	sand.u32 $0x3FFFFFF0, s26;
	v25 =	vor.u32 s24, v11;
	v31 =	vor.u32 s25, v24  }
0x26b: {  	v26 =	vor.u32 s24, v7;
	v19 =	vld [tilespmem:s26+$0xA000];
	v32 =	vor.u32 s25, v25  }
0x26c: {  	v27 =	vor.u32 s24, v3;
	v33 =	vor.u32 s25, v26;
	v23 =	vld.idx.msk [tilespmem:v23+s2+$0x0], $0xffff  }
0x26d: {  	v28 =	vor.u32 s24, v2;
	v34 =	vor.u32 s25, v27;
	v38 =	vld.idx.msk [tilespmem:v29+s2+$0x0], $0xffff  }
0x26e: {  	v35 =	vor.u32 s25, v28;
	v29 =	vor.u32 s24, v1;
	v37 =	vld.idx.msk [tilespmem:v30+s2+$0x0], $0xffff  }
0x26f: {  	v30 =	vor.u32 s24, v6;
	v39 =	vld.idx.msk [tilespmem:v31+s2+$0x0], $0xffff;
	v36 =	vor.u32 s25, v29  }
0x270: {  	v31 =	vor.u32 s24, v5;
	v43 =	vld.idx.msk [tilespmem:v32+s2+$0x0], $0xffff;
	v40 =	vor.u32 s25, v30  }
0x271: {  	v32 =	vor.u32 s24, v10;
	v44 =	vld.idx.msk [tilespmem:v33+s2+$0x0], $0xffff;
	v41 =	vor.u32 s25, v31  }
0x272: {  	v33 =	vor.u32 s24, v9;
	v42 =	vld.idx.msk [tilespmem:v34+s2+$0x0], $0xffff;
	v45 =	vor.u32 s25, v32  }
0x273: {  	v34 =	vor.u32 s24, v14;
	v46 =	vld.idx.msk [tilespmem:v35+s2+$0x0], $0xffff;
	v47 =	vor.u32 s25, v33  }
0x274: {  	v35 =	vor.u32 s24, v13;
	v49 =	vor.u32 s25, v34;
	v48 =	vld.idx.msk [tilespmem:v36+s2+$0x0], $0xffff  }
0x275: {  	v50 =	vor.u32 s25, v35;
	v36 =	vor.u32 s24, v15;
	v40 =	vld.idx.msk [tilespmem:v40+s2+$0x0], $0xffff  }
0x276: {  	s24 =	simm.s32 $0x10;
	v41 =	vld.idx.msk [tilespmem:v41+s2+$0x0], $0xffff;
	v51 =	vor.u32 s25, v36  }
0x277: {  	v53 =	vld.idx.msk [tilespmem:v45+s2+$0x0], $0xffff;
	v52 =	vor.u32 s24, v20  }
0x278: {  	v55 =	vld.idx.msk [tilespmem:v47+s2+$0x0], $0xffff;
	v54 =	vor.u32 s24, v21  }
0x279: {  	v61 =	vimm.f32 $0.0e+00;
	v57 =	vld.idx.msk [tilespmem:v49+s2+$0x0], $0xffff;
	v56 =	vor.u32 s24, v22  }
0x27a: {  	v46 =	vadd.f32 v46, v61;
	v58 =	vld.idx.msk [tilespmem:v50+s2+$0x0], $0xffff;
	v49 =	vor.u32 s24, v24;
	v62 =	vadd.f32 v48, v61  }
0x27b: {  	v63 =	vadd.f32 v42, v61;
	v60 =	vadd.f32 v39, v61;
	v59 =	vor.u32 s24, v25;
	v42 =	vld.idx.msk [tilespmem:v51+s2+$0x0], $0xffff  }
0x27c: {  	v45 =	vor.u32 s24, v26;
	v40 =	vadd.f32 v40, v46;
	v39 =	vld.idx.msk [tilespmem:v52+s2+$0x0], $0xffff;
	v61 =	vadd.f32 v41, v62  }
0x27d: {  	v44 =	vadd.f32 v44, v63;
	v46 =	vor.u32 s24, v27;
	v41 =	vld.idx.msk [tilespmem:v54+s2+$0x0], $0xffff;
	v62 =	vadd.f32 v37, v60  }
0x27e: {  	v47 =	vor.u32 s24, v28;
	v37 =	vld.idx.msk [tilespmem:v56+s2+$0x0], $0xffff;
	v53 =	vadd.f32 v53, v40;
	v63 =	vadd.f32 v55, v61  }
0x27f: {  	v50 =	vadd.f32 v43, v44;
	v48 =	vor.u32 s24, v29;
	v40 =	vld.idx.msk [tilespmem:v49+s2+$0x0], $0xffff;
	v51 =	vadd.f32 v38, v62  }
0x280: {  	s25 =	simm.s32 $0x20;
	v49 =	vor.u32 s24, v30;
	v38 =	vld.idx.msk [tilespmem:v59+s2+$0x0], $0xffff;
	v44 =	vadd.f32 v57, v53;
	v43 =	vadd.f32 v58, v63  }
.LBB2_12:
0x281: {  	p1 =	sne.s32 s25, $0x70;
	v52 =	vor.u32 s24, v31;
	v53 =	vld.idx.msk [tilespmem:v45+s2+$0x0], $0xffff;
	v42 =	vadd.f32 v42, v50;
	v45 =	vadd.f32 v23, v51  }
0x282: {  	v50 =	vor.u32 s24, v32;
	v23 =	vmov v39;
	v46 =	vld.idx.msk [tilespmem:v46+s2+$0x0], $0xffff  }
0x283: {  	v51 =	vmov v41;
	v39 =	vld.idx.msk [tilespmem:v47+s2+$0x0], $0xffff;
	v47 =	vor.u32 s24, v33  }
0x284: {  	v41 =	vld.idx.msk [tilespmem:v48+s2+$0x0], $0xffff;
	v48 =	vor.u32 s24, v34  }
0x285: {  	v54 =	vor.u32 s24, v35;
	v49 =	vld.idx.msk [tilespmem:v49+s2+$0x0], $0xffff  }
0x286: {  	v55 =	vor.u32 s24, v36;
	s24 =	smov.u32 s25;
	v52 =	vld.idx.msk [tilespmem:v52+s2+$0x0], $0xffff  }
0x287: {  	v56 =	vor.u32 s25, v20;
	v50 =	vld.idx.msk [tilespmem:v50+s2+$0x0], $0xffff  }
0x288: {  	v57 =	vor.u32 s25, v21;
	v58 =	vld.idx.msk [tilespmem:v47+s2+$0x0], $0xffff  }
0x289: {  	v59 =	vor.u32 s25, v22;
	v60 =	vld.idx.msk [tilespmem:v48+s2+$0x0], $0xffff  }
0x28a: {  	v61 =	vor.u32 s25, v24;
	v41 =	vadd.f32 v41, v43;
	v43 =	vadd.f32 v39, v44;
	v44 =	vld.idx.msk [tilespmem:v54+s2+$0x0], $0xffff  }
0x28b: {  	v40 =	vadd.f32 v40, v45;
	v47 =	vadd.f32 v46, v42;
	v54 =	vor.u32 s25, v25;
	v42 =	vld.idx.msk [tilespmem:v55+s2+$0x0], $0xffff  }
.Ltmp10:
0x28c: {  	v45 =	vor.u32 s25, v26;
	v48 =	vadd.f32 v52, v41;
	v43 =	vadd.f32 v49, v43;
	v39 =	vld.idx.msk [tilespmem:v56+s2+$0x0], $0xffff;
	(pc) =	sbr.rel @p1 .LBB2_12-.Ltmp10, $4  }
0x28d: {  	v46 =	vor.u32 s25, v27;
	v49 =	vadd.f32 v53, v47;
	v52 =	vadd.f32 v37, v40;
	v41 =	vld.idx.msk [tilespmem:v57+s2+$0x0], $0xffff  }
0x28e: {  	v47 =	vor.u32 s25, v28;
	v53 =	vadd.f32 v58, v48;
	v55 =	vadd.f32 v50, v43;
	v37 =	vld.idx.msk [tilespmem:v59+s2+$0x0], $0xffff  }
0x28f: {  	v48 =	vor.u32 s25, v29;
	v50 =	vadd.f32 v38, v49;
	v51 =	vadd.f32 v51, v52;
	v40 =	vld.idx.msk [tilespmem:v61+s2+$0x0], $0xffff  }
0x290: {  	v49 =	vor.u32 s24, v30;
	s25 =	sadd.s32 $0x10, s25;
	v43 =	vadd.f32 v44, v53;
	v44 =	vadd.f32 v60, v55;
	v38 =	vld.idx.msk [tilespmem:v54+s2+$0x0], $0xffff  }
0x291: {  	_ =	sdelay $0x3  }
0x292: {  	v20 =	vor.u32 s24, v31;
	v21 =	vld.idx.msk [tilespmem:v45+s2+$0x0], $0xffff  }
0x293: {  	v22 =	vld.idx.msk [tilespmem:v46+s2+$0x0], $0xffff;
	v24 =	vor.u32 s24, v32  }
0x294: {  	v25 =	vld.idx.msk [tilespmem:v47+s2+$0x0], $0xffff;
	v26 =	vor.u32 s24, v33  }
0x295: {  	v27 =	vld.idx.msk [tilespmem:v48+s2+$0x0], $0xffff;
	v28 =	vor.u32 s24, v34  }
0x296: {  	v29 =	vld.idx.msk [tilespmem:v49+s2+$0x0], $0xffff;
	v60 =	vor.u32 s24, v36  }
0x297: {  	v30 =	vor.u32 s24, v35;
	v20 =	vld.idx.msk [tilespmem:v20+s2+$0x0], $0xffff  }
0x298: {  	v61 =	vadd.f32 v42, v50;
	v23 =	vadd.f32 v23, v51;
	v24 =	vld.idx.msk [tilespmem:v24+s2+$0x0], $0xffff  }
0x299: {  	v26 =	vld.idx.msk [tilespmem:v26+s2+$0x0], $0xffff  }
0x29a: {  	v23 =	vadd.f32 v40, v23;
	v28 =	vld.idx.msk [tilespmem:v28+s2+$0x0], $0xffff;
	v22 =	vadd.f32 v22, v61  }
0x29b: {  	v27 =	vadd.f32 v27, v43;
	v25 =	vadd.f32 v25, v44;
	v31 =	vld.idx.msk [tilespmem:v60+s2+$0x0], $0xffff  }
0x29c: {  	v30 =	vld.idx.msk [tilespmem:v30+s2+$0x0], $0xffff;
	v62 =	vadd.f32 v37, v23;
	v21 =	vadd.f32 v21, v22  }
0x29d: {  	v25 =	vadd.f32 v29, v25;
	v20 =	vadd.f32 v20, v27  }
0x29e: {  	v22 =	vadd.f32 v41, v62;
	v21 =	vadd.f32 v38, v21  }
0x29f: {  	v63 =	vadd.f32 v24, v25;
	v20 =	vadd.f32 v26, v20  }
0x2a0: {  	v22 =	vadd.f32 v39, v22;
	v21 =	vadd.f32 v31, v21  }
0x2a1: {  	v23 =	vadd.f32 v28, v63;
	v20 =	vadd.f32 v30, v20  }
0x2a2: {  	v19 =	vadd.s32 v17, v19;
	s23 =	sadd.s32 $0x1, s23  }
0x2a3: {  	p1 =	sne.s32 s23, $0xF;
	v21 =	vadd.f32 v22, v21;
	v20 =	vadd.f32 v23, v20  }
.Ltmp11:
0x2a4: {  	_ = 	snop;
	(pc) =	sbr.rel @p1 .LBB2_11-.Ltmp11, $3  }
0x2a5: {  	v20 =	vadd.f32 v21, v20;
	_ =	sdelay $0x1  }
0x2a6: {  	[tilespmem:v19+s15+$0x0] =	vst.idx.add.f32.msk $0xffff, v20  }
0x2a7: {  	[tilespmem:v19+s16+$0x0] =	vst.idx.add.f32.msk $0xffff, v18  }
0x2a8: {  	_ =	swait.ge [sflag:s21], $0x2800  }
0x2a9: {  	[sflag:s21] =	ssyncset.done $0x0  }
0x2aa: {  	s23 =	simm.s32 $0xF;
	[sflag:s21] =	ssyncadd.s32 $0xFFFFD800  }
.LBB2_15:
0x2ab: {  	s24 =	sshll.u32 s23, $0xB  }
0x2ac: {  	s25 =	simm.s32 $0x0;
	v20 =	vor.u32 s24, v16  }
0x2ad: {  	v21 =	vor.u32 s24, v12;
	v23 =	vor.u32 s25, v20  }
0x2ae: {  	v22 =	vor.u32 s24, v8;
	v29 =	vor.u32 s25, v21  }
0x2af: {  	s26 =	sshll.u32 s23, $0x4;
	v24 =	vor.u32 s24, v4;
	v30 =	vor.u32 s25, v22  }
0x2b0: {  	s26 =	sand.u32 $0x3FFFFFF0, s26;
	v25 =	vor.u32 s24, v11;
	v31 =	vor.u32 s25, v24  }
0x2b1: {  	v26 =	vor.u32 s24, v7;
	v19 =	vld [tilespmem:s26+$0xA000];
	v32 =	vor.u32 s25, v25  }
0x2b2: {  	v27 =	vor.u32 s24, v3;
	v33 =	vor.u32 s25, v26;
	v23 =	vld.idx.msk [tilespmem:v23+s2+$0x0], $0xffff  }
0x2b3: {  	v28 =	vor.u32 s24, v2;
	v34 =	vor.u32 s25, v27;
	v38 =	vld.idx.msk [tilespmem:v29+s2+$0x0], $0xffff  }
0x2b4: {  	v35 =	vor.u32 s25, v28;
	v29 =	vor.u32 s24, v1;
	v37 =	vld.idx.msk [tilespmem:v30+s2+$0x0], $0xffff  }
0x2b5: {  	v30 =	vor.u32 s24, v6;
	v39 =	vld.idx.msk [tilespmem:v31+s2+$0x0], $0xffff;
	v36 =	vor.u32 s25, v29  }
0x2b6: {  	v31 =	vor.u32 s24, v5;
	v43 =	vld.idx.msk [tilespmem:v32+s2+$0x0], $0xffff;
	v40 =	vor.u32 s25, v30  }
0x2b7: {  	v32 =	vor.u32 s24, v10;
	v44 =	vld.idx.msk [tilespmem:v33+s2+$0x0], $0xffff;
	v41 =	vor.u32 s25, v31  }
0x2b8: {  	v33 =	vor.u32 s24, v9;
	v42 =	vld.idx.msk [tilespmem:v34+s2+$0x0], $0xffff;
	v45 =	vor.u32 s25, v32  }
0x2b9: {  	v34 =	vor.u32 s24, v14;
	v46 =	vld.idx.msk [tilespmem:v35+s2+$0x0], $0xffff;
	v47 =	vor.u32 s25, v33  }
0x2ba: {  	v35 =	vor.u32 s24, v13;
	v49 =	vor.u32 s25, v34;
	v48 =	vld.idx.msk [tilespmem:v36+s2+$0x0], $0xffff  }
0x2bb: {  	v50 =	vor.u32 s25, v35;
	v36 =	vor.u32 s24, v15;
	v40 =	vld.idx.msk [tilespmem:v40+s2+$0x0], $0xffff  }
0x2bc: {  	s24 =	simm.s32 $0x10;
	v41 =	vld.idx.msk [tilespmem:v41+s2+$0x0], $0xffff;
	v51 =	vor.u32 s25, v36  }
0x2bd: {  	v53 =	vld.idx.msk [tilespmem:v45+s2+$0x0], $0xffff;
	v52 =	vor.u32 s24, v20  }
0x2be: {  	v55 =	vld.idx.msk [tilespmem:v47+s2+$0x0], $0xffff;
	v54 =	vor.u32 s24, v21  }
0x2bf: {  	v61 =	vimm.f32 $0.0e+00;
	v57 =	vld.idx.msk [tilespmem:v49+s2+$0x0], $0xffff;
	v56 =	vor.u32 s24, v22  }
0x2c0: {  	v46 =	vadd.f32 v46, v61;
	v58 =	vld.idx.msk [tilespmem:v50+s2+$0x0], $0xffff;
	v49 =	vor.u32 s24, v24;
	v62 =	vadd.f32 v48, v61  }
0x2c1: {  	v63 =	vadd.f32 v42, v61;
	v60 =	vadd.f32 v39, v61;
	v59 =	vor.u32 s24, v25;
	v42 =	vld.idx.msk [tilespmem:v51+s2+$0x0], $0xffff  }
0x2c2: {  	v45 =	vor.u32 s24, v26;
	v40 =	vadd.f32 v40, v46;
	v39 =	vld.idx.msk [tilespmem:v52+s2+$0x0], $0xffff;
	v61 =	vadd.f32 v41, v62  }
0x2c3: {  	v44 =	vadd.f32 v44, v63;
	v46 =	vor.u32 s24, v27;
	v41 =	vld.idx.msk [tilespmem:v54+s2+$0x0], $0xffff;
	v62 =	vadd.f32 v37, v60  }
0x2c4: {  	v47 =	vor.u32 s24, v28;
	v37 =	vld.idx.msk [tilespmem:v56+s2+$0x0], $0xffff;
	v53 =	vadd.f32 v53, v40;
	v63 =	vadd.f32 v55, v61  }
0x2c5: {  	v50 =	vadd.f32 v43, v44;
	v48 =	vor.u32 s24, v29;
	v40 =	vld.idx.msk [tilespmem:v49+s2+$0x0], $0xffff;
	v51 =	vadd.f32 v38, v62  }
0x2c6: {  	s25 =	simm.s32 $0x20;
	v49 =	vor.u32 s24, v30;
	v38 =	vld.idx.msk [tilespmem:v59+s2+$0x0], $0xffff;
	v44 =	vadd.f32 v57, v53;
	v43 =	vadd.f32 v58, v63  }
.LBB2_16:
0x2c7: {  	p1 =	sne.s32 s25, $0x70;
	v52 =	vor.u32 s24, v31;
	v53 =	vld.idx.msk [tilespmem:v45+s2+$0x0], $0xffff;
	v42 =	vadd.f32 v42, v50;
	v45 =	vadd.f32 v23, v51  }
0x2c8: {  	v50 =	vor.u32 s24, v32;
	v23 =	vmov v39;
	v46 =	vld.idx.msk [tilespmem:v46+s2+$0x0], $0xffff  }
0x2c9: {  	v51 =	vmov v41;
	v39 =	vld.idx.msk [tilespmem:v47+s2+$0x0], $0xffff;
	v47 =	vor.u32 s24, v33  }
0x2ca: {  	v41 =	vld.idx.msk [tilespmem:v48+s2+$0x0], $0xffff;
	v48 =	vor.u32 s24, v34  }
0x2cb: {  	v54 =	vor.u32 s24, v35;
	v49 =	vld.idx.msk [tilespmem:v49+s2+$0x0], $0xffff  }
0x2cc: {  	v55 =	vor.u32 s24, v36;
	s24 =	smov.u32 s25;
	v52 =	vld.idx.msk [tilespmem:v52+s2+$0x0], $0xffff  }
0x2cd: {  	v56 =	vor.u32 s25, v20;
	v50 =	vld.idx.msk [tilespmem:v50+s2+$0x0], $0xffff  }
0x2ce: {  	v57 =	vor.u32 s25, v21;
	v58 =	vld.idx.msk [tilespmem:v47+s2+$0x0], $0xffff  }
0x2cf: {  	v59 =	vor.u32 s25, v22;
	v60 =	vld.idx.msk [tilespmem:v48+s2+$0x0], $0xffff  }
0x2d0: {  	v61 =	vor.u32 s25, v24;
	v41 =	vadd.f32 v41, v43;
	v43 =	vadd.f32 v39, v44;
	v44 =	vld.idx.msk [tilespmem:v54+s2+$0x0], $0xffff  }
0x2d1: {  	v40 =	vadd.f32 v40, v45;
	v47 =	vadd.f32 v46, v42;
	v54 =	vor.u32 s25, v25;
	v42 =	vld.idx.msk [tilespmem:v55+s2+$0x0], $0xffff  }
.Ltmp12:
0x2d2: {  	v45 =	vor.u32 s25, v26;
	v48 =	vadd.f32 v52, v41;
	v43 =	vadd.f32 v49, v43;
	v39 =	vld.idx.msk [tilespmem:v56+s2+$0x0], $0xffff;
	(pc) =	sbr.rel @p1 .LBB2_16-.Ltmp12, $4  }
0x2d3: {  	v46 =	vor.u32 s25, v27;
	v49 =	vadd.f32 v53, v47;
	v52 =	vadd.f32 v37, v40;
	v41 =	vld.idx.msk [tilespmem:v57+s2+$0x0], $0xffff  }
0x2d4: {  	v47 =	vor.u32 s25, v28;
	v53 =	vadd.f32 v58, v48;
	v55 =	vadd.f32 v50, v43;
	v37 =	vld.idx.msk [tilespmem:v59+s2+$0x0], $0xffff  }
0x2d5: {  	v48 =	vor.u32 s25, v29;
	v50 =	vadd.f32 v38, v49;
	v51 =	vadd.f32 v51, v52;
	v40 =	vld.idx.msk [tilespmem:v61+s2+$0x0], $0xffff  }
0x2d6: {  	v49 =	vor.u32 s24, v30;
	s25 =	sadd.s32 $0x10, s25;
	v43 =	vadd.f32 v44, v53;
	v44 =	vadd.f32 v60, v55;
	v38 =	vld.idx.msk [tilespmem:v54+s2+$0x0], $0xffff  }
0x2d7: {  	_ =	sdelay $0x3  }
0x2d8: {  	v20 =	vor.u32 s24, v31;
	v21 =	vld.idx.msk [tilespmem:v45+s2+$0x0], $0xffff  }
0x2d9: {  	v22 =	vld.idx.msk [tilespmem:v46+s2+$0x0], $0xffff;
	v24 =	vor.u32 s24, v32  }
0x2da: {  	v25 =	vld.idx.msk [tilespmem:v47+s2+$0x0], $0xffff;
	v26 =	vor.u32 s24, v33  }
0x2db: {  	v27 =	vld.idx.msk [tilespmem:v48+s2+$0x0], $0xffff;
	v28 =	vor.u32 s24, v34  }
0x2dc: {  	v29 =	vld.idx.msk [tilespmem:v49+s2+$0x0], $0xffff;
	v60 =	vor.u32 s24, v36  }
0x2dd: {  	v30 =	vor.u32 s24, v35;
	v20 =	vld.idx.msk [tilespmem:v20+s2+$0x0], $0xffff  }
0x2de: {  	v61 =	vadd.f32 v42, v50;
	v23 =	vadd.f32 v23, v51;
	v24 =	vld.idx.msk [tilespmem:v24+s2+$0x0], $0xffff  }
0x2df: {  	v26 =	vld.idx.msk [tilespmem:v26+s2+$0x0], $0xffff  }
0x2e0: {  	v23 =	vadd.f32 v40, v23;
	v28 =	vld.idx.msk [tilespmem:v28+s2+$0x0], $0xffff;
	v22 =	vadd.f32 v22, v61  }
0x2e1: {  	v27 =	vadd.f32 v27, v43;
	v25 =	vadd.f32 v25, v44;
	v31 =	vld.idx.msk [tilespmem:v60+s2+$0x0], $0xffff  }
0x2e2: {  	v30 =	vld.idx.msk [tilespmem:v30+s2+$0x0], $0xffff;
	v62 =	vadd.f32 v37, v23;
	v21 =	vadd.f32 v21, v22  }
0x2e3: {  	v25 =	vadd.f32 v29, v25;
	v20 =	vadd.f32 v20, v27  }
0x2e4: {  	v22 =	vadd.f32 v41, v62;
	v21 =	vadd.f32 v38, v21  }
0x2e5: {  	v63 =	vadd.f32 v24, v25;
	v20 =	vadd.f32 v26, v20  }
0x2e6: {  	v22 =	vadd.f32 v39, v22;
	v21 =	vadd.f32 v31, v21  }
0x2e7: {  	v23 =	vadd.f32 v28, v63;
	v20 =	vadd.f32 v30, v20  }
0x2e8: {  	v19 =	vadd.s32 v17, v19;
	s23 =	sadd.s32 $0x1, s23  }
0x2e9: {  	p1 =	seq.s32 s23, $0x14;
	v21 =	vadd.f32 v22, v21;
	v20 =	vadd.f32 v23, v20  }
.Ltmp13:
0x2ea: {  	_ = 	snop;
	(pc) =	sbr.rel @!p1 .LBB2_15-.Ltmp13, $4  }
.Ltmp14:
0x2eb: {  	v20 =	vadd.f32 v21, v20;
	(pc) =	sbr.rel @p1 .LBB2_22-.Ltmp14, $4  }
0x2ec: {  	_ = 	snop  }
0x2ed: {  	[tilespmem:v19+s15+$0x0] =	vst.idx.add.f32.msk $0xffff, v20  }
0x2ee: {  	[tilespmem:v19+s16+$0x0] =	vst.idx.add.f32.msk $0xffff, v18  }
0x2ef: {  	_ = 	snop  }
.LBB2_23:
0x2f0: {  	_ =	sfence.sel $0x180000  }
0x2f1: {  	[bflag:$0x0] =	sbarrier.arrive $0xFFFF  }
0x2f2: {  	p0 =	sne.s32 s0, $0x0;
	_ =	strace $0x90000047  }
0x2f3: {  	s0 =	sadd.s32 @!p0 $0x100000, s1;
	[bflag:$0x2] =	sbarrier.arrive $0xFFFF  }
0x2f4: {  	[sflag:s0] =	ssyncadd.tile.s32 @!p0 $0x1;
	_ =	shalt  }
.Lfunc_end2:
_tile_overlayer_lowered:
.L_overlay_start_2:
0x2f5: {  	(tag) =	ssettag $0x2  }
0x2f6: {  	s0 =	rddreg [dreg:$0x0];
	s2 =	stileid.u32  }
0x2f7: {  	s1 =	rddreg [dreg:$0x1];
	p0 =	sne.s32 s2, $0x0  }
0x2f8: {  	s3 =	rddreg [dreg:$0x2];
	[bflag:$0x3] =	sbarrier.arrive $0xFFFF;
	s2 =	simm.s32 @!p0 $0x1C03  }
0x2f9: {  	[timem:s3], [sflag:s2] =	dma.local @!p0 [hbm:s0], s1  }
0x2fa: {  	s0 =	simm.s32 @!p0 $0x3  }
0x2fb: {  	_ =	swait.ge @!p0 [sflag:s0], s1  }
0x2fc: {  	s1 =	ssub.s32 @!p0 $0x0, s1;
	[sflag:s0] =	ssyncset.done @!p0 $0x0  }
0x2fd: {  	[sflag:s0] =	ssyncadd.s32 @!p0 s1  }
0x2fe: {  	[bflag:$0x3] =	sbarrier.arrive $0xFFFF  }
0x2ff: {  	_ =	shalt  }

</sc_bundles>
